<compile_context>
chip_gen: v7x
topology: tpu7x:2x2x1
jax: 0.10.2.dev20260603
libtpu: 0.0.44.dev20260713+nightly
codegen_flags: <defaults>
</compile_context>

<pallas_src>
import functools

import jax
import jax.numpy as jnp
from jax import lax
from jax.experimental import pallas as pl
from jax.experimental.pallas import tpu as pltpu
from jax.experimental.pallas import tpu_sc as plsc

N = 320000
D = 128
S = 10000

_NT = 16
_NW = 32
_CH = N // _NW
_PR = 400
_NP = _CH // _PR
_SPAD = 10240
_SLC = _SPAD // _NT
_L = 16

_mesh = plsc.VectorSubcoreMesh(core_axis_name="c", subcore_axis_name="s")
_params = pltpu.CompilerParams(needs_layout_passes=False)


@functools.partial(
    pl.kernel,
    out_type=[
        jax.ShapeDtypeStruct((N,), jnp.float32),
        jax.ShapeDtypeStruct((_NW, _SPAD), jnp.float32),
        jax.ShapeDtypeStruct((_NW, _SPAD), jnp.float32),
    ],
    mesh=_mesh,
    scratch_types=[
        pltpu.VMEM((2, _PR, D), jnp.float32),
        pltpu.VMEM((2 * _PR,), jnp.int32),
        pltpu.VMEM((2 * _PR,), jnp.float32),
        pltpu.VMEM((D,), jnp.float32),
        pltpu.VMEM((_SPAD,), jnp.float32),
        pltpu.VMEM((_SPAD,), jnp.float32),
        pltpu.SemaphoreType.DMA,
        pltpu.SemaphoreType.DMA,
        pltpu.SemaphoreType.DMA,
    ],
    compiler_params=_params,
)
def _sc_mv_scatter(ids_hbm, p1_hbm, w_hbm, q_hbm, sums_hbm, cnts_hbm,
                   pbuf, idbuf, qbuf, w_v, lsum, lcnt, sem_p, sem_i, sem_q):
    cid = lax.axis_index("c")
    sid = lax.axis_index("s")
    wid = sid * 2 + cid
    row0 = wid * _CH

    pltpu.async_copy(w_hbm, w_v, sem_q)
    pltpu.async_copy(p1_hbm.at[pl.ds(row0, _PR), :], pbuf.at[0], sem_p)
    pltpu.async_copy(
        ids_hbm.at[pl.ds(row0, _PR)], idbuf.at[pl.ds(0, _PR)], sem_i
    )

    zero16 = jnp.zeros((_L,), jnp.float32)
    one16 = jnp.ones((_L,), jnp.float32)

    def zbody(i, _):
        lsum[pl.ds(i * _L, _L)] = zero16
        lcnt[pl.ds(i * _L, _L)] = zero16
        return 0

    lax.fori_loop(0, _SPAD // _L, zbody, 0, unroll=4)

    pltpu.make_async_copy(w_hbm, w_v, sem_q).wait()
    ws = [w_v[pl.ds(j * _L, _L)] for j in range(D // _L)]
    lane_iota = lax.iota(jnp.int32, _L)

    def piece(i, _):
        cur = lax.rem(i, 2)
        nxt = lax.rem(i + 1, 2)

        pltpu.make_async_copy(
            p1_hbm.at[pl.ds(0, _PR), :], pbuf.at[cur], sem_p
        ).wait()
        pltpu.make_async_copy(
            ids_hbm.at[pl.ds(0, _PR)], idbuf.at[pl.ds(0, _PR)], sem_i
        ).wait()

        @pl.when(i + 1 < _NP)
        def _():
            pltpu.async_copy(
                p1_hbm.at[pl.ds(row0 + (i + 1) * _PR, _PR), :],
                pbuf.at[nxt], sem_p,
            )
            pltpu.async_copy(
                ids_hbm.at[pl.ds(row0 + (i + 1) * _PR, _PR)],
                idbuf.at[pl.ds(nxt * _PR, _PR)], sem_i,
            )

        @pl.when(i >= 1)
        def _():
            pltpu.make_async_copy(
                qbuf.at[pl.ds(0, _PR)], q_hbm.at[pl.ds(0, _PR)], sem_q
            ).wait()

        def rowg(g, _):
            v = zero16
            for l in range(_L):
                r = g * _L + l
                t = pbuf[cur, r, pl.ds(0, _L)] * ws[0]
                for j in range(1, D // _L):
                    t = t + pbuf[cur, r, pl.ds(j * _L, _L)] * ws[j]
                v = jnp.where(lane_iota == l, jnp.sum(t), v)
            qbuf[pl.ds(cur * _PR + g * _L, _L)] = v
            return 0

        lax.fori_loop(0, _PR // _L, rowg, 0)

        def scb(k, _):
            idx = idbuf[pl.ds(cur * _PR + k * _L, _L)]
            vals = qbuf[pl.ds(cur * _PR + k * _L, _L)]
            plsc.addupdate_scatter(lsum, [idx], vals)
            plsc.addupdate_scatter(lcnt, [idx], one16)
            return 0

        lax.fori_loop(0, _PR // _L, scb, 0)

        pltpu.async_copy(
            qbuf.at[pl.ds(cur * _PR, _PR)],
            q_hbm.at[pl.ds(row0 + i * _PR, _PR)], sem_q,
        )
        return 0

    lax.fori_loop(0, _NP, piece, 0)

    pltpu.make_async_copy(
        qbuf.at[pl.ds(0, _PR)], q_hbm.at[pl.ds(0, _PR)], sem_q
    ).wait()

    pltpu.sync_copy(lsum, sums_hbm.at[wid])
    pltpu.sync_copy(lcnt, cnts_hbm.at[wid])


@functools.partial(
    pl.kernel,
    out_type=jax.ShapeDtypeStruct((N,), jnp.float32),
    mesh=_mesh,
    scratch_types=[
        pltpu.VMEM((_CH,), jnp.int32),
        pltpu.VMEM((_CH,), jnp.float32),
        pltpu.VMEM((_SPAD,), jnp.float32),
        pltpu.VMEM((_NW, _SLC), jnp.float32),
        pltpu.VMEM((_NW, _SLC), jnp.float32),
        pltpu.VMEM_SHARED((_SPAD,), jnp.float32),
        pltpu.SemaphoreType.DMA,
        pltpu.SemaphoreType.DMA,
    ],
    compiler_params=_params,
)
def _sc_finish(ids_hbm, q_hbm, sums_hbm, cnts_hbm, out_hbm,
               ids_v, q_v, pch, pblk, cblk, spch, sem_a, sem_b):
    cid = lax.axis_index("c")
    sid = lax.axis_index("s")
    wid = sid * 2 + cid
    base = wid * _CH
    seg0 = sid * _SLC

    cp_i = pltpu.async_copy(ids_hbm.at[pl.ds(base, _CH)], ids_v, sem_a)
    cp_q = pltpu.async_copy(q_hbm.at[pl.ds(base, _CH)], q_v, sem_a)
    cp_s = pltpu.async_copy(sums_hbm.at[:, pl.ds(seg0, _SLC)], pblk, sem_b)
    cp_c = pltpu.async_copy(cnts_hbm.at[:, pl.ds(seg0, _SLC)], cblk, sem_b)
    cp_s.wait()
    cp_c.wait()

    def mbody(j, _):
        s = pblk[0, pl.ds(j * _L, _L)]
        c = cblk[0, pl.ds(j * _L, _L)]
        for r in range(1, _NW):
            s = s + pblk[r, pl.ds(j * _L, _L)]
            c = c + cblk[r, pl.ds(j * _L, _L)]
        pblk[0, pl.ds(j * _L, _L)] = s / c
        return 0

    lax.fori_loop(0, _SLC // _L, mbody, 0, unroll=2)

    pltpu.sync_copy(pblk.at[0], spch.at[pl.ds(seg0, _SLC)])
    plsc.subcore_barrier()
    pltpu.sync_copy(spch, pch)

    cp_i.wait()
    cp_q.wait()

    def gbody(i, _):
        idx = ids_v[pl.ds(i * _L, _L)]
        corr = plsc.load_gather(pch, [idx])
        q_v[pl.ds(i * _L, _L)] = q_v[pl.ds(i * _L, _L)] - corr
        return 0

    lax.fori_loop(0, _CH // _L, gbody, 0, unroll=4)

    pltpu.sync_copy(q_v, out_hbm.at[pl.ds(base, _CH)])


def kernel(atom_batch, p1, W, b):
    ids32 = atom_batch.astype(jnp.int32)
    q, sums, cnts = _sc_mv_scatter(ids32, p1, W.reshape(-1))
    out = _sc_finish(ids32, q, sums, cnts)
    return out.reshape(-1, 1)

# --- scband reference (transcript-rebuilt; emitter-appended) ---
"""Pipeline reference for scband-system-charge-neutralize-5918464934539 (READ-ONLY COPY).

The authoritative reference and input builder live on the scoring server;
editing this copy changes nothing except your own understanding.
"""

import jax, jax.numpy as jnp
import numpy as np

N = 320000
D = 128
S = 10000  # number of molecules (segments)


def setup_inputs(seed: int = 0) -> dict:
    key = jax.random.key(seed)
    k1, k2, k3 = jax.random.split(key, 3)
    p1 = jax.random.normal(k1, (N, D), dtype=jnp.float32)
    atom_batch = jnp.sort(jax.random.randint(k2, (N,), 0, S)).astype(jnp.int64)
    # LazyLinear(1) params: in_features inferred as D=128
    W = jax.random.normal(k3, (D, 1), dtype=jnp.float32) * (1.0 / np.sqrt(D))
    b = jnp.zeros((1,), dtype=jnp.float32)
    return {"atom_batch": atom_batch, "p1": p1, "W": W, "b": b}


def reference(atom_batch, p1, W, b):
    # p1 = self.layer(p1).squeeze()
    q = (p1 @ W + b).squeeze(-1)  # [N]
    # q_batch = batch_add(p1, atom_batch)  -> per-molecule sum (segment_sum)
    q_batch = jax.ops.segment_sum(q, atom_batch, num_segments=S)  # [S]
    # natoms_per_molecule = get_natoms_per_batch(atom_batch)
    natoms = jnp.bincount(atom_batch, length=S).astype(q.dtype)  # [S]
    # p_charge = q_batch / natoms_per_molecule
    p_charge = q_batch / natoms  # [S] (segments with 0 atoms yield inf/nan but are never gathered)
    # charge_corr = p_charge[atom_batch]
    charge_corr = p_charge[atom_batch]  # [N] gather
    return (q - charge_corr).reshape(-1, 1)

if __name__ == "__main__":
    import jax
    _d = setup_inputs()
    print(jax.jit(kernel)(*tuple(_d.values())))

</pallas_src>

<mosaic_0001>
#map = affine_map<(d0, d1) -> (0)>
#map1 = affine_map<(d0, d1) -> (0, 0)>
module attributes {stable_mosaic.version = 14 : i64} {
  func.func @_sc_finish(%arg0: i32, %arg1: i32, %arg2: memref<320000xi32, #tpu.memory_space<hbm>>, %arg3: memref<320000xf32, #tpu.memory_space<hbm>>, %arg4: memref<32x10240xf32, #tpu.memory_space<hbm>>, %arg5: memref<32x10240xf32, #tpu.memory_space<hbm>>, %arg6: memref<320000xf32, #tpu.memory_space<hbm>>, %arg7: memref<10000xi32, #tpu.memory_space<vmem>>, %arg8: memref<10000xf32, #tpu.memory_space<vmem>>, %arg9: memref<10240xf32, #tpu.memory_space<vmem>>, %arg10: memref<32x640xf32, #tpu.memory_space<vmem>>, %arg11: memref<32x640xf32, #tpu.memory_space<vmem>>, %arg12: memref<10240xf32, #tpu.memory_space<vmem_shared>>, %arg13: memref<!tpu.dma_semaphore, #tpu.memory_space<semaphore_mem>>, %arg14: memref<!tpu.dma_semaphore, #tpu.memory_space<semaphore_mem>>) attributes {dimension_semantics = [#tpu.dimension_semantics<core_parallel>, #tpu.dimension_semantics<subcore_parallel>], iteration_bounds = array<i64: 2, 16>, scalar_prefetch = 0 : i64, scratch_operands = 8 : i64, tpu.core_type = #tpu.core_type<sc_vector_subcore>, window_params = [{transform_indices = #map}, {transform_indices = #map}, {transform_indices = #map1}, {transform_indices = #map1}, {transform_indices = #map}]} {
    %mul3A = arith.constant 2 : i32
    %mul3A_0 = arith.muli %arg1, %mul3A : i32
    %add3A = arith.addi %mul3A_0, %arg0 : i32
    %mul3A_1 = arith.constant 10000 : i32
    %mul3A_2 = arith.muli %add3A, %mul3A_1 : i32
    %mul3A_3 = arith.constant 640 : i32
    %mul3A_4 = arith.muli %arg1, %mul3A_3 : i32
    %dma_start3A = tpu.memref_slice %arg2[%mul3A_2] : memref<320000xi32, #tpu.memory_space<hbm>> -> memref<10000xi32, #tpu.memory_space<hbm>>
    %dma_start3A_5 = tpu.memref_slice %arg2[%mul3A_2] : memref<320000xi32, #tpu.memory_space<hbm>> -> memref<10000xi32, #tpu.memory_space<hbm>>
    tpu.enqueue_dma source(%dma_start3A_5 : memref<10000xi32, #tpu.memory_space<hbm>>) target(%arg7 : memref<10000xi32, #tpu.memory_space<vmem>>) target_semaphore(%arg13 : memref<!tpu.dma_semaphore, #tpu.memory_space<semaphore_mem>>)
    %dma_start3A_6 = tpu.memref_slice %arg3[%mul3A_2] : memref<320000xf32, #tpu.memory_space<hbm>> -> memref<10000xf32, #tpu.memory_space<hbm>>
    %dma_start3A_7 = tpu.memref_slice %arg3[%mul3A_2] : memref<320000xf32, #tpu.memory_space<hbm>> -> memref<10000xf32, #tpu.memory_space<hbm>>
    tpu.enqueue_dma source(%dma_start3A_7 : memref<10000xf32, #tpu.memory_space<hbm>>) target(%arg8 : memref<10000xf32, #tpu.memory_space<vmem>>) target_semaphore(%arg13 : memref<!tpu.dma_semaphore, #tpu.memory_space<semaphore_mem>>)
    %dma_start3A_8 = arith.constant 0 : i32
    %dma_start3A_9 = tpu.memref_slice %arg4[%dma_start3A_8, %mul3A_4] : memref<32x10240xf32, #tpu.memory_space<hbm>> -> memref<32x640xf32, #tpu.memory_space<hbm>>
    %dma_start3A_10 = arith.constant 0 : i32
    %dma_start3A_11 = tpu.memref_slice %arg4[%dma_start3A_10, %mul3A_4] : memref<32x10240xf32, #tpu.memory_space<hbm>> -> memref<32x640xf32, #tpu.memory_space<hbm>>
    tpu.enqueue_dma source(%dma_start3A_11 : memref<32x640xf32, #tpu.memory_space<hbm>>) target(%arg10 : memref<32x640xf32, #tpu.memory_space<vmem>>) target_semaphore(%arg14 : memref<!tpu.dma_semaphore, #tpu.memory_space<semaphore_mem>>)
    %dma_start3A_12 = arith.constant 0 : i32
    %dma_start3A_13 = tpu.memref_slice %arg5[%dma_start3A_12, %mul3A_4] : memref<32x10240xf32, #tpu.memory_space<hbm>> -> memref<32x640xf32, #tpu.memory_space<hbm>>
    %dma_start3A_14 = arith.constant 0 : i32
    %dma_start3A_15 = tpu.memref_slice %arg5[%dma_start3A_14, %mul3A_4] : memref<32x10240xf32, #tpu.memory_space<hbm>> -> memref<32x640xf32, #tpu.memory_space<hbm>>
    tpu.enqueue_dma source(%dma_start3A_15 : memref<32x640xf32, #tpu.memory_space<hbm>>) target(%arg11 : memref<32x640xf32, #tpu.memory_space<vmem>>) target_semaphore(%arg14 : memref<!tpu.dma_semaphore, #tpu.memory_space<semaphore_mem>>)
    %dma_wait3A = arith.constant 0 : i32
    %dma_wait3A_16 = tpu.memref_slice %arg4[%dma_wait3A, %mul3A_4] : memref<32x10240xf32, #tpu.memory_space<hbm>> -> memref<32x640xf32, #tpu.memory_space<hbm>>
    %dma_wait3A_17 = arith.constant 0 : i32
    %dma_wait3A_18 = tpu.memref_slice %arg4[%dma_wait3A_17, %mul3A_4] : memref<32x10240xf32, #tpu.memory_space<hbm>> -> memref<32x640xf32, #tpu.memory_space<hbm>>
    tpu.wait_dma2 semaphore(%arg14 : memref<!tpu.dma_semaphore, #tpu.memory_space<semaphore_mem>>) src(%dma_wait3A_18 : memref<32x640xf32, #tpu.memory_space<hbm>>) dst(%arg10 : memref<32x640xf32, #tpu.memory_space<vmem>>)
    %dma_wait3A_19 = arith.constant 0 : i32
    %dma_wait3A_20 = tpu.memref_slice %arg5[%dma_wait3A_19, %mul3A_4] : memref<32x10240xf32, #tpu.memory_space<hbm>> -> memref<32x640xf32, #tpu.memory_space<hbm>>
    %dma_wait3A_21 = arith.constant 0 : i32
    %dma_wait3A_22 = tpu.memref_slice %arg5[%dma_wait3A_21, %mul3A_4] : memref<32x10240xf32, #tpu.memory_space<hbm>> -> memref<32x640xf32, #tpu.memory_space<hbm>>
    tpu.wait_dma2 semaphore(%arg14 : memref<!tpu.dma_semaphore, #tpu.memory_space<semaphore_mem>>) src(%dma_wait3A_22 : memref<32x640xf32, #tpu.memory_space<hbm>>) dst(%arg11 : memref<32x640xf32, #tpu.memory_space<vmem>>)
    %scan3A = arith.constant 0 : i32
    %scan3A_23 = arith.constant 0 : i32
    %scan3A_24 = arith.constant 40 : i32
    %scan3A_25 = arith.addi %scan3A_23, %scan3A_24 : i32
    %scan3A_26 = arith.constant 2 : i32
    %scan3A_27 = scf.for %scan3A_53 = %scan3A_23 to %scan3A_25 step %scan3A_26 iter_args(%scan3A_54 = %scan3A) -> (i32)  : i32 {
      %mul3A_55 = arith.constant 16 : i32
      %mul3A_56 = arith.muli %scan3A_53, %mul3A_55 : i32
      %get3A_57 = arith.constant 0 : i32
      %get3A_58 = arith.index_cast %get3A_57 : i32 to index
      %get3A_59 = arith.index_cast %mul3A_56 : i32 to index
      %get3A_60 = tpu.vector_load %arg10[%get3A_58, %get3A_59] {strides = array<i32>} : memref<32x640xf32, #tpu.memory_space<vmem>>, vector<16xf32>,
      %mul3A_61 = arith.constant 16 : i32
      %mul3A_62 = arith.muli %scan3A_53, %mul3A_61 : i32
      %get3A_63 = arith.constant 0 : i32
      %get3A_64 = arith.index_cast %get3A_63 : i32 to index
      %get3A_65 = arith.index_cast %mul3A_62 : i32 to index
      %get3A_66 = tpu.vector_load %arg11[%get3A_64, %get3A_65] {strides = array<i32>} : memref<32x640xf32, #tpu.memory_space<vmem>>, vector<16xf32>,
      %mul3A_67 = arith.constant 16 : i32
      %mul3A_68 = arith.muli %scan3A_53, %mul3A_67 : i32
      %get3A_69 = arith.constant 1 : i32
      %get3A_70 = arith.index_cast %get3A_69 : i32 to index
      %get3A_71 = arith.index_cast %mul3A_68 : i32 to index
      %get3A_72 = tpu.vector_load %arg10[%get3A_70, %get3A_71] {strides = array<i32>} : memref<32x640xf32, #tpu.memory_space<vmem>>, vector<16xf32>,
      %add3A_73 = arith.addf %get3A_60, %get3A_72 : vector<16xf32>
      %mul3A_74 = arith.constant 16 : i32
      %mul3A_75 = arith.muli %scan3A_53, %mul3A_74 : i32
      %get3A_76 = arith.constant 1 : i32
      %get3A_77 = arith.index_cast %get3A_76 : i32 to index
      %get3A_78 = arith.index_cast %mul3A_75 : i32 to index
      %get3A_79 = tpu.vector_load %arg11[%get3A_77, %get3A_78] {strides = array<i32>} : memref<32x640xf32, #tpu.memory_space<vmem>>, vector<16xf32>,
      %add3A_80 = arith.addf %get3A_66, %get3A_79 : vector<16xf32>
      %mul3A_81 = arith.constant 16 : i32
      %mul3A_82 = arith.muli %scan3A_53, %mul3A_81 : i32
      %get3A_83 = arith.constant 2 : i32
      %get3A_84 = arith.index_cast %get3A_83 : i32 to index
      %get3A_85 = arith.index_cast %mul3A_82 : i32 to index
      %get3A_86 = tpu.vector_load %arg10[%get3A_84, %get3A_85] {strides = array<i32>} : memref<32x640xf32, #tpu.memory_space<vmem>>, vector<16xf32>,
      %add3A_87 = arith.addf %add3A_73, %get3A_86 : vector<16xf32>
      %mul3A_88 = arith.constant 16 : i32
      %mul3A_89 = arith.muli %scan3A_53, %mul3A_88 : i32
      %get3A_90 = arith.constant 2 : i32
      %get3A_91 = arith.index_cast %get3A_90 : i32 to index
      %get3A_92 = arith.index_cast %mul3A_89 : i32 to index
      %get3A_93 = tpu.vector_load %arg11[%get3A_91, %get3A_92] {strides = array<i32>} : memref<32x640xf32, #tpu.memory_space<vmem>>, vector<16xf32>,
      %add3A_94 = arith.addf %add3A_80, %get3A_93 : vector<16xf32>
      %mul3A_95 = arith.constant 16 : i32
      %mul3A_96 = arith.muli %scan3A_53, %mul3A_95 : i32
      %get3A_97 = arith.constant 3 : i32
      %get3A_98 = arith.index_cast %get3A_97 : i32 to index
      %get3A_99 = arith.index_cast %mul3A_96 : i32 to index
      %get3A_100 = tpu.vector_load %arg10[%get3A_98, %get3A_99] {strides = array<i32>} : memref<32x640xf32, #tpu.memory_space<vmem>>, vector<16xf32>,
      %add3A_101 = arith.addf %add3A_87, %get3A_100 : vector<16xf32>
      %mul3A_102 = arith.constant 16 : i32
      %mul3A_103 = arith.muli %scan3A_53, %mul3A_102 : i32
      %get3A_104 = arith.constant 3 : i32
      %get3A_105 = arith.index_cast %get3A_104 : i32 to index
      %get3A_106 = arith.index_cast %mul3A_103 : i32 to index
      %get3A_107 = tpu.vector_load %arg11[%get3A_105, %get3A_106] {strides = array<i32>} : memref<32x640xf32, #tpu.memory_space<vmem>>, vector<16xf32>,
      %add3A_108 = arith.addf %add3A_94, %get3A_107 : vector<16xf32>
      %mul3A_109 = arith.constant 16 : i32
      %mul3A_110 = arith.muli %scan3A_53, %mul3A_109 : i32
      %get3A_111 = arith.constant 4 : i32
      %get3A_112 = arith.index_cast %get3A_111 : i32 to index
      %get3A_113 = arith.index_cast %mul3A_110 : i32 to index
      %get3A_114 = tpu.vector_load %arg10[%get3A_112, %get3A_113] {strides = array<i32>} : memref<32x640xf32, #tpu.memory_space<vmem>>, vector<16xf32>,
      %add3A_115 = arith.addf %add3A_101, %get3A_114 : vector<16xf32>
      %mul3A_116 = arith.constant 16 : i32
      %mul3A_117 = arith.muli %scan3A_53, %mul3A_116 : i32
      %get3A_118 = arith.constant 4 : i32
      %get3A_119 = arith.index_cast %get3A_118 : i32 to index
      %get3A_120 = arith.index_cast %mul3A_117 : i32 to index
      %get3A_121 = tpu.vector_load %arg11[%get3A_119, %get3A_120] {strides = array<i32>} : memref<32x640xf32, #tpu.memory_space<vmem>>, vector<16xf32>,
      %add3A_122 = arith.addf %add3A_108, %get3A_121 : vector<16xf32>
      %mul3A_123 = arith.constant 16 : i32
      %mul3A_124 = arith.muli %scan3A_53, %mul3A_123 : i32
      %get3A_125 = arith.constant 5 : i32
      %get3A_126 = arith.index_cast %get3A_125 : i32 to index
      %get3A_127 = arith.index_cast %mul3A_124 : i32 to index
      %get3A_128 = tpu.vector_load %arg10[%get3A_126, %get3A_127] {strides = array<i32>} : memref<32x640xf32, #tpu.memory_space<vmem>>, vector<16xf32>,
      %add3A_129 = arith.addf %add3A_115, %get3A_128 : vector<16xf32>
      %mul3A_130 = arith.constant 16 : i32
      %mul3A_131 = arith.muli %scan3A_53, %mul3A_130 : i32
      %get3A_132 = arith.constant 5 : i32
      %get3A_133 = arith.index_cast %get3A_132 : i32 to index
      %get3A_134 = arith.index_cast %mul3A_131 : i32 to index
      %get3A_135 = tpu.vector_load %arg11[%get3A_133, %get3A_134] {strides = array<i32>} : memref<32x640xf32, #tpu.memory_space<vmem>>, vector<16xf32>,
      %add3A_136 = arith.addf %add3A_122, %get3A_135 : vector<16xf32>
      %mul3A_137 = arith.constant 16 : i32
      %mul3A_138 = arith.muli %scan3A_53, %mul3A_137 : i32
      %get3A_139 = arith.constant 6 : i32
      %get3A_140 = arith.index_cast %get3A_139 : i32 to index
      %get3A_141 = arith.index_cast %mul3A_138 : i32 to index
      %get3A_142 = tpu.vector_load %arg10[%get3A_140, %get3A_141] {strides = array<i32>} : memref<32x640xf32, #tpu.memory_space<vmem>>, vector<16xf32>,
      %add3A_143 = arith.addf %add3A_129, %get3A_142 : vector<16xf32>
      %mul3A_144 = arith.constant 16 : i32
      %mul3A_145 = arith.muli %scan3A_53, %mul3A_144 : i32
      %get3A_146 = arith.constant 6 : i32
      %get3A_147 = arith.index_cast %get3A_146 : i32 to index
      %get3A_148 = arith.index_cast %mul3A_145 : i32 to index
      %get3A_149 = tpu.vector_load %arg11[%get3A_147, %get3A_148] {strides = array<i32>} : memref<32x640xf32, #tpu.memory_space<vmem>>, vector<16xf32>,
      %add3A_150 = arith.addf %add3A_136, %get3A_149 : vector<16xf32>
      %mul3A_151 = arith.constant 16 : i32
      %mul3A_152 = arith.muli %scan3A_53, %mul3A_151 : i32
      %get3A_153 = arith.constant 7 : i32
      %get3A_154 = arith.index_cast %get3A_153 : i32 to index
      %get3A_155 = arith.index_cast %mul3A_152 : i32 to index
      %get3A_156 = tpu.vector_load %arg10[%get3A_154, %get3A_155] {strides = array<i32>} : memref<32x640xf32, #tpu.memory_space<vmem>>, vector<16xf32>,
      %add3A_157 = arith.addf %add3A_143, %get3A_156 : vector<16xf32>
      %mul3A_158 = arith.constant 16 : i32
      %mul3A_159 = arith.muli %scan3A_53, %mul3A_158 : i32
      %get3A_160 = arith.constant 7 : i32
      %get3A_161 = arith.index_cast %get3A_160 : i32 to index
      %get3A_162 = arith.index_cast %mul3A_159 : i32 to index
      %get3A_163 = tpu.vector_load %arg11[%get3A_161, %get3A_162] {strides = array<i32>} : memref<32x640xf32, #tpu.memory_space<vmem>>, vector<16xf32>,
      %add3A_164 = arith.addf %add3A_150, %get3A_163 : vector<16xf32>
      %mul3A_165 = arith.constant 16 : i32
      %mul3A_166 = arith.muli %scan3A_53, %mul3A_165 : i32
      %get3A_167 = arith.constant 8 : i32
      %get3A_168 = arith.index_cast %get3A_167 : i32 to index
      %get3A_169 = arith.index_cast %mul3A_166 : i32 to index
      %get3A_170 = tpu.vector_load %arg10[%get3A_168, %get3A_169] {strides = array<i32>} : memref<32x640xf32, #tpu.memory_space<vmem>>, vector<16xf32>,
      %add3A_171 = arith.addf %add3A_157, %get3A_170 : vector<16xf32>
      %mul3A_172 = arith.constant 16 : i32
      %mul3A_173 = arith.muli %scan3A_53, %mul3A_172 : i32
      %get3A_174 = arith.constant 8 : i32
      %get3A_175 = arith.index_cast %get3A_174 : i32 to index
      %get3A_176 = arith.index_cast %mul3A_173 : i32 to index
      %get3A_177 = tpu.vector_load %arg11[%get3A_175, %get3A_176] {strides = array<i32>} : memref<32x640xf32, #tpu.memory_space<vmem>>, vector<16xf32>,
      %add3A_178 = arith.addf %add3A_164, %get3A_177 : vector<16xf32>
      %mul3A_179 = arith.constant 16 : i32
      %mul3A_180 = arith.muli %scan3A_53, %mul3A_179 : i32
      %get3A_181 = arith.constant 9 : i32
      %get3A_182 = arith.index_cast %get3A_181 : i32 to index
      %get3A_183 = arith.index_cast %mul3A_180 : i32 to index
      %get3A_184 = tpu.vector_load %arg10[%get3A_182, %get3A_183] {strides = array<i32>} : memref<32x640xf32, #tpu.memory_space<vmem>>, vector<16xf32>,
      %add3A_185 = arith.addf %add3A_171, %get3A_184 : vector<16xf32>
      %mul3A_186 = arith.constant 16 : i32
      %mul3A_187 = arith.muli %scan3A_53, %mul3A_186 : i32
      %get3A_188 = arith.constant 9 : i32
      %get3A_189 = arith.index_cast %get3A_188 : i32 to index
      %get3A_190 = arith.index_cast %mul3A_187 : i32 to index
      %get3A_191 = tpu.vector_load %arg11[%get3A_189, %get3A_190] {strides = array<i32>} : memref<32x640xf32, #tpu.memory_space<vmem>>, vector<16xf32>,
      %add3A_192 = arith.addf %add3A_178, %get3A_191 : vector<16xf32>
      %mul3A_193 = arith.constant 16 : i32
      %mul3A_194 = arith.muli %scan3A_53, %mul3A_193 : i32
      %get3A_195 = arith.constant 10 : i32
      %get3A_196 = arith.index_cast %get3A_195 : i32 to index
      %get3A_197 = arith.index_cast %mul3A_194 : i32 to index
      %get3A_198 = tpu.vector_load %arg10[%get3A_196, %get3A_197] {strides = array<i32>} : memref<32x640xf32, #tpu.memory_space<vmem>>, vector<16xf32>,
      %add3A_199 = arith.addf %add3A_185, %get3A_198 : vector<16xf32>
      %mul3A_200 = arith.constant 16 : i32
      %mul3A_201 = arith.muli %scan3A_53, %mul3A_200 : i32
      %get3A_202 = arith.constant 10 : i32
      %get3A_203 = arith.index_cast %get3A_202 : i32 to index
      %get3A_204 = arith.index_cast %mul3A_201 : i32 to index
      %get3A_205 = tpu.vector_load %arg11[%get3A_203, %get3A_204] {strides = array<i32>} : memref<32x640xf32, #tpu.memory_space<vmem>>, vector<16xf32>,
      %add3A_206 = arith.addf %add3A_192, %get3A_205 : vector<16xf32>
      %mul3A_207 = arith.constant 16 : i32
      %mul3A_208 = arith.muli %scan3A_53, %mul3A_207 : i32
      %get3A_209 = arith.constant 11 : i32
      %get3A_210 = arith.index_cast %get3A_209 : i32 to index
      %get3A_211 = arith.index_cast %mul3A_208 : i32 to index
      %get3A_212 = tpu.vector_load %arg10[%get3A_210, %get3A_211] {strides = array<i32>} : memref<32x640xf32, #tpu.memory_space<vmem>>, vector<16xf32>,
      %add3A_213 = arith.addf %add3A_199, %get3A_212 : vector<16xf32>
      %mul3A_214 = arith.constant 16 : i32
      %mul3A_215 = arith.muli %scan3A_53, %mul3A_214 : i32
      %get3A_216 = arith.constant 11 : i32
      %get3A_217 = arith.index_cast %get3A_216 : i32 to index
      %get3A_218 = arith.index_cast %mul3A_215 : i32 to index
      %get3A_219 = tpu.vector_load %arg11[%get3A_217, %get3A_218] {strides = array<i32>} : memref<32x640xf32, #tpu.memory_space<vmem>>, vector<16xf32>,
      %add3A_220 = arith.addf %add3A_206, %get3A_219 : vector<16xf32>
      %mul3A_221 = arith.constant 16 : i32
      %mul3A_222 = arith.muli %scan3A_53, %mul3A_221 : i32
      %get3A_223 = arith.constant 12 : i32
      %get3A_224 = arith.index_cast %get3A_223 : i32 to index
      %get3A_225 = arith.index_cast %mul3A_222 : i32 to index
      %get3A_226 = tpu.vector_load %arg10[%get3A_224, %get3A_225] {strides = array<i32>} : memref<32x640xf32, #tpu.memory_space<vmem>>, vector<16xf32>,
      %add3A_227 = arith.addf %add3A_213, %get3A_226 : vector<16xf32>
      %mul3A_228 = arith.constant 16 : i32
      %mul3A_229 = arith.muli %scan3A_53, %mul3A_228 : i32
      %get3A_230 = arith.constant 12 : i32
      %get3A_231 = arith.index_cast %get3A_230 : i32 to index
      %get3A_232 = arith.index_cast %mul3A_229 : i32 to index
      %get3A_233 = tpu.vector_load %arg11[%get3A_231, %get3A_232] {strides = array<i32>} : memref<32x640xf32, #tpu.memory_space<vmem>>, vector<16xf32>,
      %add3A_234 = arith.addf %add3A_220, %get3A_233 : vector<16xf32>
      %mul3A_235 = arith.constant 16 : i32
      %mul3A_236 = arith.muli %scan3A_53, %mul3A_235 : i32
      %get3A_237 = arith.constant 13 : i32
      %get3A_238 = arith.index_cast %get3A_237 : i32 to index
      %get3A_239 = arith.index_cast %mul3A_236 : i32 to index
      %get3A_240 = tpu.vector_load %arg10[%get3A_238, %get3A_239] {strides = array<i32>} : memref<32x640xf32, #tpu.memory_space<vmem>>, vector<16xf32>,
      %add3A_241 = arith.addf %add3A_227, %get3A_240 : vector<16xf32>
      %mul3A_242 = arith.constant 16 : i32
      %mul3A_243 = arith.muli %scan3A_53, %mul3A_242 : i32
      %get3A_244 = arith.constant 13 : i32
      %get3A_245 = arith.index_cast %get3A_244 : i32 to index
      %get3A_246 = arith.index_cast %mul3A_243 : i32 to index
      %get3A_247 = tpu.vector_load %arg11[%get3A_245, %get3A_246] {strides = array<i32>} : memref<32x640xf32, #tpu.memory_space<vmem>>, vector<16xf32>,
      %add3A_248 = arith.addf %add3A_234, %get3A_247 : vector<16xf32>
      %mul3A_249 = arith.constant 16 : i32
      %mul3A_250 = arith.muli %scan3A_53, %mul3A_249 : i32
      %get3A_251 = arith.constant 14 : i32
      %get3A_252 = arith.index_cast %get3A_251 : i32 to index
      %get3A_253 = arith.index_cast %mul3A_250 : i32 to index
      %get3A_254 = tpu.vector_load %arg10[%get3A_252, %get3A_253] {strides = array<i32>} : memref<32x640xf32, #tpu.memory_space<vmem>>, vector<16xf32>,
      %add3A_255 = arith.addf %add3A_241, %get3A_254 : vector<16xf32>
      %mul3A_256 = arith.constant 16 : i32
      %mul3A_257 = arith.muli %scan3A_53, %mul3A_256 : i32
      %get3A_258 = arith.constant 14 : i32
      %get3A_259 = arith.index_cast %get3A_258 : i32 to index
      %get3A_260 = arith.index_cast %mul3A_257 : i32 to index
      %get3A_261 = tpu.vector_load %arg11[%get3A_259, %get3A_260] {strides = array<i32>} : memref<32x640xf32, #tpu.memory_space<vmem>>, vector<16xf32>,
      %add3A_262 = arith.addf %add3A_248, %get3A_261 : vector<16xf32>
      %mul3A_263 = arith.constant 16 : i32
      %mul3A_264 = arith.muli %scan3A_53, %mul3A_263 : i32
      %get3A_265 = arith.constant 15 : i32
      %get3A_266 = arith.index_cast %get3A_265 : i32 to index
      %get3A_267 = arith.index_cast %mul3A_264 : i32 to index
      %get3A_268 = tpu.vector_load %arg10[%get3A_266, %get3A_267] {strides = array<i32>} : memref<32x640xf32, #tpu.memory_space<vmem>>, vector<16xf32>,
      %add3A_269 = arith.addf %add3A_255, %get3A_268 : vector<16xf32>
      %mul3A_270 = arith.constant 16 : i32
      %mul3A_271 = arith.muli %scan3A_53, %mul3A_270 : i32
      %get3A_272 = arith.constant 15 : i32
      %get3A_273 = arith.index_cast %get3A_272 : i32 to index
      %get3A_274 = arith.index_cast %mul3A_271 : i32 to index
      %get3A_275 = tpu.vector_load %arg11[%get3A_273, %get3A_274] {strides = array<i32>} : memref<32x640xf32, #tpu.memory_space<vmem>>, vector<16xf32>,
      %add3A_276 = arith.addf %add3A_262, %get3A_275 : vector<16xf32>
      %mul3A_277 = arith.constant 16 : i32
      %mul3A_278 = arith.muli %scan3A_53, %mul3A_277 : i32
      %get3A_279 = arith.constant 16 : i32
      %get3A_280 = arith.index_cast %get3A_279 : i32 to index
      %get3A_281 = arith.index_cast %mul3A_278 : i32 to index
      %get3A_282 = tpu.vector_load %arg10[%get3A_280, %get3A_281] {strides = array<i32>} : memref<32x640xf32, #tpu.memory_space<vmem>>, vector<16xf32>,
      %add3A_283 = arith.addf %add3A_269, %get3A_282 : vector<16xf32>
      %mul3A_284 = arith.constant 16 : i32
      %mul3A_285 = arith.muli %scan3A_53, %mul3A_284 : i32
      %get3A_286 = arith.constant 16 : i32
      %get3A_287 = arith.index_cast %get3A_286 : i32 to index
      %get3A_288 = arith.index_cast %mul3A_285 : i32 to index
      %get3A_289 = tpu.vector_load %arg11[%get3A_287, %get3A_288] {strides = array<i32>} : memref<32x640xf32, #tpu.memory_space<vmem>>, vector<16xf32>,
      %add3A_290 = arith.addf %add3A_276, %get3A_289 : vector<16xf32>
      %mul3A_291 = arith.constant 16 : i32
      %mul3A_292 = arith.muli %scan3A_53, %mul3A_291 : i32
      %get3A_293 = arith.constant 17 : i32
      %get3A_294 = arith.index_cast %get3A_293 : i32 to index
      %get3A_295 = arith.index_cast %mul3A_292 : i32 to index
      %get3A_296 = tpu.vector_load %arg10[%get3A_294, %get3A_295] {strides = array<i32>} : memref<32x640xf32, #tpu.memory_space<vmem>>, vector<16xf32>,
      %add3A_297 = arith.addf %add3A_283, %get3A_296 : vector<16xf32>
      %mul3A_298 = arith.constant 16 : i32
      %mul3A_299 = arith.muli %scan3A_53, %mul3A_298 : i32
      %get3A_300 = arith.constant 17 : i32
      %get3A_301 = arith.index_cast %get3A_300 : i32 to index
      %get3A_302 = arith.index_cast %mul3A_299 : i32 to index
      %get3A_303 = tpu.vector_load %arg11[%get3A_301, %get3A_302] {strides = array<i32>} : memref<32x640xf32, #tpu.memory_space<vmem>>, vector<16xf32>,
      %add3A_304 = arith.addf %add3A_290, %get3A_303 : vector<16xf32>
      %mul3A_305 = arith.constant 16 : i32
      %mul3A_306 = arith.muli %scan3A_53, %mul3A_305 : i32
      %get3A_307 = arith.constant 18 : i32
      %get3A_308 = arith.index_cast %get3A_307 : i32 to index
      %get3A_309 = arith.index_cast %mul3A_306 : i32 to index
      %get3A_310 = tpu.vector_load %arg10[%get3A_308, %get3A_309] {strides = array<i32>} : memref<32x640xf32, #tpu.memory_space<vmem>>, vector<16xf32>,
      %add3A_311 = arith.addf %add3A_297, %get3A_310 : vector<16xf32>
      %mul3A_312 = arith.constant 16 : i32
      %mul3A_313 = arith.muli %scan3A_53, %mul3A_312 : i32
      %get3A_314 = arith.constant 18 : i32
      %get3A_315 = arith.index_cast %get3A_314 : i32 to index
      %get3A_316 = arith.index_cast %mul3A_313 : i32 to index
      %get3A_317 = tpu.vector_load %arg11[%get3A_315, %get3A_316] {strides = array<i32>} : memref<32x640xf32, #tpu.memory_space<vmem>>, vector<16xf32>,
      %add3A_318 = arith.addf %add3A_304, %get3A_317 : vector<16xf32>
      %mul3A_319 = arith.constant 16 : i32
      %mul3A_320 = arith.muli %scan3A_53, %mul3A_319 : i32
      %get3A_321 = arith.constant 19 : i32
      %get3A_322 = arith.index_cast %get3A_321 : i32 to index
      %get3A_323 = arith.index_cast %mul3A_320 : i32 to index
      %get3A_324 = tpu.vector_load %arg10[%get3A_322, %get3A_323] {strides = array<i32>} : memref<32x640xf32, #tpu.memory_space<vmem>>, vector<16xf32>,
      %add3A_325 = arith.addf %add3A_311, %get3A_324 : vector<16xf32>
      %mul3A_326 = arith.constant 16 : i32
      %mul3A_327 = arith.muli %scan3A_53, %mul3A_326 : i32
      %get3A_328 = arith.constant 19 : i32
      %get3A_329 = arith.index_cast %get3A_328 : i32 to index
      %get3A_330 = arith.index_cast %mul3A_327 : i32 to index
      %get3A_331 = tpu.vector_load %arg11[%get3A_329, %get3A_330] {strides = array<i32>} : memref<32x640xf32, #tpu.memory_space<vmem>>, vector<16xf32>,
      %add3A_332 = arith.addf %add3A_318, %get3A_331 : vector<16xf32>
      %mul3A_333 = arith.constant 16 : i32
      %mul3A_334 = arith.muli %scan3A_53, %mul3A_333 : i32
      %get3A_335 = arith.constant 20 : i32
      %get3A_336 = arith.index_cast %get3A_335 : i32 to index
      %get3A_337 = arith.index_cast %mul3A_334 : i32 to index
      %get3A_338 = tpu.vector_load %arg10[%get3A_336, %get3A_337] {strides = array<i32>} : memref<32x640xf32, #tpu.memory_space<vmem>>, vector<16xf32>,
      %add3A_339 = arith.addf %add3A_325, %get3A_338 : vector<16xf32>
      %mul3A_340 = arith.constant 16 : i32
      %mul3A_341 = arith.muli %scan3A_53, %mul3A_340 : i32
      %get3A_342 = arith.constant 20 : i32
      %get3A_343 = arith.index_cast %get3A_342 : i32 to index
      %get3A_344 = arith.index_cast %mul3A_341 : i32 to index
      %get3A_345 = tpu.vector_load %arg11[%get3A_343, %get3A_344] {strides = array<i32>} : memref<32x640xf32, #tpu.memory_space<vmem>>, vector<16xf32>,
      %add3A_346 = arith.addf %add3A_332, %get3A_345 : vector<16xf32>
      %mul3A_347 = arith.constant 16 : i32
      %mul3A_348 = arith.muli %scan3A_53, %mul3A_347 : i32
      %get3A_349 = arith.constant 21 : i32
      %get3A_350 = arith.index_cast %get3A_349 : i32 to index
      %get3A_351 = arith.index_cast %mul3A_348 : i32 to index
      %get3A_352 = tpu.vector_load %arg10[%get3A_350, %get3A_351] {strides = array<i32>} : memref<32x640xf32, #tpu.memory_space<vmem>>, vector<16xf32>,
      %add3A_353 = arith.addf %add3A_339, %get3A_352 : vector<16xf32>
      %mul3A_354 = arith.constant 16 : i32
      %mul3A_355 = arith.muli %scan3A_53, %mul3A_354 : i32
      %get3A_356 = arith.constant 21 : i32
      %get3A_357 = arith.index_cast %get3A_356 : i32 to index
      %get3A_358 = arith.index_cast %mul3A_355 : i32 to index
      %get3A_359 = tpu.vector_load %arg11[%get3A_357, %get3A_358] {strides = array<i32>} : memref<32x640xf32, #tpu.memory_space<vmem>>, vector<16xf32>,
      %add3A_360 = arith.addf %add3A_346, %get3A_359 : vector<16xf32>
      %mul3A_361 = arith.constant 16 : i32
      %mul3A_362 = arith.muli %scan3A_53, %mul3A_361 : i32
      %get3A_363 = arith.constant 22 : i32
      %get3A_364 = arith.index_cast %get3A_363 : i32 to index
      %get3A_365 = arith.index_cast %mul3A_362 : i32 to index
      %get3A_366 = tpu.vector_load %arg10[%get3A_364, %get3A_365] {strides = array<i32>} : memref<32x640xf32, #tpu.memory_space<vmem>>, vector<16xf32>,
      %add3A_367 = arith.addf %add3A_353, %get3A_366 : vector<16xf32>
      %mul3A_368 = arith.constant 16 : i32
      %mul3A_369 = arith.muli %scan3A_53, %mul3A_368 : i32
      %get3A_370 = arith.constant 22 : i32
      %get3A_371 = arith.index_cast %get3A_370 : i32 to index
      %get3A_372 = arith.index_cast %mul3A_369 : i32 to index
      %get3A_373 = tpu.vector_load %arg11[%get3A_371, %get3A_372] {strides = array<i32>} : memref<32x640xf32, #tpu.memory_space<vmem>>, vector<16xf32>,
      %add3A_374 = arith.addf %add3A_360, %get3A_373 : vector<16xf32>
      %mul3A_375 = arith.constant 16 : i32
      %mul3A_376 = arith.muli %scan3A_53, %mul3A_375 : i32
      %get3A_377 = arith.constant 23 : i32
      %get3A_378 = arith.index_cast %get3A_377 : i32 to index
      %get3A_379 = arith.index_cast %mul3A_376 : i32 to index
      %get3A_380 = tpu.vector_load %arg10[%get3A_378, %get3A_379] {strides = array<i32>} : memref<32x640xf32, #tpu.memory_space<vmem>>, vector<16xf32>,
      %add3A_381 = arith.addf %add3A_367, %get3A_380 : vector<16xf32>
      %mul3A_382 = arith.constant 16 : i32
      %mul3A_383 = arith.muli %scan3A_53, %mul3A_382 : i32
      %get3A_384 = arith.constant 23 : i32
      %get3A_385 = arith.index_cast %get3A_384 : i32 to index
      %get3A_386 = arith.index_cast %mul3A_383 : i32 to index
      %get3A_387 = tpu.vector_load %arg11[%get3A_385, %get3A_386] {strides = array<i32>} : memref<32x640xf32, #tpu.memory_space<vmem>>, vector<16xf32>,
      %add3A_388 = arith.addf %add3A_374, %get3A_387 : vector<16xf32>
      %mul3A_389 = arith.constant 16 : i32
      %mul3A_390 = arith.muli %scan3A_53, %mul3A_389 : i32
      %get3A_391 = arith.constant 24 : i32
      %get3A_392 = arith.index_cast %get3A_391 : i32 to index
      %get3A_393 = arith.index_cast %mul3A_390 : i32 to index
      %get3A_394 = tpu.vector_load %arg10[%get3A_392, %get3A_393] {strides = array<i32>} : memref<32x640xf32, #tpu.memory_space<vmem>>, vector<16xf32>,
      %add3A_395 = arith.addf %add3A_381, %get3A_394 : vector<16xf32>
      %mul3A_396 = arith.constant 16 : i32
      %mul3A_397 = arith.muli %scan3A_53, %mul3A_396 : i32
      %get3A_398 = arith.constant 24 : i32
      %get3A_399 = arith.index_cast %get3A_398 : i32 to index
      %get3A_400 = arith.index_cast %mul3A_397 : i32 to index
      %get3A_401 = tpu.vector_load %arg11[%get3A_399, %get3A_400] {strides = array<i32>} : memref<32x640xf32, #tpu.memory_space<vmem>>, vector<16xf32>,
      %add3A_402 = arith.addf %add3A_388, %get3A_401 : vector<16xf32>
      %mul3A_403 = arith.constant 16 : i32
      %mul3A_404 = arith.muli %scan3A_53, %mul3A_403 : i32
      %get3A_405 = arith.constant 25 : i32
      %get3A_406 = arith.index_cast %get3A_405 : i32 to index
      %get3A_407 = arith.index_cast %mul3A_404 : i32 to index
      %get3A_408 = tpu.vector_load %arg10[%get3A_406, %get3A_407] {strides = array<i32>} : memref<32x640xf32, #tpu.memory_space<vmem>>, vector<16xf32>,
      %add3A_409 = arith.addf %add3A_395, %get3A_408 : vector<16xf32>
      %mul3A_410 = arith.constant 16 : i32
      %mul3A_411 = arith.muli %scan3A_53, %mul3A_410 : i32
      %get3A_412 = arith.constant 25 : i32
      %get3A_413 = arith.index_cast %get3A_412 : i32 to index
      %get3A_414 = arith.index_cast %mul3A_411 : i32 to index
      %get3A_415 = tpu.vector_load %arg11[%get3A_413, %get3A_414] {strides = array<i32>} : memref<32x640xf32, #tpu.memory_space<vmem>>, vector<16xf32>,
      %add3A_416 = arith.addf %add3A_402, %get3A_415 : vector<16xf32>
      %mul3A_417 = arith.constant 16 : i32
      %mul3A_418 = arith.muli %scan3A_53, %mul3A_417 : i32
      %get3A_419 = arith.constant 26 : i32
      %get3A_420 = arith.index_cast %get3A_419 : i32 to index
      %get3A_421 = arith.index_cast %mul3A_418 : i32 to index
      %get3A_422 = tpu.vector_load %arg10[%get3A_420, %get3A_421] {strides = array<i32>} : memref<32x640xf32, #tpu.memory_space<vmem>>, vector<16xf32>,
      %add3A_423 = arith.addf %add3A_409, %get3A_422 : vector<16xf32>
      %mul3A_424 = arith.constant 16 : i32
      %mul3A_425 = arith.muli %scan3A_53, %mul3A_424 : i32
      %get3A_426 = arith.constant 26 : i32
      %get3A_427 = arith.index_cast %get3A_426 : i32 to index
      %get3A_428 = arith.index_cast %mul3A_425 : i32 to index
      %get3A_429 = tpu.vector_load %arg11[%get3A_427, %get3A_428] {strides = array<i32>} : memref<32x640xf32, #tpu.memory_space<vmem>>, vector<16xf32>,
      %add3A_430 = arith.addf %add3A_416, %get3A_429 : vector<16xf32>
      %mul3A_431 = arith.constant 16 : i32
      %mul3A_432 = arith.muli %scan3A_53, %mul3A_431 : i32
      %get3A_433 = arith.constant 27 : i32
      %get3A_434 = arith.index_cast %get3A_433 : i32 to index
      %get3A_435 = arith.index_cast %mul3A_432 : i32 to index
      %get3A_436 = tpu.vector_load %arg10[%get3A_434, %get3A_435] {strides = array<i32>} : memref<32x640xf32, #tpu.memory_space<vmem>>, vector<16xf32>,
      %add3A_437 = arith.addf %add3A_423, %get3A_436 : vector<16xf32>
      %mul3A_438 = arith.constant 16 : i32
      %mul3A_439 = arith.muli %scan3A_53, %mul3A_438 : i32
      %get3A_440 = arith.constant 27 : i32
      %get3A_441 = arith.index_cast %get3A_440 : i32 to index
      %get3A_442 = arith.index_cast %mul3A_439 : i32 to index
      %get3A_443 = tpu.vector_load %arg11[%get3A_441, %get3A_442] {strides = array<i32>} : memref<32x640xf32, #tpu.memory_space<vmem>>, vector<16xf32>,
      %add3A_444 = arith.addf %add3A_430, %get3A_443 : vector<16xf32>
      %mul3A_445 = arith.constant 16 : i32
      %mul3A_446 = arith.muli %scan3A_53, %mul3A_445 : i32
      %get3A_447 = arith.constant 28 : i32
      %get3A_448 = arith.index_cast %get3A_447 : i32 to index
      %get3A_449 = arith.index_cast %mul3A_446 : i32 to index
      %get3A_450 = tpu.vector_load %arg10[%get3A_448, %get3A_449] {strides = array<i32>} : memref<32x640xf32, #tpu.memory_space<vmem>>, vector<16xf32>,
      %add3A_451 = arith.addf %add3A_437, %get3A_450 : vector<16xf32>
      %mul3A_452 = arith.constant 16 : i32
      %mul3A_453 = arith.muli %scan3A_53, %mul3A_452 : i32
      %get3A_454 = arith.constant 28 : i32
      %get3A_455 = arith.index_cast %get3A_454 : i32 to index
      %get3A_456 = arith.index_cast %mul3A_453 : i32 to index
      %get3A_457 = tpu.vector_load %arg11[%get3A_455, %get3A_456] {strides = array<i32>} : memref<32x640xf32, #tpu.memory_space<vmem>>, vector<16xf32>,
      %add3A_458 = arith.addf %add3A_444, %get3A_457 : vector<16xf32>
      %mul3A_459 = arith.constant 16 : i32
      %mul3A_460 = arith.muli %scan3A_53, %mul3A_459 : i32
      %get3A_461 = arith.constant 29 : i32
      %get3A_462 = arith.index_cast %get3A_461 : i32 to index
      %get3A_463 = arith.index_cast %mul3A_460 : i32 to index
      %get3A_464 = tpu.vector_load %arg10[%get3A_462, %get3A_463] {strides = array<i32>} : memref<32x640xf32, #tpu.memory_space<vmem>>, vector<16xf32>,
      %add3A_465 = arith.addf %add3A_451, %get3A_464 : vector<16xf32>
      %mul3A_466 = arith.constant 16 : i32
      %mul3A_467 = arith.muli %scan3A_53, %mul3A_466 : i32
      %get3A_468 = arith.constant 29 : i32
      %get3A_469 = arith.index_cast %get3A_468 : i32 to index
      %get3A_470 = arith.index_cast %mul3A_467 : i32 to index
      %get3A_471 = tpu.vector_load %arg11[%get3A_469, %get3A_470] {strides = array<i32>} : memref<32x640xf32, #tpu.memory_space<vmem>>, vector<16xf32>,
      %add3A_472 = arith.addf %add3A_458, %get3A_471 : vector<16xf32>
      %mul3A_473 = arith.constant 16 : i32
      %mul3A_474 = arith.muli %scan3A_53, %mul3A_473 : i32
      %get3A_475 = arith.constant 30 : i32
      %get3A_476 = arith.index_cast %get3A_475 : i32 to index
      %get3A_477 = arith.index_cast %mul3A_474 : i32 to index
      %get3A_478 = tpu.vector_load %arg10[%get3A_476, %get3A_477] {strides = array<i32>} : memref<32x640xf32, #tpu.memory_space<vmem>>, vector<16xf32>,
      %add3A_479 = arith.addf %add3A_465, %get3A_478 : vector<16xf32>
      %mul3A_480 = arith.constant 16 : i32
      %mul3A_481 = arith.muli %scan3A_53, %mul3A_480 : i32
      %get3A_482 = arith.constant 30 : i32
      %get3A_483 = arith.index_cast %get3A_482 : i32 to index
      %get3A_484 = arith.index_cast %mul3A_481 : i32 to index
      %get3A_485 = tpu.vector_load %arg11[%get3A_483, %get3A_484] {strides = array<i32>} : memref<32x640xf32, #tpu.memory_space<vmem>>, vector<16xf32>,
      %add3A_486 = arith.addf %add3A_472, %get3A_485 : vector<16xf32>
      %mul3A_487 = arith.constant 16 : i32
      %mul3A_488 = arith.muli %scan3A_53, %mul3A_487 : i32
      %get3A_489 = arith.constant 31 : i32
      %get3A_490 = arith.index_cast %get3A_489 : i32 to index
      %get3A_491 = arith.index_cast %mul3A_488 : i32 to index
      %get3A_492 = tpu.vector_load %arg10[%get3A_490, %get3A_491] {strides = array<i32>} : memref<32x640xf32, #tpu.memory_space<vmem>>, vector<16xf32>,
      %add3A_493 = arith.addf %add3A_479, %get3A_492 : vector<16xf32>
      %mul3A_494 = arith.constant 16 : i32
      %mul3A_495 = arith.muli %scan3A_53, %mul3A_494 : i32
      %get3A_496 = arith.constant 31 : i32
      %get3A_497 = arith.index_cast %get3A_496 : i32 to index
      %get3A_498 = arith.index_cast %mul3A_495 : i32 to index
      %get3A_499 = tpu.vector_load %arg11[%get3A_497, %get3A_498] {strides = array<i32>} : memref<32x640xf32, #tpu.memory_space<vmem>>, vector<16xf32>,
      %add3A_500 = arith.addf %add3A_486, %get3A_499 : vector<16xf32>
      %div3A = arith.divf %add3A_493, %add3A_500 : vector<16xf32>
      %mul3A_501 = arith.constant 16 : i32
      %mul3A_502 = arith.muli %scan3A_53, %mul3A_501 : i32
      %swap3A_503 = arith.constant 0 : i32
      %swap3A_504 = arith.index_cast %swap3A_503 : i32 to index
      %swap3A_505 = arith.index_cast %mul3A_502 : i32 to index
      %swap3A_506 = tpu.vector_load %arg10[%swap3A_504, %swap3A_505] {strides = array<i32>} : memref<32x640xf32, #tpu.memory_space<vmem>>, vector<16xf32>,
      tpu.vector_store %arg10[%swap3A_504, %swap3A_505], %div3A {strides = array<i32>} : memref<32x640xf32, #tpu.memory_space<vmem>>, vector<16xf32>,
      %scan3A_507 = arith.constant 0 : i32
      %scan3A_508 = arith.constant 1 : i32
      %scan3A_509 = arith.addi %scan3A_53, %scan3A_508 : i32
      %mul3A_510 = arith.constant 16 : i32
      %mul3A_511 = arith.muli %scan3A_509, %mul3A_510 : i32
      %get3A_512 = arith.constant 0 : i32
      %get3A_513 = arith.index_cast %get3A_512 : i32 to index
      %get3A_514 = arith.index_cast %mul3A_511 : i32 to index
      %get3A_515 = tpu.vector_load %arg10[%get3A_513, %get3A_514] {strides = array<i32>} : memref<32x640xf32, #tpu.memory_space<vmem>>, vector<16xf32>,
      %mul3A_516 = arith.constant 16 : i32
      %mul3A_517 = arith.muli %scan3A_509, %mul3A_516 : i32
      %get3A_518 = arith.constant 0 : i32
      %get3A_519 = arith.index_cast %get3A_518 : i32 to index
      %get3A_520 = arith.index_cast %mul3A_517 : i32 to index
      %get3A_521 = tpu.vector_load %arg11[%get3A_519, %get3A_520] {strides = array<i32>} : memref<32x640xf32, #tpu.memory_space<vmem>>, vector<16xf32>,
      %mul3A_522 = arith.constant 16 : i32
      %mul3A_523 = arith.muli %scan3A_509, %mul3A_522 : i32
      %get3A_524 = arith.constant 1 : i32
      %get3A_525 = arith.index_cast %get3A_524 : i32 to index
      %get3A_526 = arith.index_cast %mul3A_523 : i32 to index
      %get3A_527 = tpu.vector_load %arg10[%get3A_525, %get3A_526] {strides = array<i32>} : memref<32x640xf32, #tpu.memory_space<vmem>>, vector<16xf32>,
      %add3A_528 = arith.addf %get3A_515, %get3A_527 : vector<16xf32>
      %mul3A_529 = arith.constant 16 : i32
      %mul3A_530 = arith.muli %scan3A_509, %mul3A_529 : i32
      %get3A_531 = arith.constant 1 : i32
      %get3A_532 = arith.index_cast %get3A_531 : i32 to index
      %get3A_533 = arith.index_cast %mul3A_530 : i32 to index
      %get3A_534 = tpu.vector_load %arg11[%get3A_532, %get3A_533] {strides = array<i32>} : memref<32x640xf32, #tpu.memory_space<vmem>>, vector<16xf32>,
      %add3A_535 = arith.addf %get3A_521, %get3A_534 : vector<16xf32>
      %mul3A_536 = arith.constant 16 : i32
      %mul3A_537 = arith.muli %scan3A_509, %mul3A_536 : i32
      %get3A_538 = arith.constant 2 : i32
      %get3A_539 = arith.index_cast %get3A_538 : i32 to index
      %get3A_540 = arith.index_cast %mul3A_537 : i32 to index
      %get3A_541 = tpu.vector_load %arg10[%get3A_539, %get3A_540] {strides = array<i32>} : memref<32x640xf32, #tpu.memory_space<vmem>>, vector<16xf32>,
      %add3A_542 = arith.addf %add3A_528, %get3A_541 : vector<16xf32>
      %mul3A_543 = arith.constant 16 : i32
      %mul3A_544 = arith.muli %scan3A_509, %mul3A_543 : i32
      %get3A_545 = arith.constant 2 : i32
      %get3A_546 = arith.index_cast %get3A_545 : i32 to index
      %get3A_547 = arith.index_cast %mul3A_544 : i32 to index
      %get3A_548 = tpu.vector_load %arg11[%get3A_546, %get3A_547] {strides = array<i32>} : memref<32x640xf32, #tpu.memory_space<vmem>>, vector<16xf32>,
      %add3A_549 = arith.addf %add3A_535, %get3A_548 : vector<16xf32>
      %mul3A_550 = arith.constant 16 : i32
      %mul3A_551 = arith.muli %scan3A_509, %mul3A_550 : i32
      %get3A_552 = arith.constant 3 : i32
      %get3A_553 = arith.index_cast %get3A_552 : i32 to index
      %get3A_554 = arith.index_cast %mul3A_551 : i32 to index
      %get3A_555 = tpu.vector_load %arg10[%get3A_553, %get3A_554] {strides = array<i32>} : memref<32x640xf32, #tpu.memory_space<vmem>>, vector<16xf32>,
      %add3A_556 = arith.addf %add3A_542, %get3A_555 : vector<16xf32>
      %mul3A_557 = arith.constant 16 : i32
      %mul3A_558 = arith.muli %scan3A_509, %mul3A_557 : i32
      %get3A_559 = arith.constant 3 : i32
      %get3A_560 = arith.index_cast %get3A_559 : i32 to index
      %get3A_561 = arith.index_cast %mul3A_558 : i32 to index
      %get3A_562 = tpu.vector_load %arg11[%get3A_560, %get3A_561] {strides = array<i32>} : memref<32x640xf32, #tpu.memory_space<vmem>>, vector<16xf32>,
      %add3A_563 = arith.addf %add3A_549, %get3A_562 : vector<16xf32>
      %mul3A_564 = arith.constant 16 : i32
      %mul3A_565 = arith.muli %scan3A_509, %mul3A_564 : i32
      %get3A_566 = arith.constant 4 : i32
      %get3A_567 = arith.index_cast %get3A_566 : i32 to index
      %get3A_568 = arith.index_cast %mul3A_565 : i32 to index
      %get3A_569 = tpu.vector_load %arg10[%get3A_567, %get3A_568] {strides = array<i32>} : memref<32x640xf32, #tpu.memory_space<vmem>>, vector<16xf32>,
      %add3A_570 = arith.addf %add3A_556, %get3A_569 : vector<16xf32>
      %mul3A_571 = arith.constant 16 : i32
      %mul3A_572 = arith.muli %scan3A_509, %mul3A_571 : i32
      %get3A_573 = arith.constant 4 : i32
      %get3A_574 = arith.index_cast %get3A_573 : i32 to index
      %get3A_575 = arith.index_cast %mul3A_572 : i32 to index
      %get3A_576 = tpu.vector_load %arg11[%get3A_574, %get3A_575] {strides = array<i32>} : memref<32x640xf32, #tpu.memory_space<vmem>>, vector<16xf32>,
      %add3A_577 = arith.addf %add3A_563, %get3A_576 : vector<16xf32>
      %mul3A_578 = arith.constant 16 : i32
      %mul3A_579 = arith.muli %scan3A_509, %mul3A_578 : i32
      %get3A_580 = arith.constant 5 : i32
      %get3A_581 = arith.index_cast %get3A_580 : i32 to index
      %get3A_582 = arith.index_cast %mul3A_579 : i32 to index
      %get3A_583 = tpu.vector_load %arg10[%get3A_581, %get3A_582] {strides = array<i32>} : memref<32x640xf32, #tpu.memory_space<vmem>>, vector<16xf32>,
      %add3A_584 = arith.addf %add3A_570, %get3A_583 : vector<16xf32>
      %mul3A_585 = arith.constant 16 : i32
      %mul3A_586 = arith.muli %scan3A_509, %mul3A_585 : i32
      %get3A_587 = arith.constant 5 : i32
      %get3A_588 = arith.index_cast %get3A_587 : i32 to index
      %get3A_589 = arith.index_cast %mul3A_586 : i32 to index
      %get3A_590 = tpu.vector_load %arg11[%get3A_588, %get3A_589] {strides = array<i32>} : memref<32x640xf32, #tpu.memory_space<vmem>>, vector<16xf32>,
      %add3A_591 = arith.addf %add3A_577, %get3A_590 : vector<16xf32>
      %mul3A_592 = arith.constant 16 : i32
      %mul3A_593 = arith.muli %scan3A_509, %mul3A_592 : i32
      %get3A_594 = arith.constant 6 : i32
      %get3A_595 = arith.index_cast %get3A_594 : i32 to index
      %get3A_596 = arith.index_cast %mul3A_593 : i32 to index
      %get3A_597 = tpu.vector_load %arg10[%get3A_595, %get3A_596] {strides = array<i32>} : memref<32x640xf32, #tpu.memory_space<vmem>>, vector<16xf32>,
      %add3A_598 = arith.addf %add3A_584, %get3A_597 : vector<16xf32>
      %mul3A_599 = arith.constant 16 : i32
      %mul3A_600 = arith.muli %scan3A_509, %mul3A_599 : i32
      %get3A_601 = arith.constant 6 : i32
      %get3A_602 = arith.index_cast %get3A_601 : i32 to index
      %get3A_603 = arith.index_cast %mul3A_600 : i32 to index
      %get3A_604 = tpu.vector_load %arg11[%get3A_602, %get3A_603] {strides = array<i32>} : memref<32x640xf32, #tpu.memory_space<vmem>>, vector<16xf32>,
      %add3A_605 = arith.addf %add3A_591, %get3A_604 : vector<16xf32>
      %mul3A_606 = arith.constant 16 : i32
      %mul3A_607 = arith.muli %scan3A_509, %mul3A_606 : i32
      %get3A_608 = arith.constant 7 : i32
      %get3A_609 = arith.index_cast %get3A_608 : i32 to index
      %get3A_610 = arith.index_cast %mul3A_607 : i32 to index
      %get3A_611 = tpu.vector_load %arg10[%get3A_609, %get3A_610] {strides = array<i32>} : memref<32x640xf32, #tpu.memory_space<vmem>>, vector<16xf32>,
      %add3A_612 = arith.addf %add3A_598, %get3A_611 : vector<16xf32>
      %mul3A_613 = arith.constant 16 : i32
      %mul3A_614 = arith.muli %scan3A_509, %mul3A_613 : i32
      %get3A_615 = arith.constant 7 : i32
      %get3A_616 = arith.index_cast %get3A_615 : i32 to index
      %get3A_617 = arith.index_cast %mul3A_614 : i32 to index
      %get3A_618 = tpu.vector_load %arg11[%get3A_616, %get3A_617] {strides = array<i32>} : memref<32x640xf32, #tpu.memory_space<vmem>>, vector<16xf32>,
      %add3A_619 = arith.addf %add3A_605, %get3A_618 : vector<16xf32>
      %mul3A_620 = arith.constant 16 : i32
      %mul3A_621 = arith.muli %scan3A_509, %mul3A_620 : i32
      %get3A_622 = arith.constant 8 : i32
      %get3A_623 = arith.index_cast %get3A_622 : i32 to index
      %get3A_624 = arith.index_cast %mul3A_621 : i32 to index
      %get3A_625 = tpu.vector_load %arg10[%get3A_623, %get3A_624] {strides = array<i32>} : memref<32x640xf32, #tpu.memory_space<vmem>>, vector<16xf32>,
      %add3A_626 = arith.addf %add3A_612, %get3A_625 : vector<16xf32>
      %mul3A_627 = arith.constant 16 : i32
      %mul3A_628 = arith.muli %scan3A_509, %mul3A_627 : i32
      %get3A_629 = arith.constant 8 : i32
      %get3A_630 = arith.index_cast %get3A_629 : i32 to index
      %get3A_631 = arith.index_cast %mul3A_628 : i32 to index
      %get3A_632 = tpu.vector_load %arg11[%get3A_630, %get3A_631] {strides = array<i32>} : memref<32x640xf32, #tpu.memory_space<vmem>>, vector<16xf32>,
      %add3A_633 = arith.addf %add3A_619, %get3A_632 : vector<16xf32>
      %mul3A_634 = arith.constant 16 : i32
      %mul3A_635 = arith.muli %scan3A_509, %mul3A_634 : i32
      %get3A_636 = arith.constant 9 : i32
      %get3A_637 = arith.index_cast %get3A_636 : i32 to index
      %get3A_638 = arith.index_cast %mul3A_635 : i32 to index
      %get3A_639 = tpu.vector_load %arg10[%get3A_637, %get3A_638] {strides = array<i32>} : memref<32x640xf32, #tpu.memory_space<vmem>>, vector<16xf32>,
      %add3A_640 = arith.addf %add3A_626, %get3A_639 : vector<16xf32>
      %mul3A_641 = arith.constant 16 : i32
      %mul3A_642 = arith.muli %scan3A_509, %mul3A_641 : i32
      %get3A_643 = arith.constant 9 : i32
      %get3A_644 = arith.index_cast %get3A_643 : i32 to index
      %get3A_645 = arith.index_cast %mul3A_642 : i32 to index
      %get3A_646 = tpu.vector_load %arg11[%get3A_644, %get3A_645] {strides = array<i32>} : memref<32x640xf32, #tpu.memory_space<vmem>>, vector<16xf32>,
      %add3A_647 = arith.addf %add3A_633, %get3A_646 : vector<16xf32>
      %mul3A_648 = arith.constant 16 : i32
      %mul3A_649 = arith.muli %scan3A_509, %mul3A_648 : i32
      %get3A_650 = arith.constant 10 : i32
      %get3A_651 = arith.index_cast %get3A_650 : i32 to index
      %get3A_652 = arith.index_cast %mul3A_649 : i32 to index
      %get3A_653 = tpu.vector_load %arg10[%get3A_651, %get3A_652] {strides = array<i32>} : memref<32x640xf32, #tpu.memory_space<vmem>>, vector<16xf32>,
      %add3A_654 = arith.addf %add3A_640, %get3A_653 : vector<16xf32>
      %mul3A_655 = arith.constant 16 : i32
      %mul3A_656 = arith.muli %scan3A_509, %mul3A_655 : i32
      %get3A_657 = arith.constant 10 : i32
      %get3A_658 = arith.index_cast %get3A_657 : i32 to index
      %get3A_659 = arith.index_cast %mul3A_656 : i32 to index
      %get3A_660 = tpu.vector_load %arg11[%get3A_658, %get3A_659] {strides = array<i32>} : memref<32x640xf32, #tpu.memory_space<vmem>>, vector<16xf32>,
      %add3A_661 = arith.addf %add3A_647, %get3A_660 : vector<16xf32>
      %mul3A_662 = arith.constant 16 : i32
      %mul3A_663 = arith.muli %scan3A_509, %mul3A_662 : i32
      %get3A_664 = arith.constant 11 : i32
      %get3A_665 = arith.index_cast %get3A_664 : i32 to index
      %get3A_666 = arith.index_cast %mul3A_663 : i32 to index
      %get3A_667 = tpu.vector_load %arg10[%get3A_665, %get3A_666] {strides = array<i32>} : memref<32x640xf32, #tpu.memory_space<vmem>>, vector<16xf32>,
      %add3A_668 = arith.addf %add3A_654, %get3A_667 : vector<16xf32>
      %mul3A_669 = arith.constant 16 : i32
      %mul3A_670 = arith.muli %scan3A_509, %mul3A_669 : i32
      %get3A_671 = arith.constant 11 : i32
      %get3A_672 = arith.index_cast %get3A_671 : i32 to index
      %get3A_673 = arith.index_cast %mul3A_670 : i32 to index
      %get3A_674 = tpu.vector_load %arg11[%get3A_672, %get3A_673] {strides = array<i32>} : memref<32x640xf32, #tpu.memory_space<vmem>>, vector<16xf32>,
      %add3A_675 = arith.addf %add3A_661, %get3A_674 : vector<16xf32>
      %mul3A_676 = arith.constant 16 : i32
      %mul3A_677 = arith.muli %scan3A_509, %mul3A_676 : i32
      %get3A_678 = arith.constant 12 : i32
      %get3A_679 = arith.index_cast %get3A_678 : i32 to index
      %get3A_680 = arith.index_cast %mul3A_677 : i32 to index
      %get3A_681 = tpu.vector_load %arg10[%get3A_679, %get3A_680] {strides = array<i32>} : memref<32x640xf32, #tpu.memory_space<vmem>>, vector<16xf32>,
      %add3A_682 = arith.addf %add3A_668, %get3A_681 : vector<16xf32>
      %mul3A_683 = arith.constant 16 : i32
      %mul3A_684 = arith.muli %scan3A_509, %mul3A_683 : i32
      %get3A_685 = arith.constant 12 : i32
      %get3A_686 = arith.index_cast %get3A_685 : i32 to index
      %get3A_687 = arith.index_cast %mul3A_684 : i32 to index
      %get3A_688 = tpu.vector_load %arg11[%get3A_686, %get3A_687] {strides = array<i32>} : memref<32x640xf32, #tpu.memory_space<vmem>>, vector<16xf32>,
      %add3A_689 = arith.addf %add3A_675, %get3A_688 : vector<16xf32>
      %mul3A_690 = arith.constant 16 : i32
      %mul3A_691 = arith.muli %scan3A_509, %mul3A_690 : i32
      %get3A_692 = arith.constant 13 : i32
      %get3A_693 = arith.index_cast %get3A_692 : i32 to index
      %get3A_694 = arith.index_cast %mul3A_691 : i32 to index
      %get3A_695 = tpu.vector_load %arg10[%get3A_693, %get3A_694] {strides = array<i32>} : memref<32x640xf32, #tpu.memory_space<vmem>>, vector<16xf32>,
      %add3A_696 = arith.addf %add3A_682, %get3A_695 : vector<16xf32>
      %mul3A_697 = arith.constant 16 : i32
      %mul3A_698 = arith.muli %scan3A_509, %mul3A_697 : i32
      %get3A_699 = arith.constant 13 : i32
      %get3A_700 = arith.index_cast %get3A_699 : i32 to index
      %get3A_701 = arith.index_cast %mul3A_698 : i32 to index
      %get3A_702 = tpu.vector_load %arg11[%get3A_700, %get3A_701] {strides = array<i32>} : memref<32x640xf32, #tpu.memory_space<vmem>>, vector<16xf32>,
      %add3A_703 = arith.addf %add3A_689, %get3A_702 : vector<16xf32>
      %mul3A_704 = arith.constant 16 : i32
      %mul3A_705 = arith.muli %scan3A_509, %mul3A_704 : i32
      %get3A_706 = arith.constant 14 : i32
      %get3A_707 = arith.index_cast %get3A_706 : i32 to index
      %get3A_708 = arith.index_cast %mul3A_705 : i32 to index
      %get3A_709 = tpu.vector_load %arg10[%get3A_707, %get3A_708] {strides = array<i32>} : memref<32x640xf32, #tpu.memory_space<vmem>>, vector<16xf32>,
      %add3A_710 = arith.addf %add3A_696, %get3A_709 : vector<16xf32>
      %mul3A_711 = arith.constant 16 : i32
      %mul3A_712 = arith.muli %scan3A_509, %mul3A_711 : i32
      %get3A_713 = arith.constant 14 : i32
      %get3A_714 = arith.index_cast %get3A_713 : i32 to index
      %get3A_715 = arith.index_cast %mul3A_712 : i32 to index
      %get3A_716 = tpu.vector_load %arg11[%get3A_714, %get3A_715] {strides = array<i32>} : memref<32x640xf32, #tpu.memory_space<vmem>>, vector<16xf32>,
      %add3A_717 = arith.addf %add3A_703, %get3A_716 : vector<16xf32>
      %mul3A_718 = arith.constant 16 : i32
      %mul3A_719 = arith.muli %scan3A_509, %mul3A_718 : i32
      %get3A_720 = arith.constant 15 : i32
      %get3A_721 = arith.index_cast %get3A_720 : i32 to index
      %get3A_722 = arith.index_cast %mul3A_719 : i32 to index
      %get3A_723 = tpu.vector_load %arg10[%get3A_721, %get3A_722] {strides = array<i32>} : memref<32x640xf32, #tpu.memory_space<vmem>>, vector<16xf32>,
      %add3A_724 = arith.addf %add3A_710, %get3A_723 : vector<16xf32>
      %mul3A_725 = arith.constant 16 : i32
      %mul3A_726 = arith.muli %scan3A_509, %mul3A_725 : i32
      %get3A_727 = arith.constant 15 : i32
      %get3A_728 = arith.index_cast %get3A_727 : i32 to index
      %get3A_729 = arith.index_cast %mul3A_726 : i32 to index
      %get3A_730 = tpu.vector_load %arg11[%get3A_728, %get3A_729] {strides = array<i32>} : memref<32x640xf32, #tpu.memory_space<vmem>>, vector<16xf32>,
      %add3A_731 = arith.addf %add3A_717, %get3A_730 : vector<16xf32>
      %mul3A_732 = arith.constant 16 : i32
      %mul3A_733 = arith.muli %scan3A_509, %mul3A_732 : i32
      %get3A_734 = arith.constant 16 : i32
      %get3A_735 = arith.index_cast %get3A_734 : i32 to index
      %get3A_736 = arith.index_cast %mul3A_733 : i32 to index
      %get3A_737 = tpu.vector_load %arg10[%get3A_735, %get3A_736] {strides = array<i32>} : memref<32x640xf32, #tpu.memory_space<vmem>>, vector<16xf32>,
      %add3A_738 = arith.addf %add3A_724, %get3A_737 : vector<16xf32>
      %mul3A_739 = arith.constant 16 : i32
      %mul3A_740 = arith.muli %scan3A_509, %mul3A_739 : i32
      %get3A_741 = arith.constant 16 : i32
      %get3A_742 = arith.index_cast %get3A_741 : i32 to index
      %get3A_743 = arith.index_cast %mul3A_740 : i32 to index
      %get3A_744 = tpu.vector_load %arg11[%get3A_742, %get3A_743] {strides = array<i32>} : memref<32x640xf32, #tpu.memory_space<vmem>>, vector<16xf32>,
      %add3A_745 = arith.addf %add3A_731, %get3A_744 : vector<16xf32>
      %mul3A_746 = arith.constant 16 : i32
      %mul3A_747 = arith.muli %scan3A_509, %mul3A_746 : i32
      %get3A_748 = arith.constant 17 : i32
      %get3A_749 = arith.index_cast %get3A_748 : i32 to index
      %get3A_750 = arith.index_cast %mul3A_747 : i32 to index
      %get3A_751 = tpu.vector_load %arg10[%get3A_749, %get3A_750] {strides = array<i32>} : memref<32x640xf32, #tpu.memory_space<vmem>>, vector<16xf32>,
      %add3A_752 = arith.addf %add3A_738, %get3A_751 : vector<16xf32>
      %mul3A_753 = arith.constant 16 : i32
      %mul3A_754 = arith.muli %scan3A_509, %mul3A_753 : i32
      %get3A_755 = arith.constant 17 : i32
      %get3A_756 = arith.index_cast %get3A_755 : i32 to index
      %get3A_757 = arith.index_cast %mul3A_754 : i32 to index
      %get3A_758 = tpu.vector_load %arg11[%get3A_756, %get3A_757] {strides = array<i32>} : memref<32x640xf32, #tpu.memory_space<vmem>>, vector<16xf32>,
      %add3A_759 = arith.addf %add3A_745, %get3A_758 : vector<16xf32>
      %mul3A_760 = arith.constant 16 : i32
      %mul3A_761 = arith.muli %scan3A_509, %mul3A_760 : i32
      %get3A_762 = arith.constant 18 : i32
      %get3A_763 = arith.index_cast %get3A_762 : i32 to index
      %get3A_764 = arith.index_cast %mul3A_761 : i32 to index
      %get3A_765 = tpu.vector_load %arg10[%get3A_763, %get3A_764] {strides = array<i32>} : memref<32x640xf32, #tpu.memory_space<vmem>>, vector<16xf32>,
      %add3A_766 = arith.addf %add3A_752, %get3A_765 : vector<16xf32>
      %mul3A_767 = arith.constant 16 : i32
      %mul3A_768 = arith.muli %scan3A_509, %mul3A_767 : i32
      %get3A_769 = arith.constant 18 : i32
      %get3A_770 = arith.index_cast %get3A_769 : i32 to index
      %get3A_771 = arith.index_cast %mul3A_768 : i32 to index
      %get3A_772 = tpu.vector_load %arg11[%get3A_770, %get3A_771] {strides = array<i32>} : memref<32x640xf32, #tpu.memory_space<vmem>>, vector<16xf32>,
      %add3A_773 = arith.addf %add3A_759, %get3A_772 : vector<16xf32>
      %mul3A_774 = arith.constant 16 : i32
      %mul3A_775 = arith.muli %scan3A_509, %mul3A_774 : i32
      %get3A_776 = arith.constant 19 : i32
      %get3A_777 = arith.index_cast %get3A_776 : i32 to index
      %get3A_778 = arith.index_cast %mul3A_775 : i32 to index
      %get3A_779 = tpu.vector_load %arg10[%get3A_777, %get3A_778] {strides = array<i32>} : memref<32x640xf32, #tpu.memory_space<vmem>>, vector<16xf32>,
      %add3A_780 = arith.addf %add3A_766, %get3A_779 : vector<16xf32>
      %mul3A_781 = arith.constant 16 : i32
      %mul3A_782 = arith.muli %scan3A_509, %mul3A_781 : i32
      %get3A_783 = arith.constant 19 : i32
      %get3A_784 = arith.index_cast %get3A_783 : i32 to index
      %get3A_785 = arith.index_cast %mul3A_782 : i32 to index
      %get3A_786 = tpu.vector_load %arg11[%get3A_784, %get3A_785] {strides = array<i32>} : memref<32x640xf32, #tpu.memory_space<vmem>>, vector<16xf32>,
      %add3A_787 = arith.addf %add3A_773, %get3A_786 : vector<16xf32>
      %mul3A_788 = arith.constant 16 : i32
      %mul3A_789 = arith.muli %scan3A_509, %mul3A_788 : i32
      %get3A_790 = arith.constant 20 : i32
      %get3A_791 = arith.index_cast %get3A_790 : i32 to index
      %get3A_792 = arith.index_cast %mul3A_789 : i32 to index
      %get3A_793 = tpu.vector_load %arg10[%get3A_791, %get3A_792] {strides = array<i32>} : memref<32x640xf32, #tpu.memory_space<vmem>>, vector<16xf32>,
      %add3A_794 = arith.addf %add3A_780, %get3A_793 : vector<16xf32>
      %mul3A_795 = arith.constant 16 : i32
      %mul3A_796 = arith.muli %scan3A_509, %mul3A_795 : i32
      %get3A_797 = arith.constant 20 : i32
      %get3A_798 = arith.index_cast %get3A_797 : i32 to index
      %get3A_799 = arith.index_cast %mul3A_796 : i32 to index
      %get3A_800 = tpu.vector_load %arg11[%get3A_798, %get3A_799] {strides = array<i32>} : memref<32x640xf32, #tpu.memory_space<vmem>>, vector<16xf32>,
      %add3A_801 = arith.addf %add3A_787, %get3A_800 : vector<16xf32>
      %mul3A_802 = arith.constant 16 : i32
      %mul3A_803 = arith.muli %scan3A_509, %mul3A_802 : i32
      %get3A_804 = arith.constant 21 : i32
      %get3A_805 = arith.index_cast %get3A_804 : i32 to index
      %get3A_806 = arith.index_cast %mul3A_803 : i32 to index
      %get3A_807 = tpu.vector_load %arg10[%get3A_805, %get3A_806] {strides = array<i32>} : memref<32x640xf32, #tpu.memory_space<vmem>>, vector<16xf32>,
      %add3A_808 = arith.addf %add3A_794, %get3A_807 : vector<16xf32>
      %mul3A_809 = arith.constant 16 : i32
      %mul3A_810 = arith.muli %scan3A_509, %mul3A_809 : i32
      %get3A_811 = arith.constant 21 : i32
      %get3A_812 = arith.index_cast %get3A_811 : i32 to index
      %get3A_813 = arith.index_cast %mul3A_810 : i32 to index
      %get3A_814 = tpu.vector_load %arg11[%get3A_812, %get3A_813] {strides = array<i32>} : memref<32x640xf32, #tpu.memory_space<vmem>>, vector<16xf32>,
      %add3A_815 = arith.addf %add3A_801, %get3A_814 : vector<16xf32>
      %mul3A_816 = arith.constant 16 : i32
      %mul3A_817 = arith.muli %scan3A_509, %mul3A_816 : i32
      %get3A_818 = arith.constant 22 : i32
      %get3A_819 = arith.index_cast %get3A_818 : i32 to index
      %get3A_820 = arith.index_cast %mul3A_817 : i32 to index
      %get3A_821 = tpu.vector_load %arg10[%get3A_819, %get3A_820] {strides = array<i32>} : memref<32x640xf32, #tpu.memory_space<vmem>>, vector<16xf32>,
      %add3A_822 = arith.addf %add3A_808, %get3A_821 : vector<16xf32>
      %mul3A_823 = arith.constant 16 : i32
      %mul3A_824 = arith.muli %scan3A_509, %mul3A_823 : i32
      %get3A_825 = arith.constant 22 : i32
      %get3A_826 = arith.index_cast %get3A_825 : i32 to index
      %get3A_827 = arith.index_cast %mul3A_824 : i32 to index
      %get3A_828 = tpu.vector_load %arg11[%get3A_826, %get3A_827] {strides = array<i32>} : memref<32x640xf32, #tpu.memory_space<vmem>>, vector<16xf32>,
      %add3A_829 = arith.addf %add3A_815, %get3A_828 : vector<16xf32>
      %mul3A_830 = arith.constant 16 : i32
      %mul3A_831 = arith.muli %scan3A_509, %mul3A_830 : i32
      %get3A_832 = arith.constant 23 : i32
      %get3A_833 = arith.index_cast %get3A_832 : i32 to index
      %get3A_834 = arith.index_cast %mul3A_831 : i32 to index
      %get3A_835 = tpu.vector_load %arg10[%get3A_833, %get3A_834] {strides = array<i32>} : memref<32x640xf32, #tpu.memory_space<vmem>>, vector<16xf32>,
      %add3A_836 = arith.addf %add3A_822, %get3A_835 : vector<16xf32>
      %mul3A_837 = arith.constant 16 : i32
      %mul3A_838 = arith.muli %scan3A_509, %mul3A_837 : i32
      %get3A_839 = arith.constant 23 : i32
      %get3A_840 = arith.index_cast %get3A_839 : i32 to index
      %get3A_841 = arith.index_cast %mul3A_838 : i32 to index
      %get3A_842 = tpu.vector_load %arg11[%get3A_840, %get3A_841] {strides = array<i32>} : memref<32x640xf32, #tpu.memory_space<vmem>>, vector<16xf32>,
      %add3A_843 = arith.addf %add3A_829, %get3A_842 : vector<16xf32>
      %mul3A_844 = arith.constant 16 : i32
      %mul3A_845 = arith.muli %scan3A_509, %mul3A_844 : i32
      %get3A_846 = arith.constant 24 : i32
      %get3A_847 = arith.index_cast %get3A_846 : i32 to index
      %get3A_848 = arith.index_cast %mul3A_845 : i32 to index
      %get3A_849 = tpu.vector_load %arg10[%get3A_847, %get3A_848] {strides = array<i32>} : memref<32x640xf32, #tpu.memory_space<vmem>>, vector<16xf32>,
      %add3A_850 = arith.addf %add3A_836, %get3A_849 : vector<16xf32>
      %mul3A_851 = arith.constant 16 : i32
      %mul3A_852 = arith.muli %scan3A_509, %mul3A_851 : i32
      %get3A_853 = arith.constant 24 : i32
      %get3A_854 = arith.index_cast %get3A_853 : i32 to index
      %get3A_855 = arith.index_cast %mul3A_852 : i32 to index
      %get3A_856 = tpu.vector_load %arg11[%get3A_854, %get3A_855] {strides = array<i32>} : memref<32x640xf32, #tpu.memory_space<vmem>>, vector<16xf32>,
      %add3A_857 = arith.addf %add3A_843, %get3A_856 : vector<16xf32>
      %mul3A_858 = arith.constant 16 : i32
      %mul3A_859 = arith.muli %scan3A_509, %mul3A_858 : i32
      %get3A_860 = arith.constant 25 : i32
      %get3A_861 = arith.index_cast %get3A_860 : i32 to index
      %get3A_862 = arith.index_cast %mul3A_859 : i32 to index
      %get3A_863 = tpu.vector_load %arg10[%get3A_861, %get3A_862] {strides = array<i32>} : memref<32x640xf32, #tpu.memory_space<vmem>>, vector<16xf32>,
      %add3A_864 = arith.addf %add3A_850, %get3A_863 : vector<16xf32>
      %mul3A_865 = arith.constant 16 : i32
      %mul3A_866 = arith.muli %scan3A_509, %mul3A_865 : i32
      %get3A_867 = arith.constant 25 : i32
      %get3A_868 = arith.index_cast %get3A_867 : i32 to index
      %get3A_869 = arith.index_cast %mul3A_866 : i32 to index
      %get3A_870 = tpu.vector_load %arg11[%get3A_868, %get3A_869] {strides = array<i32>} : memref<32x640xf32, #tpu.memory_space<vmem>>, vector<16xf32>,
      %add3A_871 = arith.addf %add3A_857, %get3A_870 : vector<16xf32>
      %mul3A_872 = arith.constant 16 : i32
      %mul3A_873 = arith.muli %scan3A_509, %mul3A_872 : i32
      %get3A_874 = arith.constant 26 : i32
      %get3A_875 = arith.index_cast %get3A_874 : i32 to index
      %get3A_876 = arith.index_cast %mul3A_873 : i32 to index
      %get3A_877 = tpu.vector_load %arg10[%get3A_875, %get3A_876] {strides = array<i32>} : memref<32x640xf32, #tpu.memory_space<vmem>>, vector<16xf32>,
      %add3A_878 = arith.addf %add3A_864, %get3A_877 : vector<16xf32>
      %mul3A_879 = arith.constant 16 : i32
      %mul3A_880 = arith.muli %scan3A_509, %mul3A_879 : i32
      %get3A_881 = arith.constant 26 : i32
      %get3A_882 = arith.index_cast %get3A_881 : i32 to index
      %get3A_883 = arith.index_cast %mul3A_880 : i32 to index
      %get3A_884 = tpu.vector_load %arg11[%get3A_882, %get3A_883] {strides = array<i32>} : memref<32x640xf32, #tpu.memory_space<vmem>>, vector<16xf32>,
      %add3A_885 = arith.addf %add3A_871, %get3A_884 : vector<16xf32>
      %mul3A_886 = arith.constant 16 : i32
      %mul3A_887 = arith.muli %scan3A_509, %mul3A_886 : i32
      %get3A_888 = arith.constant 27 : i32
      %get3A_889 = arith.index_cast %get3A_888 : i32 to index
      %get3A_890 = arith.index_cast %mul3A_887 : i32 to index
      %get3A_891 = tpu.vector_load %arg10[%get3A_889, %get3A_890] {strides = array<i32>} : memref<32x640xf32, #tpu.memory_space<vmem>>, vector<16xf32>,
      %add3A_892 = arith.addf %add3A_878, %get3A_891 : vector<16xf32>
      %mul3A_893 = arith.constant 16 : i32
      %mul3A_894 = arith.muli %scan3A_509, %mul3A_893 : i32
      %get3A_895 = arith.constant 27 : i32
      %get3A_896 = arith.index_cast %get3A_895 : i32 to index
      %get3A_897 = arith.index_cast %mul3A_894 : i32 to index
      %get3A_898 = tpu.vector_load %arg11[%get3A_896, %get3A_897] {strides = array<i32>} : memref<32x640xf32, #tpu.memory_space<vmem>>, vector<16xf32>,
      %add3A_899 = arith.addf %add3A_885, %get3A_898 : vector<16xf32>
      %mul3A_900 = arith.constant 16 : i32
      %mul3A_901 = arith.muli %scan3A_509, %mul3A_900 : i32
      %get3A_902 = arith.constant 28 : i32
      %get3A_903 = arith.index_cast %get3A_902 : i32 to index
      %get3A_904 = arith.index_cast %mul3A_901 : i32 to index
      %get3A_905 = tpu.vector_load %arg10[%get3A_903, %get3A_904] {strides = array<i32>} : memref<32x640xf32, #tpu.memory_space<vmem>>, vector<16xf32>,
      %add3A_906 = arith.addf %add3A_892, %get3A_905 : vector<16xf32>
      %mul3A_907 = arith.constant 16 : i32
      %mul3A_908 = arith.muli %scan3A_509, %mul3A_907 : i32
      %get3A_909 = arith.constant 28 : i32
      %get3A_910 = arith.index_cast %get3A_909 : i32 to index
      %get3A_911 = arith.index_cast %mul3A_908 : i32 to index
      %get3A_912 = tpu.vector_load %arg11[%get3A_910, %get3A_911] {strides = array<i32>} : memref<32x640xf32, #tpu.memory_space<vmem>>, vector<16xf32>,
      %add3A_913 = arith.addf %add3A_899, %get3A_912 : vector<16xf32>
      %mul3A_914 = arith.constant 16 : i32
      %mul3A_915 = arith.muli %scan3A_509, %mul3A_914 : i32
      %get3A_916 = arith.constant 29 : i32
      %get3A_917 = arith.index_cast %get3A_916 : i32 to index
      %get3A_918 = arith.index_cast %mul3A_915 : i32 to index
      %get3A_919 = tpu.vector_load %arg10[%get3A_917, %get3A_918] {strides = array<i32>} : memref<32x640xf32, #tpu.memory_space<vmem>>, vector<16xf32>,
      %add3A_920 = arith.addf %add3A_906, %get3A_919 : vector<16xf32>
      %mul3A_921 = arith.constant 16 : i32
      %mul3A_922 = arith.muli %scan3A_509, %mul3A_921 : i32
      %get3A_923 = arith.constant 29 : i32
      %get3A_924 = arith.index_cast %get3A_923 : i32 to index
      %get3A_925 = arith.index_cast %mul3A_922 : i32 to index
      %get3A_926 = tpu.vector_load %arg11[%get3A_924, %get3A_925] {strides = array<i32>} : memref<32x640xf32, #tpu.memory_space<vmem>>, vector<16xf32>,
      %add3A_927 = arith.addf %add3A_913, %get3A_926 : vector<16xf32>
      %mul3A_928 = arith.constant 16 : i32
      %mul3A_929 = arith.muli %scan3A_509, %mul3A_928 : i32
      %get3A_930 = arith.constant 30 : i32
      %get3A_931 = arith.index_cast %get3A_930 : i32 to index
      %get3A_932 = arith.index_cast %mul3A_929 : i32 to index
      %get3A_933 = tpu.vector_load %arg10[%get3A_931, %get3A_932] {strides = array<i32>} : memref<32x640xf32, #tpu.memory_space<vmem>>, vector<16xf32>,
      %add3A_934 = arith.addf %add3A_920, %get3A_933 : vector<16xf32>
      %mul3A_935 = arith.constant 16 : i32
      %mul3A_936 = arith.muli %scan3A_509, %mul3A_935 : i32
      %get3A_937 = arith.constant 30 : i32
      %get3A_938 = arith.index_cast %get3A_937 : i32 to index
      %get3A_939 = arith.index_cast %mul3A_936 : i32 to index
      %get3A_940 = tpu.vector_load %arg11[%get3A_938, %get3A_939] {strides = array<i32>} : memref<32x640xf32, #tpu.memory_space<vmem>>, vector<16xf32>,
      %add3A_941 = arith.addf %add3A_927, %get3A_940 : vector<16xf32>
      %mul3A_942 = arith.constant 16 : i32
      %mul3A_943 = arith.muli %scan3A_509, %mul3A_942 : i32
      %get3A_944 = arith.constant 31 : i32
      %get3A_945 = arith.index_cast %get3A_944 : i32 to index
      %get3A_946 = arith.index_cast %mul3A_943 : i32 to index
      %get3A_947 = tpu.vector_load %arg10[%get3A_945, %get3A_946] {strides = array<i32>} : memref<32x640xf32, #tpu.memory_space<vmem>>, vector<16xf32>,
      %add3A_948 = arith.addf %add3A_934, %get3A_947 : vector<16xf32>
      %mul3A_949 = arith.constant 16 : i32
      %mul3A_950 = arith.muli %scan3A_509, %mul3A_949 : i32
      %get3A_951 = arith.constant 31 : i32
      %get3A_952 = arith.index_cast %get3A_951 : i32 to index
      %get3A_953 = arith.index_cast %mul3A_950 : i32 to index
      %get3A_954 = tpu.vector_load %arg11[%get3A_952, %get3A_953] {strides = array<i32>} : memref<32x640xf32, #tpu.memory_space<vmem>>, vector<16xf32>,
      %add3A_955 = arith.addf %add3A_941, %get3A_954 : vector<16xf32>
      %div3A_956 = arith.divf %add3A_948, %add3A_955 : vector<16xf32>
      %mul3A_957 = arith.constant 16 : i32
      %mul3A_958 = arith.muli %scan3A_509, %mul3A_957 : i32
      %swap3A_959 = arith.constant 0 : i32
      %swap3A_960 = arith.index_cast %swap3A_959 : i32 to index
      %swap3A_961 = arith.index_cast %mul3A_958 : i32 to index
      %swap3A_962 = tpu.vector_load %arg10[%swap3A_960, %swap3A_961] {strides = array<i32>} : memref<32x640xf32, #tpu.memory_space<vmem>>, vector<16xf32>,
      tpu.vector_store %arg10[%swap3A_960, %swap3A_961], %div3A_956 {strides = array<i32>} : memref<32x640xf32, #tpu.memory_space<vmem>>, vector<16xf32>,
      %scan3A_963 = arith.constant 0 : i32
      scf.yield %scan3A_963 : i32
    }
    %scan3A_28 = arith.constant 40 : i32
    %run_scoped3A = arith.constant 0 : i32
    "tpu.region"() ({
      %run_scoped3A_53 = tpu.sem_alloc : memref<!tpu.dma_semaphore, #tpu.memory_space<semaphore_mem>>
      %dma_start3A_54 = arith.constant 0 : i32
      %dma_start3A_55 = tpu.memref_slice %arg10[%run_scoped3A, %dma_start3A_54] : memref<32x640xf32, #tpu.memory_space<vmem>> -> memref<1x640xf32, #tpu.memory_space<vmem>>
      %dma_start3A_56 = tpu.memref_squeeze %dma_start3A_55 : memref<1x640xf32, #tpu.memory_space<vmem>> -> memref<640xf32, #tpu.memory_space<vmem>>
      %dma_start3A_57 = tpu.memref_slice %arg12[%mul3A_4] : memref<10240xf32, #tpu.memory_space<vmem_shared>> -> memref<640xf32, #tpu.memory_space<vmem_shared>>
      %dma_start3A_58 = tpu.memref_slice %arg12[%mul3A_4] : memref<10240xf32, #tpu.memory_space<vmem_shared>> -> memref<640xf32, #tpu.memory_space<vmem_shared>>
      %dma_start3A_59 = arith.constant 0 : i32
      %dma_start3A_60 = tpu.memref_slice %arg10[%run_scoped3A, %dma_start3A_59] : memref<32x640xf32, #tpu.memory_space<vmem>> -> memref<1x640xf32, #tpu.memory_space<vmem>>
      %dma_start3A_61 = tpu.memref_squeeze %dma_start3A_60 : memref<1x640xf32, #tpu.memory_space<vmem>> -> memref<640xf32, #tpu.memory_space<vmem>>
      tpu.enqueue_dma source(%dma_start3A_61 : memref<640xf32, #tpu.memory_space<vmem>>) target(%dma_start3A_58 : memref<640xf32, #tpu.memory_space<vmem_shared>>) target_semaphore(%run_scoped3A_53 : memref<!tpu.dma_semaphore, #tpu.memory_space<semaphore_mem>>)
      %dma_wait3A_62 = arith.constant 0 : i32
      %dma_wait3A_63 = tpu.memref_slice %arg10[%run_scoped3A, %dma_wait3A_62] : memref<32x640xf32, #tpu.memory_space<vmem>> -> memref<1x640xf32, #tpu.memory_space<vmem>>
      %dma_wait3A_64 = tpu.memref_squeeze %dma_wait3A_63 : memref<1x640xf32, #tpu.memory_space<vmem>> -> memref<640xf32, #tpu.memory_space<vmem>>
      %dma_wait3A_65 = tpu.memref_slice %arg12[%mul3A_4] : memref<10240xf32, #tpu.memory_space<vmem_shared>> -> memref<640xf32, #tpu.memory_space<vmem_shared>>
      %dma_wait3A_66 = tpu.memref_slice %arg12[%mul3A_4] : memref<10240xf32, #tpu.memory_space<vmem_shared>> -> memref<640xf32, #tpu.memory_space<vmem_shared>>
      %dma_wait3A_67 = arith.constant 0 : i32
      %dma_wait3A_68 = tpu.memref_slice %arg10[%run_scoped3A, %dma_wait3A_67] : memref<32x640xf32, #tpu.memory_space<vmem>> -> memref<1x640xf32, #tpu.memory_space<vmem>>
      %dma_wait3A_69 = tpu.memref_squeeze %dma_wait3A_68 : memref<1x640xf32, #tpu.memory_space<vmem>> -> memref<640xf32, #tpu.memory_space<vmem>>
      tpu.wait_dma2 semaphore(%run_scoped3A_53 : memref<!tpu.dma_semaphore, #tpu.memory_space<semaphore_mem>>) src(%dma_wait3A_69 : memref<640xf32, #tpu.memory_space<vmem>>) dst(%dma_wait3A_66 : memref<640xf32, #tpu.memory_space<vmem_shared>>)
      tpu.yield
    }) : () -> ()
    %barrier3A = arith.constant 0 : index
    tpu.barrier barrier_id(%barrier3A)
    "tpu.region"() ({
      %run_scoped3A_53 = tpu.sem_alloc : memref<!tpu.dma_semaphore, #tpu.memory_space<semaphore_mem>>
      tpu.enqueue_dma source(%arg12 : memref<10240xf32, #tpu.memory_space<vmem_shared>>) target(%arg9 : memref<10240xf32, #tpu.memory_space<vmem>>) target_semaphore(%run_scoped3A_53 : memref<!tpu.dma_semaphore, #tpu.memory_space<semaphore_mem>>)
      tpu.wait_dma2 semaphore(%run_scoped3A_53 : memref<!tpu.dma_semaphore, #tpu.memory_space<semaphore_mem>>) src(%arg12 : memref<10240xf32, #tpu.memory_space<vmem_shared>>) dst(%arg9 : memref<10240xf32, #tpu.memory_space<vmem>>)
      tpu.yield
    }) : () -> ()
    %dma_wait3A_29 = tpu.memref_slice %arg2[%mul3A_2] : memref<320000xi32, #tpu.memory_space<hbm>> -> memref<10000xi32, #tpu.memory_space<hbm>>
    %dma_wait3A_30 = tpu.memref_slice %arg2[%mul3A_2] : memref<320000xi32, #tpu.memory_space<hbm>> -> memref<10000xi32, #tpu.memory_space<hbm>>
    tpu.wait_dma2 semaphore(%arg13 : memref<!tpu.dma_semaphore, #tpu.memory_space<semaphore_mem>>) src(%dma_wait3A_30 : memref<10000xi32, #tpu.memory_space<hbm>>) dst(%arg7 : memref<10000xi32, #tpu.memory_space<vmem>>)
    %dma_wait3A_31 = tpu.memref_slice %arg3[%mul3A_2] : memref<320000xf32, #tpu.memory_space<hbm>> -> memref<10000xf32, #tpu.memory_space<hbm>>
    %dma_wait3A_32 = tpu.memref_slice %arg3[%mul3A_2] : memref<320000xf32, #tpu.memory_space<hbm>> -> memref<10000xf32, #tpu.memory_space<hbm>>
    tpu.wait_dma2 semaphore(%arg13 : memref<!tpu.dma_semaphore, #tpu.memory_space<semaphore_mem>>) src(%dma_wait3A_32 : memref<10000xf32, #tpu.memory_space<hbm>>) dst(%arg8 : memref<10000xf32, #tpu.memory_space<vmem>>)
    %scan3A_33 = arith.constant 0 : i32
    %scan3A_34 = arith.constant 0 : i32
    %scan3A_35 = arith.constant 624 : i32
    %scan3A_36 = arith.addi %scan3A_34, %scan3A_35 : i32
    %scan3A_37 = arith.constant 4 : i32
    %scan3A_38 = scf.for %scan3A_53 = %scan3A_34 to %scan3A_36 step %scan3A_37 iter_args(%scan3A_54 = %scan3A_33) -> (i32)  : i32 {
      %mul3A_55 = arith.constant 16 : i32
      %mul3A_56 = arith.muli %scan3A_53, %mul3A_55 : i32
      %get3A_57 = arith.index_cast %mul3A_56 : i32 to index
      %get3A_58 = tpu.vector_load %arg7[%get3A_57] {strides = array<i32>} : memref<10000xi32, #tpu.memory_space<vmem>>, vector<16xi32>,
      %gather3A_59 = tpu.vector_load_idx %arg9[%get3A_58] : memref<10240xf32, #tpu.memory_space<vmem>>[vector<16xi32>], vector<16xf32>,
      %mul3A_60 = arith.constant 16 : i32
      %mul3A_61 = arith.muli %scan3A_53, %mul3A_60 : i32
      %get3A_62 = arith.index_cast %mul3A_61 : i32 to index
      %get3A_63 = tpu.vector_load %arg8[%get3A_62] {strides = array<i32>} : memref<10000xf32, #tpu.memory_space<vmem>>, vector<16xf32>,
      %sub3A_64 = arith.subf %get3A_63, %gather3A_59 : vector<16xf32>
      %mul3A_65 = arith.constant 16 : i32
      %mul3A_66 = arith.muli %scan3A_53, %mul3A_65 : i32
      %swap3A_67 = arith.index_cast %mul3A_66 : i32 to index
      %swap3A_68 = tpu.vector_load %arg8[%swap3A_67] {strides = array<i32>} : memref<10000xf32, #tpu.memory_space<vmem>>, vector<16xf32>,
      tpu.vector_store %arg8[%swap3A_67], %sub3A_64 {strides = array<i32>} : memref<10000xf32, #tpu.memory_space<vmem>>, vector<16xf32>,
      %scan3A_69 = arith.constant 0 : i32
      %scan3A_70 = arith.constant 1 : i32
      %scan3A_71 = arith.addi %scan3A_53, %scan3A_70 : i32
      %mul3A_72 = arith.constant 16 : i32
      %mul3A_73 = arith.muli %scan3A_71, %mul3A_72 : i32
      %get3A_74 = arith.index_cast %mul3A_73 : i32 to index
      %get3A_75 = tpu.vector_load %arg7[%get3A_74] {strides = array<i32>} : memref<10000xi32, #tpu.memory_space<vmem>>, vector<16xi32>,
      %gather3A_76 = tpu.vector_load_idx %arg9[%get3A_75] : memref<10240xf32, #tpu.memory_space<vmem>>[vector<16xi32>], vector<16xf32>,
      %mul3A_77 = arith.constant 16 : i32
      %mul3A_78 = arith.muli %scan3A_71, %mul3A_77 : i32
      %get3A_79 = arith.index_cast %mul3A_78 : i32 to index
      %get3A_80 = tpu.vector_load %arg8[%get3A_79] {strides = array<i32>} : memref<10000xf32, #tpu.memory_space<vmem>>, vector<16xf32>,
      %sub3A_81 = arith.subf %get3A_80, %gather3A_76 : vector<16xf32>
      %mul3A_82 = arith.constant 16 : i32
      %mul3A_83 = arith.muli %scan3A_71, %mul3A_82 : i32
      %swap3A_84 = arith.index_cast %mul3A_83 : i32 to index
      %swap3A_85 = tpu.vector_load %arg8[%swap3A_84] {strides = array<i32>} : memref<10000xf32, #tpu.memory_space<vmem>>, vector<16xf32>,
      tpu.vector_store %arg8[%swap3A_84], %sub3A_81 {strides = array<i32>} : memref<10000xf32, #tpu.memory_space<vmem>>, vector<16xf32>,
      %scan3A_86 = arith.constant 0 : i32
      %scan3A_87 = arith.constant 2 : i32
      %scan3A_88 = arith.addi %scan3A_53, %scan3A_87 : i32
      %mul3A_89 = arith.constant 16 : i32
      %mul3A_90 = arith.muli %scan3A_88, %mul3A_89 : i32
      %get3A_91 = arith.index_cast %mul3A_90 : i32 to index
      %get3A_92 = tpu.vector_load %arg7[%get3A_91] {strides = array<i32>} : memref<10000xi32, #tpu.memory_space<vmem>>, vector<16xi32>,
      %gather3A_93 = tpu.vector_load_idx %arg9[%get3A_92] : memref<10240xf32, #tpu.memory_space<vmem>>[vector<16xi32>], vector<16xf32>,
      %mul3A_94 = arith.constant 16 : i32
      %mul3A_95 = arith.muli %scan3A_88, %mul3A_94 : i32
      %get3A_96 = arith.index_cast %mul3A_95 : i32 to index
      %get3A_97 = tpu.vector_load %arg8[%get3A_96] {strides = array<i32>} : memref<10000xf32, #tpu.memory_space<vmem>>, vector<16xf32>,
      %sub3A_98 = arith.subf %get3A_97, %gather3A_93 : vector<16xf32>
      %mul3A_99 = arith.constant 16 : i32
      %mul3A_100 = arith.muli %scan3A_88, %mul3A_99 : i32
      %swap3A_101 = arith.index_cast %mul3A_100 : i32 to index
      %swap3A_102 = tpu.vector_load %arg8[%swap3A_101] {strides = array<i32>} : memref<10000xf32, #tpu.memory_space<vmem>>, vector<16xf32>,
      tpu.vector_store %arg8[%swap3A_101], %sub3A_98 {strides = array<i32>} : memref<10000xf32, #tpu.memory_space<vmem>>, vector<16xf32>,
      %scan3A_103 = arith.constant 0 : i32
      %scan3A_104 = arith.constant 3 : i32
      %scan3A_105 = arith.addi %scan3A_53, %scan3A_104 : i32
      %mul3A_106 = arith.constant 16 : i32
      %mul3A_107 = arith.muli %scan3A_105, %mul3A_106 : i32
      %get3A_108 = arith.index_cast %mul3A_107 : i32 to index
      %get3A_109 = tpu.vector_load %arg7[%get3A_108] {strides = array<i32>} : memref<10000xi32, #tpu.memory_space<vmem>>, vector<16xi32>,
      %gather3A_110 = tpu.vector_load_idx %arg9[%get3A_109] : memref<10240xf32, #tpu.memory_space<vmem>>[vector<16xi32>], vector<16xf32>,
      %mul3A_111 = arith.constant 16 : i32
      %mul3A_112 = arith.muli %scan3A_105, %mul3A_111 : i32
      %get3A_113 = arith.index_cast %mul3A_112 : i32 to index
      %get3A_114 = tpu.vector_load %arg8[%get3A_113] {strides = array<i32>} : memref<10000xf32, #tpu.memory_space<vmem>>, vector<16xf32>,
      %sub3A_115 = arith.subf %get3A_114, %gather3A_110 : vector<16xf32>
      %mul3A_116 = arith.constant 16 : i32
      %mul3A_117 = arith.muli %scan3A_105, %mul3A_116 : i32
      %swap3A_118 = arith.index_cast %mul3A_117 : i32 to index
      %swap3A_119 = tpu.vector_load %arg8[%swap3A_118] {strides = array<i32>} : memref<10000xf32, #tpu.memory_space<vmem>>, vector<16xf32>,
      tpu.vector_store %arg8[%swap3A_118], %sub3A_115 {strides = array<i32>} : memref<10000xf32, #tpu.memory_space<vmem>>, vector<16xf32>,
      %scan3A_120 = arith.constant 0 : i32
      scf.yield %scan3A_120 : i32
    }
    %scan3A_39 = arith.constant 624 : i32
    %scan3A_40 = arith.addi %scan3A_34, %scan3A_39 : i32
    %mul3A_41 = arith.constant 16 : i32
    %mul3A_42 = arith.muli %scan3A_40, %mul3A_41 : i32
    %get3A = arith.index_cast %mul3A_42 : i32 to index
    %get3A_43 = tpu.vector_load %arg7[%get3A] {strides = array<i32>} : memref<10000xi32, #tpu.memory_space<vmem>>, vector<16xi32>,
    %gather3A = tpu.vector_load_idx %arg9[%get3A_43] : memref<10240xf32, #tpu.memory_space<vmem>>[vector<16xi32>], vector<16xf32>,
    %mul3A_44 = arith.constant 16 : i32
    %mul3A_45 = arith.muli %scan3A_40, %mul3A_44 : i32
    %get3A_46 = arith.index_cast %mul3A_45 : i32 to index
    %get3A_47 = tpu.vector_load %arg8[%get3A_46] {strides = array<i32>} : memref<10000xf32, #tpu.memory_space<vmem>>, vector<16xf32>,
    %sub3A = arith.subf %get3A_47, %gather3A : vector<16xf32>
    %mul3A_48 = arith.constant 16 : i32
    %mul3A_49 = arith.muli %scan3A_40, %mul3A_48 : i32
    %swap3A = arith.index_cast %mul3A_49 : i32 to index
    %swap3A_50 = tpu.vector_load %arg8[%swap3A] {strides = array<i32>} : memref<10000xf32, #tpu.memory_space<vmem>>, vector<16xf32>,
    tpu.vector_store %arg8[%swap3A], %sub3A {strides = array<i32>} : memref<10000xf32, #tpu.memory_space<vmem>>, vector<16xf32>,
    %scan3A_51 = arith.constant 0 : i32
    %scan3A_52 = arith.constant 625 : i32
    "tpu.region"() ({
      %run_scoped3A_53 = tpu.sem_alloc : memref<!tpu.dma_semaphore, #tpu.memory_space<semaphore_mem>>
      %dma_start3A_54 = tpu.memref_slice %arg6[%mul3A_2] : memref<320000xf32, #tpu.memory_space<hbm>> -> memref<10000xf32, #tpu.memory_space<hbm>>
      %dma_start3A_55 = tpu.memref_slice %arg6[%mul3A_2] : memref<320000xf32, #tpu.memory_space<hbm>> -> memref<10000xf32, #tpu.memory_space<hbm>>
      tpu.enqueue_dma source(%arg8 : memref<10000xf32, #tpu.memory_space<vmem>>) target(%dma_start3A_55 : memref<10000xf32, #tpu.memory_space<hbm>>) target_semaphore(%run_scoped3A_53 : memref<!tpu.dma_semaphore, #tpu.memory_space<semaphore_mem>>)
      %dma_wait3A_56 = tpu.memref_slice %arg6[%mul3A_2] : memref<320000xf32, #tpu.memory_space<hbm>> -> memref<10000xf32, #tpu.memory_space<hbm>>
      %dma_wait3A_57 = tpu.memref_slice %arg6[%mul3A_2] : memref<320000xf32, #tpu.memory_space<hbm>> -> memref<10000xf32, #tpu.memory_space<hbm>>
      tpu.wait_dma2 semaphore(%run_scoped3A_53 : memref<!tpu.dma_semaphore, #tpu.memory_space<semaphore_mem>>) src(%arg8 : memref<10000xf32, #tpu.memory_space<vmem>>) dst(%dma_wait3A_57 : memref<10000xf32, #tpu.memory_space<hbm>>)
      tpu.yield
    }) : () -> ()
    return
  }
}

#map = affine_map<(d0, d1) -> (0)>
#map1 = affine_map<(d0, d1) -> (0, 0)>
module attributes {stable_mosaic.version = 14 : i64} {
  func.func @_sc_mv_scatter(%arg0: i32, %arg1: i32, %arg2: memref<320000xi32, #tpu.memory_space<hbm>>, %arg3: memref<320000x128xf32, #tpu.memory_space<hbm>>, %arg4: memref<128xf32, #tpu.memory_space<hbm>>, %arg5: memref<320000xf32, #tpu.memory_space<hbm>>, %arg6: memref<32x10240xf32, #tpu.memory_space<hbm>>, %arg7: memref<32x10240xf32, #tpu.memory_space<hbm>>, %arg8: memref<2x400x128xf32, #tpu.memory_space<vmem>>, %arg9: memref<800xi32, #tpu.memory_space<vmem>>, %arg10: memref<800xf32, #tpu.memory_space<vmem>>, %arg11: memref<128xf32, #tpu.memory_space<vmem>>, %arg12: memref<10240xf32, #tpu.memory_space<vmem>>, %arg13: memref<10240xf32, #tpu.memory_space<vmem>>, %arg14: memref<!tpu.dma_semaphore, #tpu.memory_space<semaphore_mem>>, %arg15: memref<!tpu.dma_semaphore, #tpu.memory_space<semaphore_mem>>, %arg16: memref<!tpu.dma_semaphore, #tpu.memory_space<semaphore_mem>>) attributes {dimension_semantics = [#tpu.dimension_semantics<core_parallel>, #tpu.dimension_semantics<subcore_parallel>], iteration_bounds = array<i64: 2, 16>, scalar_prefetch = 0 : i64, scratch_operands = 9 : i64, tpu.core_type = #tpu.core_type<sc_vector_subcore>, window_params = [{transform_indices = #map}, {transform_indices = #map1}, {transform_indices = #map}, {transform_indices = #map}, {transform_indices = #map1}, {transform_indices = #map1}]} {
    %mul3A = arith.constant 2 : i32
    %mul3A_0 = arith.muli %arg1, %mul3A : i32
    %add3A = arith.addi %mul3A_0, %arg0 : i32
    %mul3A_1 = arith.constant 10000 : i32
    %mul3A_2 = arith.muli %add3A, %mul3A_1 : i32
    tpu.enqueue_dma source(%arg4 : memref<128xf32, #tpu.memory_space<hbm>>) target(%arg11 : memref<128xf32, #tpu.memory_space<vmem>>) target_semaphore(%arg16 : memref<!tpu.dma_semaphore, #tpu.memory_space<semaphore_mem>>)
    %dma_start3A = arith.constant 0 : i32
    %dma_start3A_3 = arith.constant 0 : i32
    %dma_start3A_4 = arith.constant 0 : i32
    %dma_start3A_5 = tpu.memref_slice %arg8[%dma_start3A, %dma_start3A_3, %dma_start3A_4] : memref<2x400x128xf32, #tpu.memory_space<vmem>> -> memref<1x400x128xf32, #tpu.memory_space<vmem>>
    %dma_start3A_6 = tpu.memref_squeeze %dma_start3A_5 : memref<1x400x128xf32, #tpu.memory_space<vmem>> -> memref<400x128xf32, #tpu.memory_space<vmem>>
    %dma_start3A_7 = arith.constant 0 : i32
    %dma_start3A_8 = tpu.memref_slice %arg3[%mul3A_2, %dma_start3A_7] : memref<320000x128xf32, #tpu.memory_space<hbm>> -> memref<400x128xf32, #tpu.memory_space<hbm>>
    %dma_start3A_9 = arith.constant 0 : i32
    %dma_start3A_10 = arith.constant 0 : i32
    %dma_start3A_11 = tpu.memref_slice %arg8[%dma_start3A, %dma_start3A_9, %dma_start3A_10] : memref<2x400x128xf32, #tpu.memory_space<vmem>> -> memref<1x400x128xf32, #tpu.memory_space<vmem>>
    %dma_start3A_12 = tpu.memref_squeeze %dma_start3A_11 : memref<1x400x128xf32, #tpu.memory_space<vmem>> -> memref<400x128xf32, #tpu.memory_space<vmem>>
    %dma_start3A_13 = arith.constant 0 : i32
    %dma_start3A_14 = tpu.memref_slice %arg3[%mul3A_2, %dma_start3A_13] : memref<320000x128xf32, #tpu.memory_space<hbm>> -> memref<400x128xf32, #tpu.memory_space<hbm>>
    tpu.enqueue_dma source(%dma_start3A_14 : memref<400x128xf32, #tpu.memory_space<hbm>>) target(%dma_start3A_12 : memref<400x128xf32, #tpu.memory_space<vmem>>) target_semaphore(%arg14 : memref<!tpu.dma_semaphore, #tpu.memory_space<semaphore_mem>>)
    %dma_start3A_15 = arith.constant 0 : i32
    %dma_start3A_16 = tpu.memref_slice %arg9[%dma_start3A_15] : memref<800xi32, #tpu.memory_space<vmem>> -> memref<400xi32, #tpu.memory_space<vmem>>
    %dma_start3A_17 = tpu.memref_slice %arg2[%mul3A_2] : memref<320000xi32, #tpu.memory_space<hbm>> -> memref<400xi32, #tpu.memory_space<hbm>>
    %dma_start3A_18 = arith.constant 0 : i32
    %dma_start3A_19 = tpu.memref_slice %arg9[%dma_start3A_18] : memref<800xi32, #tpu.memory_space<vmem>> -> memref<400xi32, #tpu.memory_space<vmem>>
    %dma_start3A_20 = tpu.memref_slice %arg2[%mul3A_2] : memref<320000xi32, #tpu.memory_space<hbm>> -> memref<400xi32, #tpu.memory_space<hbm>>
    tpu.enqueue_dma source(%dma_start3A_20 : memref<400xi32, #tpu.memory_space<hbm>>) target(%dma_start3A_19 : memref<400xi32, #tpu.memory_space<vmem>>) target_semaphore(%arg15 : memref<!tpu.dma_semaphore, #tpu.memory_space<semaphore_mem>>)
    %broadcast_in_dim3A = arith.constant 0.000000e+00 : f32
    %broadcast_in_dim3A_21 = vector.broadcast %broadcast_in_dim3A : f32 to vector<16xf32>
    %broadcast_in_dim3A_22 = arith.constant 1.000000e+00 : f32
    %broadcast_in_dim3A_23 = vector.broadcast %broadcast_in_dim3A_22 : f32 to vector<16xf32>
    %scan3A = arith.constant 0 : i32
    %scan3A_24 = arith.constant 0 : i32
    %scan3A_25 = arith.constant 640 : i32
    %scan3A_26 = arith.addi %scan3A_24, %scan3A_25 : i32
    %scan3A_27 = arith.constant 4 : i32
    %scan3A_28 = scf.for %scan3A_59 = %scan3A_24 to %scan3A_26 step %scan3A_27 iter_args(%scan3A_60 = %scan3A) -> (i32)  : i32 {
      %mul3A_61 = arith.constant 16 : i32
      %mul3A_62 = arith.muli %scan3A_59, %mul3A_61 : i32
      %swap3A = arith.index_cast %mul3A_62 : i32 to index
      %swap3A_63 = tpu.vector_load %arg12[%swap3A] {strides = array<i32>} : memref<10240xf32, #tpu.memory_space<vmem>>, vector<16xf32>,
      tpu.vector_store %arg12[%swap3A], %broadcast_in_dim3A_21 {strides = array<i32>} : memref<10240xf32, #tpu.memory_space<vmem>>, vector<16xf32>,
      %mul3A_64 = arith.constant 16 : i32
      %mul3A_65 = arith.muli %scan3A_59, %mul3A_64 : i32
      %swap3A_66 = arith.index_cast %mul3A_65 : i32 to index
      %swap3A_67 = tpu.vector_load %arg13[%swap3A_66] {strides = array<i32>} : memref<10240xf32, #tpu.memory_space<vmem>>, vector<16xf32>,
      tpu.vector_store %arg13[%swap3A_66], %broadcast_in_dim3A_21 {strides = array<i32>} : memref<10240xf32, #tpu.memory_space<vmem>>, vector<16xf32>,
      %scan3A_68 = arith.constant 0 : i32
      %scan3A_69 = arith.constant 1 : i32
      %scan3A_70 = arith.addi %scan3A_59, %scan3A_69 : i32
      %mul3A_71 = arith.constant 16 : i32
      %mul3A_72 = arith.muli %scan3A_70, %mul3A_71 : i32
      %swap3A_73 = arith.index_cast %mul3A_72 : i32 to index
      %swap3A_74 = tpu.vector_load %arg12[%swap3A_73] {strides = array<i32>} : memref<10240xf32, #tpu.memory_space<vmem>>, vector<16xf32>,
      tpu.vector_store %arg12[%swap3A_73], %broadcast_in_dim3A_21 {strides = array<i32>} : memref<10240xf32, #tpu.memory_space<vmem>>, vector<16xf32>,
      %mul3A_75 = arith.constant 16 : i32
      %mul3A_76 = arith.muli %scan3A_70, %mul3A_75 : i32
      %swap3A_77 = arith.index_cast %mul3A_76 : i32 to index
      %swap3A_78 = tpu.vector_load %arg13[%swap3A_77] {strides = array<i32>} : memref<10240xf32, #tpu.memory_space<vmem>>, vector<16xf32>,
      tpu.vector_store %arg13[%swap3A_77], %broadcast_in_dim3A_21 {strides = array<i32>} : memref<10240xf32, #tpu.memory_space<vmem>>, vector<16xf32>,
      %scan3A_79 = arith.constant 0 : i32
      %scan3A_80 = arith.constant 2 : i32
      %scan3A_81 = arith.addi %scan3A_59, %scan3A_80 : i32
      %mul3A_82 = arith.constant 16 : i32
      %mul3A_83 = arith.muli %scan3A_81, %mul3A_82 : i32
      %swap3A_84 = arith.index_cast %mul3A_83 : i32 to index
      %swap3A_85 = tpu.vector_load %arg12[%swap3A_84] {strides = array<i32>} : memref<10240xf32, #tpu.memory_space<vmem>>, vector<16xf32>,
      tpu.vector_store %arg12[%swap3A_84], %broadcast_in_dim3A_21 {strides = array<i32>} : memref<10240xf32, #tpu.memory_space<vmem>>, vector<16xf32>,
      %mul3A_86 = arith.constant 16 : i32
      %mul3A_87 = arith.muli %scan3A_81, %mul3A_86 : i32
      %swap3A_88 = arith.index_cast %mul3A_87 : i32 to index
      %swap3A_89 = tpu.vector_load %arg13[%swap3A_88] {strides = array<i32>} : memref<10240xf32, #tpu.memory_space<vmem>>, vector<16xf32>,
      tpu.vector_store %arg13[%swap3A_88], %broadcast_in_dim3A_21 {strides = array<i32>} : memref<10240xf32, #tpu.memory_space<vmem>>, vector<16xf32>,
      %scan3A_90 = arith.constant 0 : i32
      %scan3A_91 = arith.constant 3 : i32
      %scan3A_92 = arith.addi %scan3A_59, %scan3A_91 : i32
      %mul3A_93 = arith.constant 16 : i32
      %mul3A_94 = arith.muli %scan3A_92, %mul3A_93 : i32
      %swap3A_95 = arith.index_cast %mul3A_94 : i32 to index
      %swap3A_96 = tpu.vector_load %arg12[%swap3A_95] {strides = array<i32>} : memref<10240xf32, #tpu.memory_space<vmem>>, vector<16xf32>,
      tpu.vector_store %arg12[%swap3A_95], %broadcast_in_dim3A_21 {strides = array<i32>} : memref<10240xf32, #tpu.memory_space<vmem>>, vector<16xf32>,
      %mul3A_97 = arith.constant 16 : i32
      %mul3A_98 = arith.muli %scan3A_92, %mul3A_97 : i32
      %swap3A_99 = arith.index_cast %mul3A_98 : i32 to index
      %swap3A_100 = tpu.vector_load %arg13[%swap3A_99] {strides = array<i32>} : memref<10240xf32, #tpu.memory_space<vmem>>, vector<16xf32>,
      tpu.vector_store %arg13[%swap3A_99], %broadcast_in_dim3A_21 {strides = array<i32>} : memref<10240xf32, #tpu.memory_space<vmem>>, vector<16xf32>,
      %scan3A_101 = arith.constant 0 : i32
      scf.yield %scan3A_101 : i32
    }
    %scan3A_29 = arith.constant 640 : i32
    tpu.wait_dma2 semaphore(%arg16 : memref<!tpu.dma_semaphore, #tpu.memory_space<semaphore_mem>>) src(%arg4 : memref<128xf32, #tpu.memory_space<hbm>>) dst(%arg11 : memref<128xf32, #tpu.memory_space<vmem>>)
    %get3A = arith.constant 0 : index
    %get3A_30 = tpu.vector_load %arg11[%get3A] {strides = array<i32>} : memref<128xf32, #tpu.memory_space<vmem>>, vector<16xf32>,
    %get3A_31 = arith.constant 16 : index
    %get3A_32 = tpu.vector_load %arg11[%get3A_31] {strides = array<i32>} : memref<128xf32, #tpu.memory_space<vmem>>, vector<16xf32>,
    %get3A_33 = arith.constant 32 : index
    %get3A_34 = tpu.vector_load %arg11[%get3A_33] {strides = array<i32>} : memref<128xf32, #tpu.memory_space<vmem>>, vector<16xf32>,
    %get3A_35 = arith.constant 48 : index
    %get3A_36 = tpu.vector_load %arg11[%get3A_35] {strides = array<i32>} : memref<128xf32, #tpu.memory_space<vmem>>, vector<16xf32>,
    %get3A_37 = arith.constant 64 : index
    %get3A_38 = tpu.vector_load %arg11[%get3A_37] {strides = array<i32>} : memref<128xf32, #tpu.memory_space<vmem>>, vector<16xf32>,
    %get3A_39 = arith.constant 80 : index
    %get3A_40 = tpu.vector_load %arg11[%get3A_39] {strides = array<i32>} : memref<128xf32, #tpu.memory_space<vmem>>, vector<16xf32>,
    %get3A_41 = arith.constant 96 : index
    %get3A_42 = tpu.vector_load %arg11[%get3A_41] {strides = array<i32>} : memref<128xf32, #tpu.memory_space<vmem>>, vector<16xf32>,
    %get3A_43 = arith.constant 112 : index
    %get3A_44 = tpu.vector_load %arg11[%get3A_43] {strides = array<i32>} : memref<128xf32, #tpu.memory_space<vmem>>, vector<16xf32>,
    %iota3A = tpu.iota {dimensions = array<i32: 0>} : vector<16xi32>
    %scan3A_45 = arith.constant 0 : i32
    %scan3A_46 = arith.constant 0 : i32
    %scan3A_47 = arith.constant 25 : i32
    %scan3A_48 = arith.addi %scan3A_46, %scan3A_47 : i32
    %scan3A_49 = arith.constant 1 : i32
    %scan3A_50 = scf.for %scan3A_59 = %scan3A_46 to %scan3A_48 step %scan3A_49 iter_args(%scan3A_60 = %scan3A_45) -> (i32)  : i32 {
      %rem3A = arith.constant 2 : i32
      %rem3A_61 = arith.remsi %scan3A_59, %rem3A : i32
      %add3A_62 = arith.constant 1 : i32
      %add3A_63 = arith.addi %scan3A_59, %add3A_62 : i32
      %rem3A_64 = arith.constant 2 : i32
      %rem3A_65 = arith.remsi %add3A_63, %rem3A_64 : i32
      %dma_wait3A_66 = arith.constant 0 : i32
      %dma_wait3A_67 = arith.constant 0 : i32
      %dma_wait3A_68 = tpu.memref_slice %arg8[%rem3A_61, %dma_wait3A_66, %dma_wait3A_67] : memref<2x400x128xf32, #tpu.memory_space<vmem>> -> memref<1x400x128xf32, #tpu.memory_space<vmem>>
      %dma_wait3A_69 = tpu.memref_squeeze %dma_wait3A_68 : memref<1x400x128xf32, #tpu.memory_space<vmem>> -> memref<400x128xf32, #tpu.memory_space<vmem>>
      %dma_wait3A_70 = arith.constant 0 : i32
      %dma_wait3A_71 = arith.constant 0 : i32
      %dma_wait3A_72 = tpu.memref_slice %arg3[%dma_wait3A_70, %dma_wait3A_71] : memref<320000x128xf32, #tpu.memory_space<hbm>> -> memref<400x128xf32, #tpu.memory_space<hbm>>
      %dma_wait3A_73 = arith.constant 0 : i32
      %dma_wait3A_74 = arith.constant 0 : i32
      %dma_wait3A_75 = tpu.memref_slice %arg8[%rem3A_61, %dma_wait3A_73, %dma_wait3A_74] : memref<2x400x128xf32, #tpu.memory_space<vmem>> -> memref<1x400x128xf32, #tpu.memory_space<vmem>>
      %dma_wait3A_76 = tpu.memref_squeeze %dma_wait3A_75 : memref<1x400x128xf32, #tpu.memory_space<vmem>> -> memref<400x128xf32, #tpu.memory_space<vmem>>
      %dma_wait3A_77 = arith.constant 0 : i32
      %dma_wait3A_78 = arith.constant 0 : i32
      %dma_wait3A_79 = tpu.memref_slice %arg3[%dma_wait3A_77, %dma_wait3A_78] : memref<320000x128xf32, #tpu.memory_space<hbm>> -> memref<400x128xf32, #tpu.memory_space<hbm>>
      tpu.wait_dma2 semaphore(%arg14 : memref<!tpu.dma_semaphore, #tpu.memory_space<semaphore_mem>>) src(%dma_wait3A_79 : memref<400x128xf32, #tpu.memory_space<hbm>>) dst(%dma_wait3A_76 : memref<400x128xf32, #tpu.memory_space<vmem>>)
      %dma_wait3A_80 = arith.constant 0 : i32
      %dma_wait3A_81 = tpu.memref_slice %arg9[%dma_wait3A_80] : memref<800xi32, #tpu.memory_space<vmem>> -> memref<400xi32, #tpu.memory_space<vmem>>
      %dma_wait3A_82 = arith.constant 0 : i32
      %dma_wait3A_83 = tpu.memref_slice %arg2[%dma_wait3A_82] : memref<320000xi32, #tpu.memory_space<hbm>> -> memref<400xi32, #tpu.memory_space<hbm>>
      %dma_wait3A_84 = arith.constant 0 : i32
      %dma_wait3A_85 = tpu.memref_slice %arg9[%dma_wait3A_84] : memref<800xi32, #tpu.memory_space<vmem>> -> memref<400xi32, #tpu.memory_space<vmem>>
      %dma_wait3A_86 = arith.constant 0 : i32
      %dma_wait3A_87 = tpu.memref_slice %arg2[%dma_wait3A_86] : memref<320000xi32, #tpu.memory_space<hbm>> -> memref<400xi32, #tpu.memory_space<hbm>>
      tpu.wait_dma2 semaphore(%arg15 : memref<!tpu.dma_semaphore, #tpu.memory_space<semaphore_mem>>) src(%dma_wait3A_87 : memref<400xi32, #tpu.memory_space<hbm>>) dst(%dma_wait3A_85 : memref<400xi32, #tpu.memory_space<vmem>>)
      %add3A_88 = arith.constant 1 : i32
      %add3A_89 = arith.addi %scan3A_59, %add3A_88 : i32
      %lt3A = arith.constant 25 : i32
      %lt3A_90 = arith.cmpi slt, %add3A_89, %lt3A : i32
      %convert_element_type3A = arith.extui %lt3A_90 : i1 to i32
      %cond3A = arith.constant 0 : i32
      %cond3A_91 = arith.cmpi ne, %convert_element_type3A, %cond3A : i32
      scf.if %cond3A_91 {
        %add3A_120 = arith.constant 1 : i32
        %add3A_121 = arith.addi %scan3A_59, %add3A_120 : i32
        %mul3A_122 = arith.constant 400 : i32
        %mul3A_123 = arith.muli %add3A_121, %mul3A_122 : i32
        %add3A_124 = arith.addi %mul3A_2, %mul3A_123 : i32
        %dma_start3A_125 = arith.constant 0 : i32
        %dma_start3A_126 = arith.constant 0 : i32
        %dma_start3A_127 = tpu.memref_slice %arg8[%rem3A_65, %dma_start3A_125, %dma_start3A_126] : memref<2x400x128xf32, #tpu.memory_space<vmem>> -> memref<1x400x128xf32, #tpu.memory_space<vmem>>
        %dma_start3A_128 = tpu.memref_squeeze %dma_start3A_127 : memref<1x400x128xf32, #tpu.memory_space<vmem>> -> memref<400x128xf32, #tpu.memory_space<vmem>>
        %dma_start3A_129 = arith.constant 0 : i32
        %dma_start3A_130 = tpu.memref_slice %arg3[%add3A_124, %dma_start3A_129] : memref<320000x128xf32, #tpu.memory_space<hbm>> -> memref<400x128xf32, #tpu.memory_space<hbm>>
        %dma_start3A_131 = arith.constant 0 : i32
        %dma_start3A_132 = arith.constant 0 : i32
        %dma_start3A_133 = tpu.memref_slice %arg8[%rem3A_65, %dma_start3A_131, %dma_start3A_132] : memref<2x400x128xf32, #tpu.memory_space<vmem>> -> memref<1x400x128xf32, #tpu.memory_space<vmem>>
        %dma_start3A_134 = tpu.memref_squeeze %dma_start3A_133 : memref<1x400x128xf32, #tpu.memory_space<vmem>> -> memref<400x128xf32, #tpu.memory_space<vmem>>
        %dma_start3A_135 = arith.constant 0 : i32
        %dma_start3A_136 = tpu.memref_slice %arg3[%add3A_124, %dma_start3A_135] : memref<320000x128xf32, #tpu.memory_space<hbm>> -> memref<400x128xf32, #tpu.memory_space<hbm>>
        tpu.enqueue_dma source(%dma_start3A_136 : memref<400x128xf32, #tpu.memory_space<hbm>>) target(%dma_start3A_134 : memref<400x128xf32, #tpu.memory_space<vmem>>) target_semaphore(%arg14 : memref<!tpu.dma_semaphore, #tpu.memory_space<semaphore_mem>>)
        %add3A_137 = arith.constant 1 : i32
        %add3A_138 = arith.addi %scan3A_59, %add3A_137 : i32
        %mul3A_139 = arith.constant 400 : i32
        %mul3A_140 = arith.muli %add3A_138, %mul3A_139 : i32
        %add3A_141 = arith.addi %mul3A_2, %mul3A_140 : i32
        %mul3A_142 = arith.constant 400 : i32
        %mul3A_143 = arith.muli %rem3A_65, %mul3A_142 : i32
        %dma_start3A_144 = tpu.memref_slice %arg9[%mul3A_143] : memref<800xi32, #tpu.memory_space<vmem>> -> memref<400xi32, #tpu.memory_space<vmem>>
        %dma_start3A_145 = tpu.memref_slice %arg2[%add3A_141] : memref<320000xi32, #tpu.memory_space<hbm>> -> memref<400xi32, #tpu.memory_space<hbm>>
        %dma_start3A_146 = tpu.memref_slice %arg9[%mul3A_143] : memref<800xi32, #tpu.memory_space<vmem>> -> memref<400xi32, #tpu.memory_space<vmem>>
        %dma_start3A_147 = tpu.memref_slice %arg2[%add3A_141] : memref<320000xi32, #tpu.memory_space<hbm>> -> memref<400xi32, #tpu.memory_space<hbm>>
        tpu.enqueue_dma source(%dma_start3A_147 : memref<400xi32, #tpu.memory_space<hbm>>) target(%dma_start3A_146 : memref<400xi32, #tpu.memory_space<vmem>>) target_semaphore(%arg15 : memref<!tpu.dma_semaphore, #tpu.memory_space<semaphore_mem>>)
      } else {
      }
      %ge3A = arith.constant 1 : i32
      %ge3A_92 = arith.cmpi sge, %scan3A_59, %ge3A : i32
      %convert_element_type3A_93 = arith.extui %ge3A_92 : i1 to i32
      %cond3A_94 = arith.constant 0 : i32
      %cond3A_95 = arith.cmpi ne, %convert_element_type3A_93, %cond3A_94 : i32
      scf.if %cond3A_95 {
        %dma_wait3A_120 = arith.constant 0 : i32
        %dma_wait3A_121 = tpu.memref_slice %arg10[%dma_wait3A_120] : memref<800xf32, #tpu.memory_space<vmem>> -> memref<400xf32, #tpu.memory_space<vmem>>
        %dma_wait3A_122 = arith.constant 0 : i32
        %dma_wait3A_123 = tpu.memref_slice %arg5[%dma_wait3A_122] : memref<320000xf32, #tpu.memory_space<hbm>> -> memref<400xf32, #tpu.memory_space<hbm>>
        %dma_wait3A_124 = arith.constant 0 : i32
        %dma_wait3A_125 = tpu.memref_slice %arg5[%dma_wait3A_124] : memref<320000xf32, #tpu.memory_space<hbm>> -> memref<400xf32, #tpu.memory_space<hbm>>
        %dma_wait3A_126 = arith.constant 0 : i32
        %dma_wait3A_127 = tpu.memref_slice %arg10[%dma_wait3A_126] : memref<800xf32, #tpu.memory_space<vmem>> -> memref<400xf32, #tpu.memory_space<vmem>>
        tpu.wait_dma2 semaphore(%arg16 : memref<!tpu.dma_semaphore, #tpu.memory_space<semaphore_mem>>) src(%dma_wait3A_127 : memref<400xf32, #tpu.memory_space<vmem>>) dst(%dma_wait3A_125 : memref<400xf32, #tpu.memory_space<hbm>>)
      } else {
      }
      %scan3A_96 = arith.constant 0 : i32
      %scan3A_97 = arith.constant 0 : i32
      %scan3A_98 = arith.constant 25 : i32
      %scan3A_99 = arith.addi %scan3A_97, %scan3A_98 : i32
      %scan3A_100 = arith.constant 1 : i32
      %scan3A_101 = scf.for %scan3A_120 = %scan3A_97 to %scan3A_99 step %scan3A_100 iter_args(%scan3A_121 = %scan3A_96) -> (i32)  : i32 {
        %mul3A_122 = arith.constant 16 : i32
        %mul3A_123 = arith.muli %scan3A_120, %mul3A_122 : i32
        %add3A_124 = arith.constant 0 : i32
        %add3A_125 = arith.addi %mul3A_123, %add3A_124 : i32
        %get3A_126 = arith.index_cast %rem3A_61 : i32 to index
        %get3A_127 = arith.index_cast %add3A_125 : i32 to index
        %get3A_128 = arith.constant 0 : index
        %get3A_129 = tpu.vector_load %arg8[%get3A_126, %get3A_127, %get3A_128] {strides = array<i32>} : memref<2x400x128xf32, #tpu.memory_space<vmem>>, vector<16xf32>,
        %mul3A_130 = arith.mulf %get3A_129, %get3A_30 : vector<16xf32>
        %get3A_131 = arith.index_cast %rem3A_61 : i32 to index
        %get3A_132 = arith.index_cast %add3A_125 : i32 to index
        %get3A_133 = arith.constant 16 : index
        %get3A_134 = tpu.vector_load %arg8[%get3A_131, %get3A_132, %get3A_133] {strides = array<i32>} : memref<2x400x128xf32, #tpu.memory_space<vmem>>, vector<16xf32>,
        %mul3A_135 = arith.mulf %get3A_134, %get3A_32 : vector<16xf32>
        %add3A_136 = arith.addf %mul3A_130, %mul3A_135 : vector<16xf32>
        %get3A_137 = arith.index_cast %rem3A_61 : i32 to index
        %get3A_138 = arith.index_cast %add3A_125 : i32 to index
        %get3A_139 = arith.constant 32 : index
        %get3A_140 = tpu.vector_load %arg8[%get3A_137, %get3A_138, %get3A_139] {strides = array<i32>} : memref<2x400x128xf32, #tpu.memory_space<vmem>>, vector<16xf32>,
        %mul3A_141 = arith.mulf %get3A_140, %get3A_34 : vector<16xf32>
        %add3A_142 = arith.addf %add3A_136, %mul3A_141 : vector<16xf32>
        %get3A_143 = arith.index_cast %rem3A_61 : i32 to index
        %get3A_144 = arith.index_cast %add3A_125 : i32 to index
        %get3A_145 = arith.constant 48 : index
        %get3A_146 = tpu.vector_load %arg8[%get3A_143, %get3A_144, %get3A_145] {strides = array<i32>} : memref<2x400x128xf32, #tpu.memory_space<vmem>>, vector<16xf32>,
        %mul3A_147 = arith.mulf %get3A_146, %get3A_36 : vector<16xf32>
        %add3A_148 = arith.addf %add3A_142, %mul3A_147 : vector<16xf32>
        %get3A_149 = arith.index_cast %rem3A_61 : i32 to index
        %get3A_150 = arith.index_cast %add3A_125 : i32 to index
        %get3A_151 = arith.constant 64 : index
        %get3A_152 = tpu.vector_load %arg8[%get3A_149, %get3A_150, %get3A_151] {strides = array<i32>} : memref<2x400x128xf32, #tpu.memory_space<vmem>>, vector<16xf32>,
        %mul3A_153 = arith.mulf %get3A_152, %get3A_38 : vector<16xf32>
        %add3A_154 = arith.addf %add3A_148, %mul3A_153 : vector<16xf32>
        %get3A_155 = arith.index_cast %rem3A_61 : i32 to index
        %get3A_156 = arith.index_cast %add3A_125 : i32 to index
        %get3A_157 = arith.constant 80 : index
        %get3A_158 = tpu.vector_load %arg8[%get3A_155, %get3A_156, %get3A_157] {strides = array<i32>} : memref<2x400x128xf32, #tpu.memory_space<vmem>>, vector<16xf32>,
        %mul3A_159 = arith.mulf %get3A_158, %get3A_40 : vector<16xf32>
        %add3A_160 = arith.addf %add3A_154, %mul3A_159 : vector<16xf32>
        %get3A_161 = arith.index_cast %rem3A_61 : i32 to index
        %get3A_162 = arith.index_cast %add3A_125 : i32 to index
        %get3A_163 = arith.constant 96 : index
        %get3A_164 = tpu.vector_load %arg8[%get3A_161, %get3A_162, %get3A_163] {strides = array<i32>} : memref<2x400x128xf32, #tpu.memory_space<vmem>>, vector<16xf32>,
        %mul3A_165 = arith.mulf %get3A_164, %get3A_42 : vector<16xf32>
        %add3A_166 = arith.addf %add3A_160, %mul3A_165 : vector<16xf32>
        %get3A_167 = arith.index_cast %rem3A_61 : i32 to index
        %get3A_168 = arith.index_cast %add3A_125 : i32 to index
        %get3A_169 = arith.constant 112 : index
        %get3A_170 = tpu.vector_load %arg8[%get3A_167, %get3A_168, %get3A_169] {strides = array<i32>} : memref<2x400x128xf32, #tpu.memory_space<vmem>>, vector<16xf32>,
        %mul3A_171 = arith.mulf %get3A_170, %get3A_44 : vector<16xf32>
        %add3A_172 = arith.addf %add3A_166, %mul3A_171 : vector<16xf32>
        %eq3A = arith.constant 0 : i32
        %eq3A_173 = vector.broadcast %eq3A : i32 to vector<16xi32>
        %eq3A_174 = arith.cmpi eq, %iota3A, %eq3A_173 : vector<16xi32>
        %reduce_sum3A = arith.constant true
        %reduce_sum3A_175 = vector.broadcast %reduce_sum3A : i1 to vector<16xi1>
        %reduce_sum3A_176 = tpu.scan <sum>, %add3A_172 masked %reduce_sum3A_175 : vector<16xf32>, vector<16xi1> -> vector<16xf32>
        %reduce_sum3A_177 = vector.extract %reduce_sum3A_176[15] : f32 from vector<16xf32>
        %broadcast_in_dim3A_178 = vector.broadcast %reduce_sum3A_177 : f32 to vector<16xf32>
        %select_n3A = arith.select %eq3A_174, %broadcast_in_dim3A_178, %broadcast_in_dim3A_21 : vector<16xi1>, vector<16xf32>
        %mul3A_179 = arith.constant 16 : i32
        %mul3A_180 = arith.muli %scan3A_120, %mul3A_179 : i32
        %add3A_181 = arith.constant 1 : i32
        %add3A_182 = arith.addi %mul3A_180, %add3A_181 : i32
        %get3A_183 = arith.index_cast %rem3A_61 : i32 to index
        %get3A_184 = arith.index_cast %add3A_182 : i32 to index
        %get3A_185 = arith.constant 0 : index
        %get3A_186 = tpu.vector_load %arg8[%get3A_183, %get3A_184, %get3A_185] {strides = array<i32>} : memref<2x400x128xf32, #tpu.memory_space<vmem>>, vector<16xf32>,
        %mul3A_187 = arith.mulf %get3A_186, %get3A_30 : vector<16xf32>
        %get3A_188 = arith.index_cast %rem3A_61 : i32 to index
        %get3A_189 = arith.index_cast %add3A_182 : i32 to index
        %get3A_190 = arith.constant 16 : index
        %get3A_191 = tpu.vector_load %arg8[%get3A_188, %get3A_189, %get3A_190] {strides = array<i32>} : memref<2x400x128xf32, #tpu.memory_space<vmem>>, vector<16xf32>,
        %mul3A_192 = arith.mulf %get3A_191, %get3A_32 : vector<16xf32>
        %add3A_193 = arith.addf %mul3A_187, %mul3A_192 : vector<16xf32>
        %get3A_194 = arith.index_cast %rem3A_61 : i32 to index
        %get3A_195 = arith.index_cast %add3A_182 : i32 to index
        %get3A_196 = arith.constant 32 : index
        %get3A_197 = tpu.vector_load %arg8[%get3A_194, %get3A_195, %get3A_196] {strides = array<i32>} : memref<2x400x128xf32, #tpu.memory_space<vmem>>, vector<16xf32>,
        %mul3A_198 = arith.mulf %get3A_197, %get3A_34 : vector<16xf32>
        %add3A_199 = arith.addf %add3A_193, %mul3A_198 : vector<16xf32>
        %get3A_200 = arith.index_cast %rem3A_61 : i32 to index
        %get3A_201 = arith.index_cast %add3A_182 : i32 to index
        %get3A_202 = arith.constant 48 : index
        %get3A_203 = tpu.vector_load %arg8[%get3A_200, %get3A_201, %get3A_202] {strides = array<i32>} : memref<2x400x128xf32, #tpu.memory_space<vmem>>, vector<16xf32>,
        %mul3A_204 = arith.mulf %get3A_203, %get3A_36 : vector<16xf32>
        %add3A_205 = arith.addf %add3A_199, %mul3A_204 : vector<16xf32>
        %get3A_206 = arith.index_cast %rem3A_61 : i32 to index
        %get3A_207 = arith.index_cast %add3A_182 : i32 to index
        %get3A_208 = arith.constant 64 : index
        %get3A_209 = tpu.vector_load %arg8[%get3A_206, %get3A_207, %get3A_208] {strides = array<i32>} : memref<2x400x128xf32, #tpu.memory_space<vmem>>, vector<16xf32>,
        %mul3A_210 = arith.mulf %get3A_209, %get3A_38 : vector<16xf32>
        %add3A_211 = arith.addf %add3A_205, %mul3A_210 : vector<16xf32>
        %get3A_212 = arith.index_cast %rem3A_61 : i32 to index
        %get3A_213 = arith.index_cast %add3A_182 : i32 to index
        %get3A_214 = arith.constant 80 : index
        %get3A_215 = tpu.vector_load %arg8[%get3A_212, %get3A_213, %get3A_214] {strides = array<i32>} : memref<2x400x128xf32, #tpu.memory_space<vmem>>, vector<16xf32>,
        %mul3A_216 = arith.mulf %get3A_215, %get3A_40 : vector<16xf32>
        %add3A_217 = arith.addf %add3A_211, %mul3A_216 : vector<16xf32>
        %get3A_218 = arith.index_cast %rem3A_61 : i32 to index
        %get3A_219 = arith.index_cast %add3A_182 : i32 to index
        %get3A_220 = arith.constant 96 : index
        %get3A_221 = tpu.vector_load %arg8[%get3A_218, %get3A_219, %get3A_220] {strides = array<i32>} : memref<2x400x128xf32, #tpu.memory_space<vmem>>, vector<16xf32>,
        %mul3A_222 = arith.mulf %get3A_221, %get3A_42 : vector<16xf32>
        %add3A_223 = arith.addf %add3A_217, %mul3A_222 : vector<16xf32>
        %get3A_224 = arith.index_cast %rem3A_61 : i32 to index
        %get3A_225 = arith.index_cast %add3A_182 : i32 to index
        %get3A_226 = arith.constant 112 : index
        %get3A_227 = tpu.vector_load %arg8[%get3A_224, %get3A_225, %get3A_226] {strides = array<i32>} : memref<2x400x128xf32, #tpu.memory_space<vmem>>, vector<16xf32>,
        %mul3A_228 = arith.mulf %get3A_227, %get3A_44 : vector<16xf32>
        %add3A_229 = arith.addf %add3A_223, %mul3A_228 : vector<16xf32>
        %eq3A_230 = arith.constant 1 : i32
        %eq3A_231 = vector.broadcast %eq3A_230 : i32 to vector<16xi32>
        %eq3A_232 = arith.cmpi eq, %iota3A, %eq3A_231 : vector<16xi32>
        %reduce_sum3A_233 = arith.constant true
        %reduce_sum3A_234 = vector.broadcast %reduce_sum3A_233 : i1 to vector<16xi1>
        %reduce_sum3A_235 = tpu.scan <sum>, %add3A_229 masked %reduce_sum3A_234 : vector<16xf32>, vector<16xi1> -> vector<16xf32>
        %reduce_sum3A_236 = vector.extract %reduce_sum3A_235[15] : f32 from vector<16xf32>
        %broadcast_in_dim3A_237 = vector.broadcast %reduce_sum3A_236 : f32 to vector<16xf32>
        %select_n3A_238 = arith.select %eq3A_232, %broadcast_in_dim3A_237, %select_n3A : vector<16xi1>, vector<16xf32>
        %mul3A_239 = arith.constant 16 : i32
        %mul3A_240 = arith.muli %scan3A_120, %mul3A_239 : i32
        %add3A_241 = arith.constant 2 : i32
        %add3A_242 = arith.addi %mul3A_240, %add3A_241 : i32
        %get3A_243 = arith.index_cast %rem3A_61 : i32 to index
        %get3A_244 = arith.index_cast %add3A_242 : i32 to index
        %get3A_245 = arith.constant 0 : index
        %get3A_246 = tpu.vector_load %arg8[%get3A_243, %get3A_244, %get3A_245] {strides = array<i32>} : memref<2x400x128xf32, #tpu.memory_space<vmem>>, vector<16xf32>,
        %mul3A_247 = arith.mulf %get3A_246, %get3A_30 : vector<16xf32>
        %get3A_248 = arith.index_cast %rem3A_61 : i32 to index
        %get3A_249 = arith.index_cast %add3A_242 : i32 to index
        %get3A_250 = arith.constant 16 : index
        %get3A_251 = tpu.vector_load %arg8[%get3A_248, %get3A_249, %get3A_250] {strides = array<i32>} : memref<2x400x128xf32, #tpu.memory_space<vmem>>, vector<16xf32>,
        %mul3A_252 = arith.mulf %get3A_251, %get3A_32 : vector<16xf32>
        %add3A_253 = arith.addf %mul3A_247, %mul3A_252 : vector<16xf32>
        %get3A_254 = arith.index_cast %rem3A_61 : i32 to index
        %get3A_255 = arith.index_cast %add3A_242 : i32 to index
        %get3A_256 = arith.constant 32 : index
        %get3A_257 = tpu.vector_load %arg8[%get3A_254, %get3A_255, %get3A_256] {strides = array<i32>} : memref<2x400x128xf32, #tpu.memory_space<vmem>>, vector<16xf32>,
        %mul3A_258 = arith.mulf %get3A_257, %get3A_34 : vector<16xf32>
        %add3A_259 = arith.addf %add3A_253, %mul3A_258 : vector<16xf32>
        %get3A_260 = arith.index_cast %rem3A_61 : i32 to index
        %get3A_261 = arith.index_cast %add3A_242 : i32 to index
        %get3A_262 = arith.constant 48 : index
        %get3A_263 = tpu.vector_load %arg8[%get3A_260, %get3A_261, %get3A_262] {strides = array<i32>} : memref<2x400x128xf32, #tpu.memory_space<vmem>>, vector<16xf32>,
        %mul3A_264 = arith.mulf %get3A_263, %get3A_36 : vector<16xf32>
        %add3A_265 = arith.addf %add3A_259, %mul3A_264 : vector<16xf32>
        %get3A_266 = arith.index_cast %rem3A_61 : i32 to index
        %get3A_267 = arith.index_cast %add3A_242 : i32 to index
        %get3A_268 = arith.constant 64 : index
        %get3A_269 = tpu.vector_load %arg8[%get3A_266, %get3A_267, %get3A_268] {strides = array<i32>} : memref<2x400x128xf32, #tpu.memory_space<vmem>>, vector<16xf32>,
        %mul3A_270 = arith.mulf %get3A_269, %get3A_38 : vector<16xf32>
        %add3A_271 = arith.addf %add3A_265, %mul3A_270 : vector<16xf32>
        %get3A_272 = arith.index_cast %rem3A_61 : i32 to index
        %get3A_273 = arith.index_cast %add3A_242 : i32 to index
        %get3A_274 = arith.constant 80 : index
        %get3A_275 = tpu.vector_load %arg8[%get3A_272, %get3A_273, %get3A_274] {strides = array<i32>} : memref<2x400x128xf32, #tpu.memory_space<vmem>>, vector<16xf32>,
        %mul3A_276 = arith.mulf %get3A_275, %get3A_40 : vector<16xf32>
        %add3A_277 = arith.addf %add3A_271, %mul3A_276 : vector<16xf32>
        %get3A_278 = arith.index_cast %rem3A_61 : i32 to index
        %get3A_279 = arith.index_cast %add3A_242 : i32 to index
        %get3A_280 = arith.constant 96 : index
        %get3A_281 = tpu.vector_load %arg8[%get3A_278, %get3A_279, %get3A_280] {strides = array<i32>} : memref<2x400x128xf32, #tpu.memory_space<vmem>>, vector<16xf32>,
        %mul3A_282 = arith.mulf %get3A_281, %get3A_42 : vector<16xf32>
        %add3A_283 = arith.addf %add3A_277, %mul3A_282 : vector<16xf32>
        %get3A_284 = arith.index_cast %rem3A_61 : i32 to index
        %get3A_285 = arith.index_cast %add3A_242 : i32 to index
        %get3A_286 = arith.constant 112 : index
        %get3A_287 = tpu.vector_load %arg8[%get3A_284, %get3A_285, %get3A_286] {strides = array<i32>} : memref<2x400x128xf32, #tpu.memory_space<vmem>>, vector<16xf32>,
        %mul3A_288 = arith.mulf %get3A_287, %get3A_44 : vector<16xf32>
        %add3A_289 = arith.addf %add3A_283, %mul3A_288 : vector<16xf32>
        %eq3A_290 = arith.constant 2 : i32
        %eq3A_291 = vector.broadcast %eq3A_290 : i32 to vector<16xi32>
        %eq3A_292 = arith.cmpi eq, %iota3A, %eq3A_291 : vector<16xi32>
        %reduce_sum3A_293 = arith.constant true
        %reduce_sum3A_294 = vector.broadcast %reduce_sum3A_293 : i1 to vector<16xi1>
        %reduce_sum3A_295 = tpu.scan <sum>, %add3A_289 masked %reduce_sum3A_294 : vector<16xf32>, vector<16xi1> -> vector<16xf32>
        %reduce_sum3A_296 = vector.extract %reduce_sum3A_295[15] : f32 from vector<16xf32>
        %broadcast_in_dim3A_297 = vector.broadcast %reduce_sum3A_296 : f32 to vector<16xf32>
        %select_n3A_298 = arith.select %eq3A_292, %broadcast_in_dim3A_297, %select_n3A_238 : vector<16xi1>, vector<16xf32>
        %mul3A_299 = arith.constant 16 : i32
        %mul3A_300 = arith.muli %scan3A_120, %mul3A_299 : i32
        %add3A_301 = arith.constant 3 : i32
        %add3A_302 = arith.addi %mul3A_300, %add3A_301 : i32
        %get3A_303 = arith.index_cast %rem3A_61 : i32 to index
        %get3A_304 = arith.index_cast %add3A_302 : i32 to index
        %get3A_305 = arith.constant 0 : index
        %get3A_306 = tpu.vector_load %arg8[%get3A_303, %get3A_304, %get3A_305] {strides = array<i32>} : memref<2x400x128xf32, #tpu.memory_space<vmem>>, vector<16xf32>,
        %mul3A_307 = arith.mulf %get3A_306, %get3A_30 : vector<16xf32>
        %get3A_308 = arith.index_cast %rem3A_61 : i32 to index
        %get3A_309 = arith.index_cast %add3A_302 : i32 to index
        %get3A_310 = arith.constant 16 : index
        %get3A_311 = tpu.vector_load %arg8[%get3A_308, %get3A_309, %get3A_310] {strides = array<i32>} : memref<2x400x128xf32, #tpu.memory_space<vmem>>, vector<16xf32>,
        %mul3A_312 = arith.mulf %get3A_311, %get3A_32 : vector<16xf32>
        %add3A_313 = arith.addf %mul3A_307, %mul3A_312 : vector<16xf32>
        %get3A_314 = arith.index_cast %rem3A_61 : i32 to index
        %get3A_315 = arith.index_cast %add3A_302 : i32 to index
        %get3A_316 = arith.constant 32 : index
        %get3A_317 = tpu.vector_load %arg8[%get3A_314, %get3A_315, %get3A_316] {strides = array<i32>} : memref<2x400x128xf32, #tpu.memory_space<vmem>>, vector<16xf32>,
        %mul3A_318 = arith.mulf %get3A_317, %get3A_34 : vector<16xf32>
        %add3A_319 = arith.addf %add3A_313, %mul3A_318 : vector<16xf32>
        %get3A_320 = arith.index_cast %rem3A_61 : i32 to index
        %get3A_321 = arith.index_cast %add3A_302 : i32 to index
        %get3A_322 = arith.constant 48 : index
        %get3A_323 = tpu.vector_load %arg8[%get3A_320, %get3A_321, %get3A_322] {strides = array<i32>} : memref<2x400x128xf32, #tpu.memory_space<vmem>>, vector<16xf32>,
        %mul3A_324 = arith.mulf %get3A_323, %get3A_36 : vector<16xf32>
        %add3A_325 = arith.addf %add3A_319, %mul3A_324 : vector<16xf32>
        %get3A_326 = arith.index_cast %rem3A_61 : i32 to index
        %get3A_327 = arith.index_cast %add3A_302 : i32 to index
        %get3A_328 = arith.constant 64 : index
        %get3A_329 = tpu.vector_load %arg8[%get3A_326, %get3A_327, %get3A_328] {strides = array<i32>} : memref<2x400x128xf32, #tpu.memory_space<vmem>>, vector<16xf32>,
        %mul3A_330 = arith.mulf %get3A_329, %get3A_38 : vector<16xf32>
        %add3A_331 = arith.addf %add3A_325, %mul3A_330 : vector<16xf32>
        %get3A_332 = arith.index_cast %rem3A_61 : i32 to index
        %get3A_333 = arith.index_cast %add3A_302 : i32 to index
        %get3A_334 = arith.constant 80 : index
        %get3A_335 = tpu.vector_load %arg8[%get3A_332, %get3A_333, %get3A_334] {strides = array<i32>} : memref<2x400x128xf32, #tpu.memory_space<vmem>>, vector<16xf32>,
        %mul3A_336 = arith.mulf %get3A_335, %get3A_40 : vector<16xf32>
        %add3A_337 = arith.addf %add3A_331, %mul3A_336 : vector<16xf32>
        %get3A_338 = arith.index_cast %rem3A_61 : i32 to index
        %get3A_339 = arith.index_cast %add3A_302 : i32 to index
        %get3A_340 = arith.constant 96 : index
        %get3A_341 = tpu.vector_load %arg8[%get3A_338, %get3A_339, %get3A_340] {strides = array<i32>} : memref<2x400x128xf32, #tpu.memory_space<vmem>>, vector<16xf32>,
        %mul3A_342 = arith.mulf %get3A_341, %get3A_42 : vector<16xf32>
        %add3A_343 = arith.addf %add3A_337, %mul3A_342 : vector<16xf32>
        %get3A_344 = arith.index_cast %rem3A_61 : i32 to index
        %get3A_345 = arith.index_cast %add3A_302 : i32 to index
        %get3A_346 = arith.constant 112 : index
        %get3A_347 = tpu.vector_load %arg8[%get3A_344, %get3A_345, %get3A_346] {strides = array<i32>} : memref<2x400x128xf32, #tpu.memory_space<vmem>>, vector<16xf32>,
        %mul3A_348 = arith.mulf %get3A_347, %get3A_44 : vector<16xf32>
        %add3A_349 = arith.addf %add3A_343, %mul3A_348 : vector<16xf32>
        %eq3A_350 = arith.constant 3 : i32
        %eq3A_351 = vector.broadcast %eq3A_350 : i32 to vector<16xi32>
        %eq3A_352 = arith.cmpi eq, %iota3A, %eq3A_351 : vector<16xi32>
        %reduce_sum3A_353 = arith.constant true
        %reduce_sum3A_354 = vector.broadcast %reduce_sum3A_353 : i1 to vector<16xi1>
        %reduce_sum3A_355 = tpu.scan <sum>, %add3A_349 masked %reduce_sum3A_354 : vector<16xf32>, vector<16xi1> -> vector<16xf32>
        %reduce_sum3A_356 = vector.extract %reduce_sum3A_355[15] : f32 from vector<16xf32>
        %broadcast_in_dim3A_357 = vector.broadcast %reduce_sum3A_356 : f32 to vector<16xf32>
        %select_n3A_358 = arith.select %eq3A_352, %broadcast_in_dim3A_357, %select_n3A_298 : vector<16xi1>, vector<16xf32>
        %mul3A_359 = arith.constant 16 : i32
        %mul3A_360 = arith.muli %scan3A_120, %mul3A_359 : i32
        %add3A_361 = arith.constant 4 : i32
        %add3A_362 = arith.addi %mul3A_360, %add3A_361 : i32
        %get3A_363 = arith.index_cast %rem3A_61 : i32 to index
        %get3A_364 = arith.index_cast %add3A_362 : i32 to index
        %get3A_365 = arith.constant 0 : index
        %get3A_366 = tpu.vector_load %arg8[%get3A_363, %get3A_364, %get3A_365] {strides = array<i32>} : memref<2x400x128xf32, #tpu.memory_space<vmem>>, vector<16xf32>,
        %mul3A_367 = arith.mulf %get3A_366, %get3A_30 : vector<16xf32>
        %get3A_368 = arith.index_cast %rem3A_61 : i32 to index
        %get3A_369 = arith.index_cast %add3A_362 : i32 to index
        %get3A_370 = arith.constant 16 : index
        %get3A_371 = tpu.vector_load %arg8[%get3A_368, %get3A_369, %get3A_370] {strides = array<i32>} : memref<2x400x128xf32, #tpu.memory_space<vmem>>, vector<16xf32>,
        %mul3A_372 = arith.mulf %get3A_371, %get3A_32 : vector<16xf32>
        %add3A_373 = arith.addf %mul3A_367, %mul3A_372 : vector<16xf32>
        %get3A_374 = arith.index_cast %rem3A_61 : i32 to index
        %get3A_375 = arith.index_cast %add3A_362 : i32 to index
        %get3A_376 = arith.constant 32 : index
        %get3A_377 = tpu.vector_load %arg8[%get3A_374, %get3A_375, %get3A_376] {strides = array<i32>} : memref<2x400x128xf32, #tpu.memory_space<vmem>>, vector<16xf32>,
        %mul3A_378 = arith.mulf %get3A_377, %get3A_34 : vector<16xf32>
        %add3A_379 = arith.addf %add3A_373, %mul3A_378 : vector<16xf32>
        %get3A_380 = arith.index_cast %rem3A_61 : i32 to index
        %get3A_381 = arith.index_cast %add3A_362 : i32 to index
        %get3A_382 = arith.constant 48 : index
        %get3A_383 = tpu.vector_load %arg8[%get3A_380, %get3A_381, %get3A_382] {strides = array<i32>} : memref<2x400x128xf32, #tpu.memory_space<vmem>>, vector<16xf32>,
        %mul3A_384 = arith.mulf %get3A_383, %get3A_36 : vector<16xf32>
        %add3A_385 = arith.addf %add3A_379, %mul3A_384 : vector<16xf32>
        %get3A_386 = arith.index_cast %rem3A_61 : i32 to index
        %get3A_387 = arith.index_cast %add3A_362 : i32 to index
        %get3A_388 = arith.constant 64 : index
        %get3A_389 = tpu.vector_load %arg8[%get3A_386, %get3A_387, %get3A_388] {strides = array<i32>} : memref<2x400x128xf32, #tpu.memory_space<vmem>>, vector<16xf32>,
        %mul3A_390 = arith.mulf %get3A_389, %get3A_38 : vector<16xf32>
        %add3A_391 = arith.addf %add3A_385, %mul3A_390 : vector<16xf32>
        %get3A_392 = arith.index_cast %rem3A_61 : i32 to index
        %get3A_393 = arith.index_cast %add3A_362 : i32 to index
        %get3A_394 = arith.constant 80 : index
        %get3A_395 = tpu.vector_load %arg8[%get3A_392, %get3A_393, %get3A_394] {strides = array<i32>} : memref<2x400x128xf32, #tpu.memory_space<vmem>>, vector<16xf32>,
        %mul3A_396 = arith.mulf %get3A_395, %get3A_40 : vector<16xf32>
        %add3A_397 = arith.addf %add3A_391, %mul3A_396 : vector<16xf32>
        %get3A_398 = arith.index_cast %rem3A_61 : i32 to index
        %get3A_399 = arith.index_cast %add3A_362 : i32 to index
        %get3A_400 = arith.constant 96 : index
        %get3A_401 = tpu.vector_load %arg8[%get3A_398, %get3A_399, %get3A_400] {strides = array<i32>} : memref<2x400x128xf32, #tpu.memory_space<vmem>>, vector<16xf32>,
        %mul3A_402 = arith.mulf %get3A_401, %get3A_42 : vector<16xf32>
        %add3A_403 = arith.addf %add3A_397, %mul3A_402 : vector<16xf32>
        %get3A_404 = arith.index_cast %rem3A_61 : i32 to index
        %get3A_405 = arith.index_cast %add3A_362 : i32 to index
        %get3A_406 = arith.constant 112 : index
        %get3A_407 = tpu.vector_load %arg8[%get3A_404, %get3A_405, %get3A_406] {strides = array<i32>} : memref<2x400x128xf32, #tpu.memory_space<vmem>>, vector<16xf32>,
        %mul3A_408 = arith.mulf %get3A_407, %get3A_44 : vector<16xf32>
        %add3A_409 = arith.addf %add3A_403, %mul3A_408 : vector<16xf32>
        %eq3A_410 = arith.constant 4 : i32
        %eq3A_411 = vector.broadcast %eq3A_410 : i32 to vector<16xi32>
        %eq3A_412 = arith.cmpi eq, %iota3A, %eq3A_411 : vector<16xi32>
        %reduce_sum3A_413 = arith.constant true
        %reduce_sum3A_414 = vector.broadcast %reduce_sum3A_413 : i1 to vector<16xi1>
        %reduce_sum3A_415 = tpu.scan <sum>, %add3A_409 masked %reduce_sum3A_414 : vector<16xf32>, vector<16xi1> -> vector<16xf32>
        %reduce_sum3A_416 = vector.extract %reduce_sum3A_415[15] : f32 from vector<16xf32>
        %broadcast_in_dim3A_417 = vector.broadcast %reduce_sum3A_416 : f32 to vector<16xf32>
        %select_n3A_418 = arith.select %eq3A_412, %broadcast_in_dim3A_417, %select_n3A_358 : vector<16xi1>, vector<16xf32>
        %mul3A_419 = arith.constant 16 : i32
        %mul3A_420 = arith.muli %scan3A_120, %mul3A_419 : i32
        %add3A_421 = arith.constant 5 : i32
        %add3A_422 = arith.addi %mul3A_420, %add3A_421 : i32
        %get3A_423 = arith.index_cast %rem3A_61 : i32 to index
        %get3A_424 = arith.index_cast %add3A_422 : i32 to index
        %get3A_425 = arith.constant 0 : index
        %get3A_426 = tpu.vector_load %arg8[%get3A_423, %get3A_424, %get3A_425] {strides = array<i32>} : memref<2x400x128xf32, #tpu.memory_space<vmem>>, vector<16xf32>,
        %mul3A_427 = arith.mulf %get3A_426, %get3A_30 : vector<16xf32>
        %get3A_428 = arith.index_cast %rem3A_61 : i32 to index
        %get3A_429 = arith.index_cast %add3A_422 : i32 to index
        %get3A_430 = arith.constant 16 : index
        %get3A_431 = tpu.vector_load %arg8[%get3A_428, %get3A_429, %get3A_430] {strides = array<i32>} : memref<2x400x128xf32, #tpu.memory_space<vmem>>, vector<16xf32>,
        %mul3A_432 = arith.mulf %get3A_431, %get3A_32 : vector<16xf32>
        %add3A_433 = arith.addf %mul3A_427, %mul3A_432 : vector<16xf32>
        %get3A_434 = arith.index_cast %rem3A_61 : i32 to index
        %get3A_435 = arith.index_cast %add3A_422 : i32 to index
        %get3A_436 = arith.constant 32 : index
        %get3A_437 = tpu.vector_load %arg8[%get3A_434, %get3A_435, %get3A_436] {strides = array<i32>} : memref<2x400x128xf32, #tpu.memory_space<vmem>>, vector<16xf32>,
        %mul3A_438 = arith.mulf %get3A_437, %get3A_34 : vector<16xf32>
        %add3A_439 = arith.addf %add3A_433, %mul3A_438 : vector<16xf32>
        %get3A_440 = arith.index_cast %rem3A_61 : i32 to index
        %get3A_441 = arith.index_cast %add3A_422 : i32 to index
        %get3A_442 = arith.constant 48 : index
        %get3A_443 = tpu.vector_load %arg8[%get3A_440, %get3A_441, %get3A_442] {strides = array<i32>} : memref<2x400x128xf32, #tpu.memory_space<vmem>>, vector<16xf32>,
        %mul3A_444 = arith.mulf %get3A_443, %get3A_36 : vector<16xf32>
        %add3A_445 = arith.addf %add3A_439, %mul3A_444 : vector<16xf32>
        %get3A_446 = arith.index_cast %rem3A_61 : i32 to index
        %get3A_447 = arith.index_cast %add3A_422 : i32 to index
        %get3A_448 = arith.constant 64 : index
        %get3A_449 = tpu.vector_load %arg8[%get3A_446, %get3A_447, %get3A_448] {strides = array<i32>} : memref<2x400x128xf32, #tpu.memory_space<vmem>>, vector<16xf32>,
        %mul3A_450 = arith.mulf %get3A_449, %get3A_38 : vector<16xf32>
        %add3A_451 = arith.addf %add3A_445, %mul3A_450 : vector<16xf32>
        %get3A_452 = arith.index_cast %rem3A_61 : i32 to index
        %get3A_453 = arith.index_cast %add3A_422 : i32 to index
        %get3A_454 = arith.constant 80 : index
        %get3A_455 = tpu.vector_load %arg8[%get3A_452, %get3A_453, %get3A_454] {strides = array<i32>} : memref<2x400x128xf32, #tpu.memory_space<vmem>>, vector<16xf32>,
        %mul3A_456 = arith.mulf %get3A_455, %get3A_40 : vector<16xf32>
        %add3A_457 = arith.addf %add3A_451, %mul3A_456 : vector<16xf32>
        %get3A_458 = arith.index_cast %rem3A_61 : i32 to index
        %get3A_459 = arith.index_cast %add3A_422 : i32 to index
        %get3A_460 = arith.constant 96 : index
        %get3A_461 = tpu.vector_load %arg8[%get3A_458, %get3A_459, %get3A_460] {strides = array<i32>} : memref<2x400x128xf32, #tpu.memory_space<vmem>>, vector<16xf32>,
        %mul3A_462 = arith.mulf %get3A_461, %get3A_42 : vector<16xf32>
        %add3A_463 = arith.addf %add3A_457, %mul3A_462 : vector<16xf32>
        %get3A_464 = arith.index_cast %rem3A_61 : i32 to index
        %get3A_465 = arith.index_cast %add3A_422 : i32 to index
        %get3A_466 = arith.constant 112 : index
        %get3A_467 = tpu.vector_load %arg8[%get3A_464, %get3A_465, %get3A_466] {strides = array<i32>} : memref<2x400x128xf32, #tpu.memory_space<vmem>>, vector<16xf32>,
        %mul3A_468 = arith.mulf %get3A_467, %get3A_44 : vector<16xf32>
        %add3A_469 = arith.addf %add3A_463, %mul3A_468 : vector<16xf32>
        %eq3A_470 = arith.constant 5 : i32
        %eq3A_471 = vector.broadcast %eq3A_470 : i32 to vector<16xi32>
        %eq3A_472 = arith.cmpi eq, %iota3A, %eq3A_471 : vector<16xi32>
        %reduce_sum3A_473 = arith.constant true
        %reduce_sum3A_474 = vector.broadcast %reduce_sum3A_473 : i1 to vector<16xi1>
        %reduce_sum3A_475 = tpu.scan <sum>, %add3A_469 masked %reduce_sum3A_474 : vector<16xf32>, vector<16xi1> -> vector<16xf32>
        %reduce_sum3A_476 = vector.extract %reduce_sum3A_475[15] : f32 from vector<16xf32>
        %broadcast_in_dim3A_477 = vector.broadcast %reduce_sum3A_476 : f32 to vector<16xf32>
        %select_n3A_478 = arith.select %eq3A_472, %broadcast_in_dim3A_477, %select_n3A_418 : vector<16xi1>, vector<16xf32>
        %mul3A_479 = arith.constant 16 : i32
        %mul3A_480 = arith.muli %scan3A_120, %mul3A_479 : i32
        %add3A_481 = arith.constant 6 : i32
        %add3A_482 = arith.addi %mul3A_480, %add3A_481 : i32
        %get3A_483 = arith.index_cast %rem3A_61 : i32 to index
        %get3A_484 = arith.index_cast %add3A_482 : i32 to index
        %get3A_485 = arith.constant 0 : index
        %get3A_486 = tpu.vector_load %arg8[%get3A_483, %get3A_484, %get3A_485] {strides = array<i32>} : memref<2x400x128xf32, #tpu.memory_space<vmem>>, vector<16xf32>,
        %mul3A_487 = arith.mulf %get3A_486, %get3A_30 : vector<16xf32>
        %get3A_488 = arith.index_cast %rem3A_61 : i32 to index
        %get3A_489 = arith.index_cast %add3A_482 : i32 to index
        %get3A_490 = arith.constant 16 : index
        %get3A_491 = tpu.vector_load %arg8[%get3A_488, %get3A_489, %get3A_490] {strides = array<i32>} : memref<2x400x128xf32, #tpu.memory_space<vmem>>, vector<16xf32>,
        %mul3A_492 = arith.mulf %get3A_491, %get3A_32 : vector<16xf32>
        %add3A_493 = arith.addf %mul3A_487, %mul3A_492 : vector<16xf32>
        %get3A_494 = arith.index_cast %rem3A_61 : i32 to index
        %get3A_495 = arith.index_cast %add3A_482 : i32 to index
        %get3A_496 = arith.constant 32 : index
        %get3A_497 = tpu.vector_load %arg8[%get3A_494, %get3A_495, %get3A_496] {strides = array<i32>} : memref<2x400x128xf32, #tpu.memory_space<vmem>>, vector<16xf32>,
        %mul3A_498 = arith.mulf %get3A_497, %get3A_34 : vector<16xf32>
        %add3A_499 = arith.addf %add3A_493, %mul3A_498 : vector<16xf32>
        %get3A_500 = arith.index_cast %rem3A_61 : i32 to index
        %get3A_501 = arith.index_cast %add3A_482 : i32 to index
        %get3A_502 = arith.constant 48 : index
        %get3A_503 = tpu.vector_load %arg8[%get3A_500, %get3A_501, %get3A_502] {strides = array<i32>} : memref<2x400x128xf32, #tpu.memory_space<vmem>>, vector<16xf32>,
        %mul3A_504 = arith.mulf %get3A_503, %get3A_36 : vector<16xf32>
        %add3A_505 = arith.addf %add3A_499, %mul3A_504 : vector<16xf32>
        %get3A_506 = arith.index_cast %rem3A_61 : i32 to index
        %get3A_507 = arith.index_cast %add3A_482 : i32 to index
        %get3A_508 = arith.constant 64 : index
        %get3A_509 = tpu.vector_load %arg8[%get3A_506, %get3A_507, %get3A_508] {strides = array<i32>} : memref<2x400x128xf32, #tpu.memory_space<vmem>>, vector<16xf32>,
        %mul3A_510 = arith.mulf %get3A_509, %get3A_38 : vector<16xf32>
        %add3A_511 = arith.addf %add3A_505, %mul3A_510 : vector<16xf32>
        %get3A_512 = arith.index_cast %rem3A_61 : i32 to index
        %get3A_513 = arith.index_cast %add3A_482 : i32 to index
        %get3A_514 = arith.constant 80 : index
        %get3A_515 = tpu.vector_load %arg8[%get3A_512, %get3A_513, %get3A_514] {strides = array<i32>} : memref<2x400x128xf32, #tpu.memory_space<vmem>>, vector<16xf32>,
        %mul3A_516 = arith.mulf %get3A_515, %get3A_40 : vector<16xf32>
        %add3A_517 = arith.addf %add3A_511, %mul3A_516 : vector<16xf32>
        %get3A_518 = arith.index_cast %rem3A_61 : i32 to index
        %get3A_519 = arith.index_cast %add3A_482 : i32 to index
        %get3A_520 = arith.constant 96 : index
        %get3A_521 = tpu.vector_load %arg8[%get3A_518, %get3A_519, %get3A_520] {strides = array<i32>} : memref<2x400x128xf32, #tpu.memory_space<vmem>>, vector<16xf32>,
        %mul3A_522 = arith.mulf %get3A_521, %get3A_42 : vector<16xf32>
        %add3A_523 = arith.addf %add3A_517, %mul3A_522 : vector<16xf32>
        %get3A_524 = arith.index_cast %rem3A_61 : i32 to index
        %get3A_525 = arith.index_cast %add3A_482 : i32 to index
        %get3A_526 = arith.constant 112 : index
        %get3A_527 = tpu.vector_load %arg8[%get3A_524, %get3A_525, %get3A_526] {strides = array<i32>} : memref<2x400x128xf32, #tpu.memory_space<vmem>>, vector<16xf32>,
        %mul3A_528 = arith.mulf %get3A_527, %get3A_44 : vector<16xf32>
        %add3A_529 = arith.addf %add3A_523, %mul3A_528 : vector<16xf32>
        %eq3A_530 = arith.constant 6 : i32
        %eq3A_531 = vector.broadcast %eq3A_530 : i32 to vector<16xi32>
        %eq3A_532 = arith.cmpi eq, %iota3A, %eq3A_531 : vector<16xi32>
        %reduce_sum3A_533 = arith.constant true
        %reduce_sum3A_534 = vector.broadcast %reduce_sum3A_533 : i1 to vector<16xi1>
        %reduce_sum3A_535 = tpu.scan <sum>, %add3A_529 masked %reduce_sum3A_534 : vector<16xf32>, vector<16xi1> -> vector<16xf32>
        %reduce_sum3A_536 = vector.extract %reduce_sum3A_535[15] : f32 from vector<16xf32>
        %broadcast_in_dim3A_537 = vector.broadcast %reduce_sum3A_536 : f32 to vector<16xf32>
        %select_n3A_538 = arith.select %eq3A_532, %broadcast_in_dim3A_537, %select_n3A_478 : vector<16xi1>, vector<16xf32>
        %mul3A_539 = arith.constant 16 : i32
        %mul3A_540 = arith.muli %scan3A_120, %mul3A_539 : i32
        %add3A_541 = arith.constant 7 : i32
        %add3A_542 = arith.addi %mul3A_540, %add3A_541 : i32
        %get3A_543 = arith.index_cast %rem3A_61 : i32 to index
        %get3A_544 = arith.index_cast %add3A_542 : i32 to index
        %get3A_545 = arith.constant 0 : index
        %get3A_546 = tpu.vector_load %arg8[%get3A_543, %get3A_544, %get3A_545] {strides = array<i32>} : memref<2x400x128xf32, #tpu.memory_space<vmem>>, vector<16xf32>,
        %mul3A_547 = arith.mulf %get3A_546, %get3A_30 : vector<16xf32>
        %get3A_548 = arith.index_cast %rem3A_61 : i32 to index
        %get3A_549 = arith.index_cast %add3A_542 : i32 to index
        %get3A_550 = arith.constant 16 : index
        %get3A_551 = tpu.vector_load %arg8[%get3A_548, %get3A_549, %get3A_550] {strides = array<i32>} : memref<2x400x128xf32, #tpu.memory_space<vmem>>, vector<16xf32>,
        %mul3A_552 = arith.mulf %get3A_551, %get3A_32 : vector<16xf32>
        %add3A_553 = arith.addf %mul3A_547, %mul3A_552 : vector<16xf32>
        %get3A_554 = arith.index_cast %rem3A_61 : i32 to index
        %get3A_555 = arith.index_cast %add3A_542 : i32 to index
        %get3A_556 = arith.constant 32 : index
        %get3A_557 = tpu.vector_load %arg8[%get3A_554, %get3A_555, %get3A_556] {strides = array<i32>} : memref<2x400x128xf32, #tpu.memory_space<vmem>>, vector<16xf32>,
        %mul3A_558 = arith.mulf %get3A_557, %get3A_34 : vector<16xf32>
        %add3A_559 = arith.addf %add3A_553, %mul3A_558 : vector<16xf32>
        %get3A_560 = arith.index_cast %rem3A_61 : i32 to index
        %get3A_561 = arith.index_cast %add3A_542 : i32 to index
        %get3A_562 = arith.constant 48 : index
        %get3A_563 = tpu.vector_load %arg8[%get3A_560, %get3A_561, %get3A_562] {strides = array<i32>} : memref<2x400x128xf32, #tpu.memory_space<vmem>>, vector<16xf32>,
        %mul3A_564 = arith.mulf %get3A_563, %get3A_36 : vector<16xf32>
        %add3A_565 = arith.addf %add3A_559, %mul3A_564 : vector<16xf32>
        %get3A_566 = arith.index_cast %rem3A_61 : i32 to index
        %get3A_567 = arith.index_cast %add3A_542 : i32 to index
        %get3A_568 = arith.constant 64 : index
        %get3A_569 = tpu.vector_load %arg8[%get3A_566, %get3A_567, %get3A_568] {strides = array<i32>} : memref<2x400x128xf32, #tpu.memory_space<vmem>>, vector<16xf32>,
        %mul3A_570 = arith.mulf %get3A_569, %get3A_38 : vector<16xf32>
        %add3A_571 = arith.addf %add3A_565, %mul3A_570 : vector<16xf32>
        %get3A_572 = arith.index_cast %rem3A_61 : i32 to index
        %get3A_573 = arith.index_cast %add3A_542 : i32 to index
        %get3A_574 = arith.constant 80 : index
        %get3A_575 = tpu.vector_load %arg8[%get3A_572, %get3A_573, %get3A_574] {strides = array<i32>} : memref<2x400x128xf32, #tpu.memory_space<vmem>>, vector<16xf32>,
        %mul3A_576 = arith.mulf %get3A_575, %get3A_40 : vector<16xf32>
        %add3A_577 = arith.addf %add3A_571, %mul3A_576 : vector<16xf32>
        %get3A_578 = arith.index_cast %rem3A_61 : i32 to index
        %get3A_579 = arith.index_cast %add3A_542 : i32 to index
        %get3A_580 = arith.constant 96 : index
        %get3A_581 = tpu.vector_load %arg8[%get3A_578, %get3A_579, %get3A_580] {strides = array<i32>} : memref<2x400x128xf32, #tpu.memory_space<vmem>>, vector<16xf32>,
        %mul3A_582 = arith.mulf %get3A_581, %get3A_42 : vector<16xf32>
        %add3A_583 = arith.addf %add3A_577, %mul3A_582 : vector<16xf32>
        %get3A_584 = arith.index_cast %rem3A_61 : i32 to index
        %get3A_585 = arith.index_cast %add3A_542 : i32 to index
        %get3A_586 = arith.constant 112 : index
        %get3A_587 = tpu.vector_load %arg8[%get3A_584, %get3A_585, %get3A_586] {strides = array<i32>} : memref<2x400x128xf32, #tpu.memory_space<vmem>>, vector<16xf32>,
        %mul3A_588 = arith.mulf %get3A_587, %get3A_44 : vector<16xf32>
        %add3A_589 = arith.addf %add3A_583, %mul3A_588 : vector<16xf32>
        %eq3A_590 = arith.constant 7 : i32
        %eq3A_591 = vector.broadcast %eq3A_590 : i32 to vector<16xi32>
        %eq3A_592 = arith.cmpi eq, %iota3A, %eq3A_591 : vector<16xi32>
        %reduce_sum3A_593 = arith.constant true
        %reduce_sum3A_594 = vector.broadcast %reduce_sum3A_593 : i1 to vector<16xi1>
        %reduce_sum3A_595 = tpu.scan <sum>, %add3A_589 masked %reduce_sum3A_594 : vector<16xf32>, vector<16xi1> -> vector<16xf32>
        %reduce_sum3A_596 = vector.extract %reduce_sum3A_595[15] : f32 from vector<16xf32>
        %broadcast_in_dim3A_597 = vector.broadcast %reduce_sum3A_596 : f32 to vector<16xf32>
        %select_n3A_598 = arith.select %eq3A_592, %broadcast_in_dim3A_597, %select_n3A_538 : vector<16xi1>, vector<16xf32>
        %mul3A_599 = arith.constant 16 : i32
        %mul3A_600 = arith.muli %scan3A_120, %mul3A_599 : i32
        %add3A_601 = arith.constant 8 : i32
        %add3A_602 = arith.addi %mul3A_600, %add3A_601 : i32
        %get3A_603 = arith.index_cast %rem3A_61 : i32 to index
        %get3A_604 = arith.index_cast %add3A_602 : i32 to index
        %get3A_605 = arith.constant 0 : index
        %get3A_606 = tpu.vector_load %arg8[%get3A_603, %get3A_604, %get3A_605] {strides = array<i32>} : memref<2x400x128xf32, #tpu.memory_space<vmem>>, vector<16xf32>,
        %mul3A_607 = arith.mulf %get3A_606, %get3A_30 : vector<16xf32>
        %get3A_608 = arith.index_cast %rem3A_61 : i32 to index
        %get3A_609 = arith.index_cast %add3A_602 : i32 to index
        %get3A_610 = arith.constant 16 : index
        %get3A_611 = tpu.vector_load %arg8[%get3A_608, %get3A_609, %get3A_610] {strides = array<i32>} : memref<2x400x128xf32, #tpu.memory_space<vmem>>, vector<16xf32>,
        %mul3A_612 = arith.mulf %get3A_611, %get3A_32 : vector<16xf32>
        %add3A_613 = arith.addf %mul3A_607, %mul3A_612 : vector<16xf32>
        %get3A_614 = arith.index_cast %rem3A_61 : i32 to index
        %get3A_615 = arith.index_cast %add3A_602 : i32 to index
        %get3A_616 = arith.constant 32 : index
        %get3A_617 = tpu.vector_load %arg8[%get3A_614, %get3A_615, %get3A_616] {strides = array<i32>} : memref<2x400x128xf32, #tpu.memory_space<vmem>>, vector<16xf32>,
        %mul3A_618 = arith.mulf %get3A_617, %get3A_34 : vector<16xf32>
        %add3A_619 = arith.addf %add3A_613, %mul3A_618 : vector<16xf32>
        %get3A_620 = arith.index_cast %rem3A_61 : i32 to index
        %get3A_621 = arith.index_cast %add3A_602 : i32 to index
        %get3A_622 = arith.constant 48 : index
        %get3A_623 = tpu.vector_load %arg8[%get3A_620, %get3A_621, %get3A_622] {strides = array<i32>} : memref<2x400x128xf32, #tpu.memory_space<vmem>>, vector<16xf32>,
        %mul3A_624 = arith.mulf %get3A_623, %get3A_36 : vector<16xf32>
        %add3A_625 = arith.addf %add3A_619, %mul3A_624 : vector<16xf32>
        %get3A_626 = arith.index_cast %rem3A_61 : i32 to index
        %get3A_627 = arith.index_cast %add3A_602 : i32 to index
        %get3A_628 = arith.constant 64 : index
        %get3A_629 = tpu.vector_load %arg8[%get3A_626, %get3A_627, %get3A_628] {strides = array<i32>} : memref<2x400x128xf32, #tpu.memory_space<vmem>>, vector<16xf32>,
        %mul3A_630 = arith.mulf %get3A_629, %get3A_38 : vector<16xf32>
        %add3A_631 = arith.addf %add3A_625, %mul3A_630 : vector<16xf32>
        %get3A_632 = arith.index_cast %rem3A_61 : i32 to index
        %get3A_633 = arith.index_cast %add3A_602 : i32 to index
        %get3A_634 = arith.constant 80 : index
        %get3A_635 = tpu.vector_load %arg8[%get3A_632, %get3A_633, %get3A_634] {strides = array<i32>} : memref<2x400x128xf32, #tpu.memory_space<vmem>>, vector<16xf32>,
        %mul3A_636 = arith.mulf %get3A_635, %get3A_40 : vector<16xf32>
        %add3A_637 = arith.addf %add3A_631, %mul3A_636 : vector<16xf32>
        %get3A_638 = arith.index_cast %rem3A_61 : i32 to index
        %get3A_639 = arith.index_cast %add3A_602 : i32 to index
        %get3A_640 = arith.constant 96 : index
        %get3A_641 = tpu.vector_load %arg8[%get3A_638, %get3A_639, %get3A_640] {strides = array<i32>} : memref<2x400x128xf32, #tpu.memory_space<vmem>>, vector<16xf32>,
        %mul3A_642 = arith.mulf %get3A_641, %get3A_42 : vector<16xf32>
        %add3A_643 = arith.addf %add3A_637, %mul3A_642 : vector<16xf32>
        %get3A_644 = arith.index_cast %rem3A_61 : i32 to index
        %get3A_645 = arith.index_cast %add3A_602 : i32 to index
        %get3A_646 = arith.constant 112 : index
        %get3A_647 = tpu.vector_load %arg8[%get3A_644, %get3A_645, %get3A_646] {strides = array<i32>} : memref<2x400x128xf32, #tpu.memory_space<vmem>>, vector<16xf32>,
        %mul3A_648 = arith.mulf %get3A_647, %get3A_44 : vector<16xf32>
        %add3A_649 = arith.addf %add3A_643, %mul3A_648 : vector<16xf32>
        %eq3A_650 = arith.constant 8 : i32
        %eq3A_651 = vector.broadcast %eq3A_650 : i32 to vector<16xi32>
        %eq3A_652 = arith.cmpi eq, %iota3A, %eq3A_651 : vector<16xi32>
        %reduce_sum3A_653 = arith.constant true
        %reduce_sum3A_654 = vector.broadcast %reduce_sum3A_653 : i1 to vector<16xi1>
        %reduce_sum3A_655 = tpu.scan <sum>, %add3A_649 masked %reduce_sum3A_654 : vector<16xf32>, vector<16xi1> -> vector<16xf32>
        %reduce_sum3A_656 = vector.extract %reduce_sum3A_655[15] : f32 from vector<16xf32>
        %broadcast_in_dim3A_657 = vector.broadcast %reduce_sum3A_656 : f32 to vector<16xf32>
        %select_n3A_658 = arith.select %eq3A_652, %broadcast_in_dim3A_657, %select_n3A_598 : vector<16xi1>, vector<16xf32>
        %mul3A_659 = arith.constant 16 : i32
        %mul3A_660 = arith.muli %scan3A_120, %mul3A_659 : i32
        %add3A_661 = arith.constant 9 : i32
        %add3A_662 = arith.addi %mul3A_660, %add3A_661 : i32
        %get3A_663 = arith.index_cast %rem3A_61 : i32 to index
        %get3A_664 = arith.index_cast %add3A_662 : i32 to index
        %get3A_665 = arith.constant 0 : index
        %get3A_666 = tpu.vector_load %arg8[%get3A_663, %get3A_664, %get3A_665] {strides = array<i32>} : memref<2x400x128xf32, #tpu.memory_space<vmem>>, vector<16xf32>,
        %mul3A_667 = arith.mulf %get3A_666, %get3A_30 : vector<16xf32>
        %get3A_668 = arith.index_cast %rem3A_61 : i32 to index
        %get3A_669 = arith.index_cast %add3A_662 : i32 to index
        %get3A_670 = arith.constant 16 : index
        %get3A_671 = tpu.vector_load %arg8[%get3A_668, %get3A_669, %get3A_670] {strides = array<i32>} : memref<2x400x128xf32, #tpu.memory_space<vmem>>, vector<16xf32>,
        %mul3A_672 = arith.mulf %get3A_671, %get3A_32 : vector<16xf32>
        %add3A_673 = arith.addf %mul3A_667, %mul3A_672 : vector<16xf32>
        %get3A_674 = arith.index_cast %rem3A_61 : i32 to index
        %get3A_675 = arith.index_cast %add3A_662 : i32 to index
        %get3A_676 = arith.constant 32 : index
        %get3A_677 = tpu.vector_load %arg8[%get3A_674, %get3A_675, %get3A_676] {strides = array<i32>} : memref<2x400x128xf32, #tpu.memory_space<vmem>>, vector<16xf32>,
        %mul3A_678 = arith.mulf %get3A_677, %get3A_34 : vector<16xf32>
        %add3A_679 = arith.addf %add3A_673, %mul3A_678 : vector<16xf32>
        %get3A_680 = arith.index_cast %rem3A_61 : i32 to index
        %get3A_681 = arith.index_cast %add3A_662 : i32 to index
        %get3A_682 = arith.constant 48 : index
        %get3A_683 = tpu.vector_load %arg8[%get3A_680, %get3A_681, %get3A_682] {strides = array<i32>} : memref<2x400x128xf32, #tpu.memory_space<vmem>>, vector<16xf32>,
        %mul3A_684 = arith.mulf %get3A_683, %get3A_36 : vector<16xf32>
        %add3A_685 = arith.addf %add3A_679, %mul3A_684 : vector<16xf32>
        %get3A_686 = arith.index_cast %rem3A_61 : i32 to index
        %get3A_687 = arith.index_cast %add3A_662 : i32 to index
        %get3A_688 = arith.constant 64 : index
        %get3A_689 = tpu.vector_load %arg8[%get3A_686, %get3A_687, %get3A_688] {strides = array<i32>} : memref<2x400x128xf32, #tpu.memory_space<vmem>>, vector<16xf32>,
        %mul3A_690 = arith.mulf %get3A_689, %get3A_38 : vector<16xf32>
        %add3A_691 = arith.addf %add3A_685, %mul3A_690 : vector<16xf32>
        %get3A_692 = arith.index_cast %rem3A_61 : i32 to index
        %get3A_693 = arith.index_cast %add3A_662 : i32 to index
        %get3A_694 = arith.constant 80 : index
        %get3A_695 = tpu.vector_load %arg8[%get3A_692, %get3A_693, %get3A_694] {strides = array<i32>} : memref<2x400x128xf32, #tpu.memory_space<vmem>>, vector<16xf32>,
        %mul3A_696 = arith.mulf %get3A_695, %get3A_40 : vector<16xf32>
        %add3A_697 = arith.addf %add3A_691, %mul3A_696 : vector<16xf32>
        %get3A_698 = arith.index_cast %rem3A_61 : i32 to index
        %get3A_699 = arith.index_cast %add3A_662 : i32 to index
        %get3A_700 = arith.constant 96 : index
        %get3A_701 = tpu.vector_load %arg8[%get3A_698, %get3A_699, %get3A_700] {strides = array<i32>} : memref<2x400x128xf32, #tpu.memory_space<vmem>>, vector<16xf32>,
        %mul3A_702 = arith.mulf %get3A_701, %get3A_42 : vector<16xf32>
        %add3A_703 = arith.addf %add3A_697, %mul3A_702 : vector<16xf32>
        %get3A_704 = arith.index_cast %rem3A_61 : i32 to index
        %get3A_705 = arith.index_cast %add3A_662 : i32 to index
        %get3A_706 = arith.constant 112 : index
        %get3A_707 = tpu.vector_load %arg8[%get3A_704, %get3A_705, %get3A_706] {strides = array<i32>} : memref<2x400x128xf32, #tpu.memory_space<vmem>>, vector<16xf32>,
        %mul3A_708 = arith.mulf %get3A_707, %get3A_44 : vector<16xf32>
        %add3A_709 = arith.addf %add3A_703, %mul3A_708 : vector<16xf32>
        %eq3A_710 = arith.constant 9 : i32
        %eq3A_711 = vector.broadcast %eq3A_710 : i32 to vector<16xi32>
        %eq3A_712 = arith.cmpi eq, %iota3A, %eq3A_711 : vector<16xi32>
        %reduce_sum3A_713 = arith.constant true
        %reduce_sum3A_714 = vector.broadcast %reduce_sum3A_713 : i1 to vector<16xi1>
        %reduce_sum3A_715 = tpu.scan <sum>, %add3A_709 masked %reduce_sum3A_714 : vector<16xf32>, vector<16xi1> -> vector<16xf32>
        %reduce_sum3A_716 = vector.extract %reduce_sum3A_715[15] : f32 from vector<16xf32>
        %broadcast_in_dim3A_717 = vector.broadcast %reduce_sum3A_716 : f32 to vector<16xf32>
        %select_n3A_718 = arith.select %eq3A_712, %broadcast_in_dim3A_717, %select_n3A_658 : vector<16xi1>, vector<16xf32>
        %mul3A_719 = arith.constant 16 : i32
        %mul3A_720 = arith.muli %scan3A_120, %mul3A_719 : i32
        %add3A_721 = arith.constant 10 : i32
        %add3A_722 = arith.addi %mul3A_720, %add3A_721 : i32
        %get3A_723 = arith.index_cast %rem3A_61 : i32 to index
        %get3A_724 = arith.index_cast %add3A_722 : i32 to index
        %get3A_725 = arith.constant 0 : index
        %get3A_726 = tpu.vector_load %arg8[%get3A_723, %get3A_724, %get3A_725] {strides = array<i32>} : memref<2x400x128xf32, #tpu.memory_space<vmem>>, vector<16xf32>,
        %mul3A_727 = arith.mulf %get3A_726, %get3A_30 : vector<16xf32>
        %get3A_728 = arith.index_cast %rem3A_61 : i32 to index
        %get3A_729 = arith.index_cast %add3A_722 : i32 to index
        %get3A_730 = arith.constant 16 : index
        %get3A_731 = tpu.vector_load %arg8[%get3A_728, %get3A_729, %get3A_730] {strides = array<i32>} : memref<2x400x128xf32, #tpu.memory_space<vmem>>, vector<16xf32>,
        %mul3A_732 = arith.mulf %get3A_731, %get3A_32 : vector<16xf32>
        %add3A_733 = arith.addf %mul3A_727, %mul3A_732 : vector<16xf32>
        %get3A_734 = arith.index_cast %rem3A_61 : i32 to index
        %get3A_735 = arith.index_cast %add3A_722 : i32 to index
        %get3A_736 = arith.constant 32 : index
        %get3A_737 = tpu.vector_load %arg8[%get3A_734, %get3A_735, %get3A_736] {strides = array<i32>} : memref<2x400x128xf32, #tpu.memory_space<vmem>>, vector<16xf32>,
        %mul3A_738 = arith.mulf %get3A_737, %get3A_34 : vector<16xf32>
        %add3A_739 = arith.addf %add3A_733, %mul3A_738 : vector<16xf32>
        %get3A_740 = arith.index_cast %rem3A_61 : i32 to index
        %get3A_741 = arith.index_cast %add3A_722 : i32 to index
        %get3A_742 = arith.constant 48 : index
        %get3A_743 = tpu.vector_load %arg8[%get3A_740, %get3A_741, %get3A_742] {strides = array<i32>} : memref<2x400x128xf32, #tpu.memory_space<vmem>>, vector<16xf32>,
        %mul3A_744 = arith.mulf %get3A_743, %get3A_36 : vector<16xf32>
        %add3A_745 = arith.addf %add3A_739, %mul3A_744 : vector<16xf32>
        %get3A_746 = arith.index_cast %rem3A_61 : i32 to index
        %get3A_747 = arith.index_cast %add3A_722 : i32 to index
        %get3A_748 = arith.constant 64 : index
        %get3A_749 = tpu.vector_load %arg8[%get3A_746, %get3A_747, %get3A_748] {strides = array<i32>} : memref<2x400x128xf32, #tpu.memory_space<vmem>>, vector<16xf32>,
        %mul3A_750 = arith.mulf %get3A_749, %get3A_38 : vector<16xf32>
        %add3A_751 = arith.addf %add3A_745, %mul3A_750 : vector<16xf32>
        %get3A_752 = arith.index_cast %rem3A_61 : i32 to index
        %get3A_753 = arith.index_cast %add3A_722 : i32 to index
        %get3A_754 = arith.constant 80 : index
        %get3A_755 = tpu.vector_load %arg8[%get3A_752, %get3A_753, %get3A_754] {strides = array<i32>} : memref<2x400x128xf32, #tpu.memory_space<vmem>>, vector<16xf32>,
        %mul3A_756 = arith.mulf %get3A_755, %get3A_40 : vector<16xf32>
        %add3A_757 = arith.addf %add3A_751, %mul3A_756 : vector<16xf32>
        %get3A_758 = arith.index_cast %rem3A_61 : i32 to index
        %get3A_759 = arith.index_cast %add3A_722 : i32 to index
        %get3A_760 = arith.constant 96 : index
        %get3A_761 = tpu.vector_load %arg8[%get3A_758, %get3A_759, %get3A_760] {strides = array<i32>} : memref<2x400x128xf32, #tpu.memory_space<vmem>>, vector<16xf32>,
        %mul3A_762 = arith.mulf %get3A_761, %get3A_42 : vector<16xf32>
        %add3A_763 = arith.addf %add3A_757, %mul3A_762 : vector<16xf32>
        %get3A_764 = arith.index_cast %rem3A_61 : i32 to index
        %get3A_765 = arith.index_cast %add3A_722 : i32 to index
        %get3A_766 = arith.constant 112 : index
        %get3A_767 = tpu.vector_load %arg8[%get3A_764, %get3A_765, %get3A_766] {strides = array<i32>} : memref<2x400x128xf32, #tpu.memory_space<vmem>>, vector<16xf32>,
        %mul3A_768 = arith.mulf %get3A_767, %get3A_44 : vector<16xf32>
        %add3A_769 = arith.addf %add3A_763, %mul3A_768 : vector<16xf32>
        %eq3A_770 = arith.constant 10 : i32
        %eq3A_771 = vector.broadcast %eq3A_770 : i32 to vector<16xi32>
        %eq3A_772 = arith.cmpi eq, %iota3A, %eq3A_771 : vector<16xi32>
        %reduce_sum3A_773 = arith.constant true
        %reduce_sum3A_774 = vector.broadcast %reduce_sum3A_773 : i1 to vector<16xi1>
        %reduce_sum3A_775 = tpu.scan <sum>, %add3A_769 masked %reduce_sum3A_774 : vector<16xf32>, vector<16xi1> -> vector<16xf32>
        %reduce_sum3A_776 = vector.extract %reduce_sum3A_775[15] : f32 from vector<16xf32>
        %broadcast_in_dim3A_777 = vector.broadcast %reduce_sum3A_776 : f32 to vector<16xf32>
        %select_n3A_778 = arith.select %eq3A_772, %broadcast_in_dim3A_777, %select_n3A_718 : vector<16xi1>, vector<16xf32>
        %mul3A_779 = arith.constant 16 : i32
        %mul3A_780 = arith.muli %scan3A_120, %mul3A_779 : i32
        %add3A_781 = arith.constant 11 : i32
        %add3A_782 = arith.addi %mul3A_780, %add3A_781 : i32
        %get3A_783 = arith.index_cast %rem3A_61 : i32 to index
        %get3A_784 = arith.index_cast %add3A_782 : i32 to index
        %get3A_785 = arith.constant 0 : index
        %get3A_786 = tpu.vector_load %arg8[%get3A_783, %get3A_784, %get3A_785] {strides = array<i32>} : memref<2x400x128xf32, #tpu.memory_space<vmem>>, vector<16xf32>,
        %mul3A_787 = arith.mulf %get3A_786, %get3A_30 : vector<16xf32>
        %get3A_788 = arith.index_cast %rem3A_61 : i32 to index
        %get3A_789 = arith.index_cast %add3A_782 : i32 to index
        %get3A_790 = arith.constant 16 : index
        %get3A_791 = tpu.vector_load %arg8[%get3A_788, %get3A_789, %get3A_790] {strides = array<i32>} : memref<2x400x128xf32, #tpu.memory_space<vmem>>, vector<16xf32>,
        %mul3A_792 = arith.mulf %get3A_791, %get3A_32 : vector<16xf32>
        %add3A_793 = arith.addf %mul3A_787, %mul3A_792 : vector<16xf32>
        %get3A_794 = arith.index_cast %rem3A_61 : i32 to index
        %get3A_795 = arith.index_cast %add3A_782 : i32 to index
        %get3A_796 = arith.constant 32 : index
        %get3A_797 = tpu.vector_load %arg8[%get3A_794, %get3A_795, %get3A_796] {strides = array<i32>} : memref<2x400x128xf32, #tpu.memory_space<vmem>>, vector<16xf32>,
        %mul3A_798 = arith.mulf %get3A_797, %get3A_34 : vector<16xf32>
        %add3A_799 = arith.addf %add3A_793, %mul3A_798 : vector<16xf32>
        %get3A_800 = arith.index_cast %rem3A_61 : i32 to index
        %get3A_801 = arith.index_cast %add3A_782 : i32 to index
        %get3A_802 = arith.constant 48 : index
        %get3A_803 = tpu.vector_load %arg8[%get3A_800, %get3A_801, %get3A_802] {strides = array<i32>} : memref<2x400x128xf32, #tpu.memory_space<vmem>>, vector<16xf32>,
        %mul3A_804 = arith.mulf %get3A_803, %get3A_36 : vector<16xf32>
        %add3A_805 = arith.addf %add3A_799, %mul3A_804 : vector<16xf32>
        %get3A_806 = arith.index_cast %rem3A_61 : i32 to index
        %get3A_807 = arith.index_cast %add3A_782 : i32 to index
        %get3A_808 = arith.constant 64 : index
        %get3A_809 = tpu.vector_load %arg8[%get3A_806, %get3A_807, %get3A_808] {strides = array<i32>} : memref<2x400x128xf32, #tpu.memory_space<vmem>>, vector<16xf32>,
        %mul3A_810 = arith.mulf %get3A_809, %get3A_38 : vector<16xf32>
        %add3A_811 = arith.addf %add3A_805, %mul3A_810 : vector<16xf32>
        %get3A_812 = arith.index_cast %rem3A_61 : i32 to index
        %get3A_813 = arith.index_cast %add3A_782 : i32 to index
        %get3A_814 = arith.constant 80 : index
        %get3A_815 = tpu.vector_load %arg8[%get3A_812, %get3A_813, %get3A_814] {strides = array<i32>} : memref<2x400x128xf32, #tpu.memory_space<vmem>>, vector<16xf32>,
        %mul3A_816 = arith.mulf %get3A_815, %get3A_40 : vector<16xf32>
        %add3A_817 = arith.addf %add3A_811, %mul3A_816 : vector<16xf32>
        %get3A_818 = arith.index_cast %rem3A_61 : i32 to index
        %get3A_819 = arith.index_cast %add3A_782 : i32 to index
        %get3A_820 = arith.constant 96 : index
        %get3A_821 = tpu.vector_load %arg8[%get3A_818, %get3A_819, %get3A_820] {strides = array<i32>} : memref<2x400x128xf32, #tpu.memory_space<vmem>>, vector<16xf32>,
        %mul3A_822 = arith.mulf %get3A_821, %get3A_42 : vector<16xf32>
        %add3A_823 = arith.addf %add3A_817, %mul3A_822 : vector<16xf32>
        %get3A_824 = arith.index_cast %rem3A_61 : i32 to index
        %get3A_825 = arith.index_cast %add3A_782 : i32 to index
        %get3A_826 = arith.constant 112 : index
        %get3A_827 = tpu.vector_load %arg8[%get3A_824, %get3A_825, %get3A_826] {strides = array<i32>} : memref<2x400x128xf32, #tpu.memory_space<vmem>>, vector<16xf32>,
        %mul3A_828 = arith.mulf %get3A_827, %get3A_44 : vector<16xf32>
        %add3A_829 = arith.addf %add3A_823, %mul3A_828 : vector<16xf32>
        %eq3A_830 = arith.constant 11 : i32
        %eq3A_831 = vector.broadcast %eq3A_830 : i32 to vector<16xi32>
        %eq3A_832 = arith.cmpi eq, %iota3A, %eq3A_831 : vector<16xi32>
        %reduce_sum3A_833 = arith.constant true
        %reduce_sum3A_834 = vector.broadcast %reduce_sum3A_833 : i1 to vector<16xi1>
        %reduce_sum3A_835 = tpu.scan <sum>, %add3A_829 masked %reduce_sum3A_834 : vector<16xf32>, vector<16xi1> -> vector<16xf32>
        %reduce_sum3A_836 = vector.extract %reduce_sum3A_835[15] : f32 from vector<16xf32>
        %broadcast_in_dim3A_837 = vector.broadcast %reduce_sum3A_836 : f32 to vector<16xf32>
        %select_n3A_838 = arith.select %eq3A_832, %broadcast_in_dim3A_837, %select_n3A_778 : vector<16xi1>, vector<16xf32>
        %mul3A_839 = arith.constant 16 : i32
        %mul3A_840 = arith.muli %scan3A_120, %mul3A_839 : i32
        %add3A_841 = arith.constant 12 : i32
        %add3A_842 = arith.addi %mul3A_840, %add3A_841 : i32
        %get3A_843 = arith.index_cast %rem3A_61 : i32 to index
        %get3A_844 = arith.index_cast %add3A_842 : i32 to index
        %get3A_845 = arith.constant 0 : index
        %get3A_846 = tpu.vector_load %arg8[%get3A_843, %get3A_844, %get3A_845] {strides = array<i32>} : memref<2x400x128xf32, #tpu.memory_space<vmem>>, vector<16xf32>,
        %mul3A_847 = arith.mulf %get3A_846, %get3A_30 : vector<16xf32>
        %get3A_848 = arith.index_cast %rem3A_61 : i32 to index
        %get3A_849 = arith.index_cast %add3A_842 : i32 to index
        %get3A_850 = arith.constant 16 : index
        %get3A_851 = tpu.vector_load %arg8[%get3A_848, %get3A_849, %get3A_850] {strides = array<i32>} : memref<2x400x128xf32, #tpu.memory_space<vmem>>, vector<16xf32>,
        %mul3A_852 = arith.mulf %get3A_851, %get3A_32 : vector<16xf32>
        %add3A_853 = arith.addf %mul3A_847, %mul3A_852 : vector<16xf32>
        %get3A_854 = arith.index_cast %rem3A_61 : i32 to index
        %get3A_855 = arith.index_cast %add3A_842 : i32 to index
        %get3A_856 = arith.constant 32 : index
        %get3A_857 = tpu.vector_load %arg8[%get3A_854, %get3A_855, %get3A_856] {strides = array<i32>} : memref<2x400x128xf32, #tpu.memory_space<vmem>>, vector<16xf32>,
        %mul3A_858 = arith.mulf %get3A_857, %get3A_34 : vector<16xf32>
        %add3A_859 = arith.addf %add3A_853, %mul3A_858 : vector<16xf32>
        %get3A_860 = arith.index_cast %rem3A_61 : i32 to index
        %get3A_861 = arith.index_cast %add3A_842 : i32 to index
        %get3A_862 = arith.constant 48 : index
        %get3A_863 = tpu.vector_load %arg8[%get3A_860, %get3A_861, %get3A_862] {strides = array<i32>} : memref<2x400x128xf32, #tpu.memory_space<vmem>>, vector<16xf32>,
        %mul3A_864 = arith.mulf %get3A_863, %get3A_36 : vector<16xf32>
        %add3A_865 = arith.addf %add3A_859, %mul3A_864 : vector<16xf32>
        %get3A_866 = arith.index_cast %rem3A_61 : i32 to index
        %get3A_867 = arith.index_cast %add3A_842 : i32 to index
        %get3A_868 = arith.constant 64 : index
        %get3A_869 = tpu.vector_load %arg8[%get3A_866, %get3A_867, %get3A_868] {strides = array<i32>} : memref<2x400x128xf32, #tpu.memory_space<vmem>>, vector<16xf32>,
        %mul3A_870 = arith.mulf %get3A_869, %get3A_38 : vector<16xf32>
        %add3A_871 = arith.addf %add3A_865, %mul3A_870 : vector<16xf32>
        %get3A_872 = arith.index_cast %rem3A_61 : i32 to index
        %get3A_873 = arith.index_cast %add3A_842 : i32 to index
        %get3A_874 = arith.constant 80 : index
        %get3A_875 = tpu.vector_load %arg8[%get3A_872, %get3A_873, %get3A_874] {strides = array<i32>} : memref<2x400x128xf32, #tpu.memory_space<vmem>>, vector<16xf32>,
        %mul3A_876 = arith.mulf %get3A_875, %get3A_40 : vector<16xf32>
        %add3A_877 = arith.addf %add3A_871, %mul3A_876 : vector<16xf32>
        %get3A_878 = arith.index_cast %rem3A_61 : i32 to index
        %get3A_879 = arith.index_cast %add3A_842 : i32 to index
        %get3A_880 = arith.constant 96 : index
        %get3A_881 = tpu.vector_load %arg8[%get3A_878, %get3A_879, %get3A_880] {strides = array<i32>} : memref<2x400x128xf32, #tpu.memory_space<vmem>>, vector<16xf32>,
        %mul3A_882 = arith.mulf %get3A_881, %get3A_42 : vector<16xf32>
        %add3A_883 = arith.addf %add3A_877, %mul3A_882 : vector<16xf32>
        %get3A_884 = arith.index_cast %rem3A_61 : i32 to index
        %get3A_885 = arith.index_cast %add3A_842 : i32 to index
        %get3A_886 = arith.constant 112 : index
        %get3A_887 = tpu.vector_load %arg8[%get3A_884, %get3A_885, %get3A_886] {strides = array<i32>} : memref<2x400x128xf32, #tpu.memory_space<vmem>>, vector<16xf32>,
        %mul3A_888 = arith.mulf %get3A_887, %get3A_44 : vector<16xf32>
        %add3A_889 = arith.addf %add3A_883, %mul3A_888 : vector<16xf32>
        %eq3A_890 = arith.constant 12 : i32
        %eq3A_891 = vector.broadcast %eq3A_890 : i32 to vector<16xi32>
        %eq3A_892 = arith.cmpi eq, %iota3A, %eq3A_891 : vector<16xi32>
        %reduce_sum3A_893 = arith.constant true
        %reduce_sum3A_894 = vector.broadcast %reduce_sum3A_893 : i1 to vector<16xi1>
        %reduce_sum3A_895 = tpu.scan <sum>, %add3A_889 masked %reduce_sum3A_894 : vector<16xf32>, vector<16xi1> -> vector<16xf32>
        %reduce_sum3A_896 = vector.extract %reduce_sum3A_895[15] : f32 from vector<16xf32>
        %broadcast_in_dim3A_897 = vector.broadcast %reduce_sum3A_896 : f32 to vector<16xf32>
        %select_n3A_898 = arith.select %eq3A_892, %broadcast_in_dim3A_897, %select_n3A_838 : vector<16xi1>, vector<16xf32>
        %mul3A_899 = arith.constant 16 : i32
        %mul3A_900 = arith.muli %scan3A_120, %mul3A_899 : i32
        %add3A_901 = arith.constant 13 : i32
        %add3A_902 = arith.addi %mul3A_900, %add3A_901 : i32
        %get3A_903 = arith.index_cast %rem3A_61 : i32 to index
        %get3A_904 = arith.index_cast %add3A_902 : i32 to index
        %get3A_905 = arith.constant 0 : index
        %get3A_906 = tpu.vector_load %arg8[%get3A_903, %get3A_904, %get3A_905] {strides = array<i32>} : memref<2x400x128xf32, #tpu.memory_space<vmem>>, vector<16xf32>,
        %mul3A_907 = arith.mulf %get3A_906, %get3A_30 : vector<16xf32>
        %get3A_908 = arith.index_cast %rem3A_61 : i32 to index
        %get3A_909 = arith.index_cast %add3A_902 : i32 to index
        %get3A_910 = arith.constant 16 : index
        %get3A_911 = tpu.vector_load %arg8[%get3A_908, %get3A_909, %get3A_910] {strides = array<i32>} : memref<2x400x128xf32, #tpu.memory_space<vmem>>, vector<16xf32>,
        %mul3A_912 = arith.mulf %get3A_911, %get3A_32 : vector<16xf32>
        %add3A_913 = arith.addf %mul3A_907, %mul3A_912 : vector<16xf32>
        %get3A_914 = arith.index_cast %rem3A_61 : i32 to index
        %get3A_915 = arith.index_cast %add3A_902 : i32 to index
        %get3A_916 = arith.constant 32 : index
        %get3A_917 = tpu.vector_load %arg8[%get3A_914, %get3A_915, %get3A_916] {strides = array<i32>} : memref<2x400x128xf32, #tpu.memory_space<vmem>>, vector<16xf32>,
        %mul3A_918 = arith.mulf %get3A_917, %get3A_34 : vector<16xf32>
        %add3A_919 = arith.addf %add3A_913, %mul3A_918 : vector<16xf32>
        %get3A_920 = arith.index_cast %rem3A_61 : i32 to index
        %get3A_921 = arith.index_cast %add3A_902 : i32 to index
        %get3A_922 = arith.constant 48 : index
        %get3A_923 = tpu.vector_load %arg8[%get3A_920, %get3A_921, %get3A_922] {strides = array<i32>} : memref<2x400x128xf32, #tpu.memory_space<vmem>>, vector<16xf32>,
        %mul3A_924 = arith.mulf %get3A_923, %get3A_36 : vector<16xf32>
        %add3A_925 = arith.addf %add3A_919, %mul3A_924 : vector<16xf32>
        %get3A_926 = arith.index_cast %rem3A_61 : i32 to index
        %get3A_927 = arith.index_cast %add3A_902 : i32 to index
        %get3A_928 = arith.constant 64 : index
        %get3A_929 = tpu.vector_load %arg8[%get3A_926, %get3A_927, %get3A_928] {strides = array<i32>} : memref<2x400x128xf32, #tpu.memory_space<vmem>>, vector<16xf32>,
        %mul3A_930 = arith.mulf %get3A_929, %get3A_38 : vector<16xf32>
        %add3A_931 = arith.addf %add3A_925, %mul3A_930 : vector<16xf32>
        %get3A_932 = arith.index_cast %rem3A_61 : i32 to index
        %get3A_933 = arith.index_cast %add3A_902 : i32 to index
        %get3A_934 = arith.constant 80 : index
        %get3A_935 = tpu.vector_load %arg8[%get3A_932, %get3A_933, %get3A_934] {strides = array<i32>} : memref<2x400x128xf32, #tpu.memory_space<vmem>>, vector<16xf32>,
        %mul3A_936 = arith.mulf %get3A_935, %get3A_40 : vector<16xf32>
        %add3A_937 = arith.addf %add3A_931, %mul3A_936 : vector<16xf32>
        %get3A_938 = arith.index_cast %rem3A_61 : i32 to index
        %get3A_939 = arith.index_cast %add3A_902 : i32 to index
        %get3A_940 = arith.constant 96 : index
        %get3A_941 = tpu.vector_load %arg8[%get3A_938, %get3A_939, %get3A_940] {strides = array<i32>} : memref<2x400x128xf32, #tpu.memory_space<vmem>>, vector<16xf32>,
        %mul3A_942 = arith.mulf %get3A_941, %get3A_42 : vector<16xf32>
        %add3A_943 = arith.addf %add3A_937, %mul3A_942 : vector<16xf32>
        %get3A_944 = arith.index_cast %rem3A_61 : i32 to index
        %get3A_945 = arith.index_cast %add3A_902 : i32 to index
        %get3A_946 = arith.constant 112 : index
        %get3A_947 = tpu.vector_load %arg8[%get3A_944, %get3A_945, %get3A_946] {strides = array<i32>} : memref<2x400x128xf32, #tpu.memory_space<vmem>>, vector<16xf32>,
        %mul3A_948 = arith.mulf %get3A_947, %get3A_44 : vector<16xf32>
        %add3A_949 = arith.addf %add3A_943, %mul3A_948 : vector<16xf32>
        %eq3A_950 = arith.constant 13 : i32
        %eq3A_951 = vector.broadcast %eq3A_950 : i32 to vector<16xi32>
        %eq3A_952 = arith.cmpi eq, %iota3A, %eq3A_951 : vector<16xi32>
        %reduce_sum3A_953 = arith.constant true
        %reduce_sum3A_954 = vector.broadcast %reduce_sum3A_953 : i1 to vector<16xi1>
        %reduce_sum3A_955 = tpu.scan <sum>, %add3A_949 masked %reduce_sum3A_954 : vector<16xf32>, vector<16xi1> -> vector<16xf32>
        %reduce_sum3A_956 = vector.extract %reduce_sum3A_955[15] : f32 from vector<16xf32>
        %broadcast_in_dim3A_957 = vector.broadcast %reduce_sum3A_956 : f32 to vector<16xf32>
        %select_n3A_958 = arith.select %eq3A_952, %broadcast_in_dim3A_957, %select_n3A_898 : vector<16xi1>, vector<16xf32>
        %mul3A_959 = arith.constant 16 : i32
        %mul3A_960 = arith.muli %scan3A_120, %mul3A_959 : i32
        %add3A_961 = arith.constant 14 : i32
        %add3A_962 = arith.addi %mul3A_960, %add3A_961 : i32
        %get3A_963 = arith.index_cast %rem3A_61 : i32 to index
        %get3A_964 = arith.index_cast %add3A_962 : i32 to index
        %get3A_965 = arith.constant 0 : index
        %get3A_966 = tpu.vector_load %arg8[%get3A_963, %get3A_964, %get3A_965] {strides = array<i32>} : memref<2x400x128xf32, #tpu.memory_space<vmem>>, vector<16xf32>,
        %mul3A_967 = arith.mulf %get3A_966, %get3A_30 : vector<16xf32>
        %get3A_968 = arith.index_cast %rem3A_61 : i32 to index
        %get3A_969 = arith.index_cast %add3A_962 : i32 to index
        %get3A_970 = arith.constant 16 : index
        %get3A_971 = tpu.vector_load %arg8[%get3A_968, %get3A_969, %get3A_970] {strides = array<i32>} : memref<2x400x128xf32, #tpu.memory_space<vmem>>, vector<16xf32>,
        %mul3A_972 = arith.mulf %get3A_971, %get3A_32 : vector<16xf32>
        %add3A_973 = arith.addf %mul3A_967, %mul3A_972 : vector<16xf32>
        %get3A_974 = arith.index_cast %rem3A_61 : i32 to index
        %get3A_975 = arith.index_cast %add3A_962 : i32 to index
        %get3A_976 = arith.constant 32 : index
        %get3A_977 = tpu.vector_load %arg8[%get3A_974, %get3A_975, %get3A_976] {strides = array<i32>} : memref<2x400x128xf32, #tpu.memory_space<vmem>>, vector<16xf32>,
        %mul3A_978 = arith.mulf %get3A_977, %get3A_34 : vector<16xf32>
        %add3A_979 = arith.addf %add3A_973, %mul3A_978 : vector<16xf32>
        %get3A_980 = arith.index_cast %rem3A_61 : i32 to index
        %get3A_981 = arith.index_cast %add3A_962 : i32 to index
        %get3A_982 = arith.constant 48 : index
        %get3A_983 = tpu.vector_load %arg8[%get3A_980, %get3A_981, %get3A_982] {strides = array<i32>} : memref<2x400x128xf32, #tpu.memory_space<vmem>>, vector<16xf32>,
        %mul3A_984 = arith.mulf %get3A_983, %get3A_36 : vector<16xf32>
        %add3A_985 = arith.addf %add3A_979, %mul3A_984 : vector<16xf32>
        %get3A_986 = arith.index_cast %rem3A_61 : i32 to index
        %get3A_987 = arith.index_cast %add3A_962 : i32 to index
        %get3A_988 = arith.constant 64 : index
        %get3A_989 = tpu.vector_load %arg8[%get3A_986, %get3A_987, %get3A_988] {strides = array<i32>} : memref<2x400x128xf32, #tpu.memory_space<vmem>>, vector<16xf32>,
        %mul3A_990 = arith.mulf %get3A_989, %get3A_38 : vector<16xf32>
        %add3A_991 = arith.addf %add3A_985, %mul3A_990 : vector<16xf32>
        %get3A_992 = arith.index_cast %rem3A_61 : i32 to index
        %get3A_993 = arith.index_cast %add3A_962 : i32 to index
        %get3A_994 = arith.constant 80 : index
        %get3A_995 = tpu.vector_load %arg8[%get3A_992, %get3A_993, %get3A_994] {strides = array<i32>} : memref<2x400x128xf32, #tpu.memory_space<vmem>>, vector<16xf32>,
        %mul3A_996 = arith.mulf %get3A_995, %get3A_40 : vector<16xf32>
        %add3A_997 = arith.addf %add3A_991, %mul3A_996 : vector<16xf32>
        %get3A_998 = arith.index_cast %rem3A_61 : i32 to index
        %get3A_999 = arith.index_cast %add3A_962 : i32 to index
        %get3A_1000 = arith.constant 96 : index
        %get3A_1001 = tpu.vector_load %arg8[%get3A_998, %get3A_999, %get3A_1000] {strides = array<i32>} : memref<2x400x128xf32, #tpu.memory_space<vmem>>, vector<16xf32>,
        %mul3A_1002 = arith.mulf %get3A_1001, %get3A_42 : vector<16xf32>
        %add3A_1003 = arith.addf %add3A_997, %mul3A_1002 : vector<16xf32>
        %get3A_1004 = arith.index_cast %rem3A_61 : i32 to index
        %get3A_1005 = arith.index_cast %add3A_962 : i32 to index
        %get3A_1006 = arith.constant 112 : index
        %get3A_1007 = tpu.vector_load %arg8[%get3A_1004, %get3A_1005, %get3A_1006] {strides = array<i32>} : memref<2x400x128xf32, #tpu.memory_space<vmem>>, vector<16xf32>,
        %mul3A_1008 = arith.mulf %get3A_1007, %get3A_44 : vector<16xf32>
        %add3A_1009 = arith.addf %add3A_1003, %mul3A_1008 : vector<16xf32>
        %eq3A_1010 = arith.constant 14 : i32
        %eq3A_1011 = vector.broadcast %eq3A_1010 : i32 to vector<16xi32>
        %eq3A_1012 = arith.cmpi eq, %iota3A, %eq3A_1011 : vector<16xi32>
        %reduce_sum3A_1013 = arith.constant true
        %reduce_sum3A_1014 = vector.broadcast %reduce_sum3A_1013 : i1 to vector<16xi1>
        %reduce_sum3A_1015 = tpu.scan <sum>, %add3A_1009 masked %reduce_sum3A_1014 : vector<16xf32>, vector<16xi1> -> vector<16xf32>
        %reduce_sum3A_1016 = vector.extract %reduce_sum3A_1015[15] : f32 from vector<16xf32>
        %broadcast_in_dim3A_1017 = vector.broadcast %reduce_sum3A_1016 : f32 to vector<16xf32>
        %select_n3A_1018 = arith.select %eq3A_1012, %broadcast_in_dim3A_1017, %select_n3A_958 : vector<16xi1>, vector<16xf32>
        %mul3A_1019 = arith.constant 16 : i32
        %mul3A_1020 = arith.muli %scan3A_120, %mul3A_1019 : i32
        %add3A_1021 = arith.constant 15 : i32
        %add3A_1022 = arith.addi %mul3A_1020, %add3A_1021 : i32
        %get3A_1023 = arith.index_cast %rem3A_61 : i32 to index
        %get3A_1024 = arith.index_cast %add3A_1022 : i32 to index
        %get3A_1025 = arith.constant 0 : index
        %get3A_1026 = tpu.vector_load %arg8[%get3A_1023, %get3A_1024, %get3A_1025] {strides = array<i32>} : memref<2x400x128xf32, #tpu.memory_space<vmem>>, vector<16xf32>,
        %mul3A_1027 = arith.mulf %get3A_1026, %get3A_30 : vector<16xf32>
        %get3A_1028 = arith.index_cast %rem3A_61 : i32 to index
        %get3A_1029 = arith.index_cast %add3A_1022 : i32 to index
        %get3A_1030 = arith.constant 16 : index
        %get3A_1031 = tpu.vector_load %arg8[%get3A_1028, %get3A_1029, %get3A_1030] {strides = array<i32>} : memref<2x400x128xf32, #tpu.memory_space<vmem>>, vector<16xf32>,
        %mul3A_1032 = arith.mulf %get3A_1031, %get3A_32 : vector<16xf32>
        %add3A_1033 = arith.addf %mul3A_1027, %mul3A_1032 : vector<16xf32>
        %get3A_1034 = arith.index_cast %rem3A_61 : i32 to index
        %get3A_1035 = arith.index_cast %add3A_1022 : i32 to index
        %get3A_1036 = arith.constant 32 : index
        %get3A_1037 = tpu.vector_load %arg8[%get3A_1034, %get3A_1035, %get3A_1036] {strides = array<i32>} : memref<2x400x128xf32, #tpu.memory_space<vmem>>, vector<16xf32>,
        %mul3A_1038 = arith.mulf %get3A_1037, %get3A_34 : vector<16xf32>
        %add3A_1039 = arith.addf %add3A_1033, %mul3A_1038 : vector<16xf32>
        %get3A_1040 = arith.index_cast %rem3A_61 : i32 to index
        %get3A_1041 = arith.index_cast %add3A_1022 : i32 to index
        %get3A_1042 = arith.constant 48 : index
        %get3A_1043 = tpu.vector_load %arg8[%get3A_1040, %get3A_1041, %get3A_1042] {strides = array<i32>} : memref<2x400x128xf32, #tpu.memory_space<vmem>>, vector<16xf32>,
        %mul3A_1044 = arith.mulf %get3A_1043, %get3A_36 : vector<16xf32>
        %add3A_1045 = arith.addf %add3A_1039, %mul3A_1044 : vector<16xf32>
        %get3A_1046 = arith.index_cast %rem3A_61 : i32 to index
        %get3A_1047 = arith.index_cast %add3A_1022 : i32 to index
        %get3A_1048 = arith.constant 64 : index
        %get3A_1049 = tpu.vector_load %arg8[%get3A_1046, %get3A_1047, %get3A_1048] {strides = array<i32>} : memref<2x400x128xf32, #tpu.memory_space<vmem>>, vector<16xf32>,
        %mul3A_1050 = arith.mulf %get3A_1049, %get3A_38 : vector<16xf32>
        %add3A_1051 = arith.addf %add3A_1045, %mul3A_1050 : vector<16xf32>
        %get3A_1052 = arith.index_cast %rem3A_61 : i32 to index
        %get3A_1053 = arith.index_cast %add3A_1022 : i32 to index
        %get3A_1054 = arith.constant 80 : index
        %get3A_1055 = tpu.vector_load %arg8[%get3A_1052, %get3A_1053, %get3A_1054] {strides = array<i32>} : memref<2x400x128xf32, #tpu.memory_space<vmem>>, vector<16xf32>,
        %mul3A_1056 = arith.mulf %get3A_1055, %get3A_40 : vector<16xf32>
        %add3A_1057 = arith.addf %add3A_1051, %mul3A_1056 : vector<16xf32>
        %get3A_1058 = arith.index_cast %rem3A_61 : i32 to index
        %get3A_1059 = arith.index_cast %add3A_1022 : i32 to index
        %get3A_1060 = arith.constant 96 : index
        %get3A_1061 = tpu.vector_load %arg8[%get3A_1058, %get3A_1059, %get3A_1060] {strides = array<i32>} : memref<2x400x128xf32, #tpu.memory_space<vmem>>, vector<16xf32>,
        %mul3A_1062 = arith.mulf %get3A_1061, %get3A_42 : vector<16xf32>
        %add3A_1063 = arith.addf %add3A_1057, %mul3A_1062 : vector<16xf32>
        %get3A_1064 = arith.index_cast %rem3A_61 : i32 to index
        %get3A_1065 = arith.index_cast %add3A_1022 : i32 to index
        %get3A_1066 = arith.constant 112 : index
        %get3A_1067 = tpu.vector_load %arg8[%get3A_1064, %get3A_1065, %get3A_1066] {strides = array<i32>} : memref<2x400x128xf32, #tpu.memory_space<vmem>>, vector<16xf32>,
        %mul3A_1068 = arith.mulf %get3A_1067, %get3A_44 : vector<16xf32>
        %add3A_1069 = arith.addf %add3A_1063, %mul3A_1068 : vector<16xf32>
        %eq3A_1070 = arith.constant 15 : i32
        %eq3A_1071 = vector.broadcast %eq3A_1070 : i32 to vector<16xi32>
        %eq3A_1072 = arith.cmpi eq, %iota3A, %eq3A_1071 : vector<16xi32>
        %reduce_sum3A_1073 = arith.constant true
        %reduce_sum3A_1074 = vector.broadcast %reduce_sum3A_1073 : i1 to vector<16xi1>
        %reduce_sum3A_1075 = tpu.scan <sum>, %add3A_1069 masked %reduce_sum3A_1074 : vector<16xf32>, vector<16xi1> -> vector<16xf32>
        %reduce_sum3A_1076 = vector.extract %reduce_sum3A_1075[15] : f32 from vector<16xf32>
        %broadcast_in_dim3A_1077 = vector.broadcast %reduce_sum3A_1076 : f32 to vector<16xf32>
        %select_n3A_1078 = arith.select %eq3A_1072, %broadcast_in_dim3A_1077, %select_n3A_1018 : vector<16xi1>, vector<16xf32>
        %mul3A_1079 = arith.constant 400 : i32
        %mul3A_1080 = arith.muli %rem3A_61, %mul3A_1079 : i32
        %mul3A_1081 = arith.constant 16 : i32
        %mul3A_1082 = arith.muli %scan3A_120, %mul3A_1081 : i32
        %add3A_1083 = arith.addi %mul3A_1080, %mul3A_1082 : i32
        %swap3A = arith.index_cast %add3A_1083 : i32 to index
        %swap3A_1084 = tpu.vector_load %arg10[%swap3A] {strides = array<i32>} : memref<800xf32, #tpu.memory_space<vmem>>, vector<16xf32>,
        tpu.vector_store %arg10[%swap3A], %select_n3A_1078 {strides = array<i32>} : memref<800xf32, #tpu.memory_space<vmem>>, vector<16xf32>,
        %scan3A_1085 = arith.constant 0 : i32
        scf.yield %scan3A_1085 : i32
      }
      %scan3A_102 = arith.constant 25 : i32
      %scan3A_103 = arith.constant 0 : i32
      %scan3A_104 = arith.constant 0 : i32
      %scan3A_105 = arith.constant 25 : i32
      %scan3A_106 = arith.addi %scan3A_104, %scan3A_105 : i32
      %scan3A_107 = arith.constant 1 : i32
      %scan3A_108 = scf.for %scan3A_120 = %scan3A_104 to %scan3A_106 step %scan3A_107 iter_args(%scan3A_121 = %scan3A_103) -> (i32)  : i32 {
        %mul3A_122 = arith.constant 400 : i32
        %mul3A_123 = arith.muli %rem3A_61, %mul3A_122 : i32
        %mul3A_124 = arith.constant 16 : i32
        %mul3A_125 = arith.muli %scan3A_120, %mul3A_124 : i32
        %add3A_126 = arith.addi %mul3A_123, %mul3A_125 : i32
        %get3A_127 = arith.index_cast %add3A_126 : i32 to index
        %get3A_128 = tpu.vector_load %arg9[%get3A_127] {strides = array<i32>} : memref<800xi32, #tpu.memory_space<vmem>>, vector<16xi32>,
        %mul3A_129 = arith.constant 400 : i32
        %mul3A_130 = arith.muli %rem3A_61, %mul3A_129 : i32
        %mul3A_131 = arith.constant 16 : i32
        %mul3A_132 = arith.muli %scan3A_120, %mul3A_131 : i32
        %add3A_133 = arith.addi %mul3A_130, %mul3A_132 : i32
        %get3A_134 = arith.index_cast %add3A_133 : i32 to index
        %get3A_135 = tpu.vector_load %arg10[%get3A_134] {strides = array<i32>} : memref<800xf32, #tpu.memory_space<vmem>>, vector<16xf32>,
        tpu.vector_store_idx %arg12[%get3A_128], %get3A_135 {add = true} : memref<10240xf32, #tpu.memory_space<vmem>>[vector<16xi32>], vector<16xf32>,
        tpu.vector_store_idx %arg13[%get3A_128], %broadcast_in_dim3A_23 {add = true} : memref<10240xf32, #tpu.memory_space<vmem>>[vector<16xi32>], vector<16xf32>,
        %scan3A_136 = arith.constant 0 : i32
        scf.yield %scan3A_136 : i32
      }
      %scan3A_109 = arith.constant 25 : i32
      %mul3A_110 = arith.constant 400 : i32
      %mul3A_111 = arith.muli %rem3A_61, %mul3A_110 : i32
      %mul3A_112 = arith.constant 400 : i32
      %mul3A_113 = arith.muli %scan3A_59, %mul3A_112 : i32
      %add3A_114 = arith.addi %mul3A_2, %mul3A_113 : i32
      %dma_start3A_115 = tpu.memref_slice %arg10[%mul3A_111] : memref<800xf32, #tpu.memory_space<vmem>> -> memref<400xf32, #tpu.memory_space<vmem>>
      %dma_start3A_116 = tpu.memref_slice %arg5[%add3A_114] : memref<320000xf32, #tpu.memory_space<hbm>> -> memref<400xf32, #tpu.memory_space<hbm>>
      %dma_start3A_117 = tpu.memref_slice %arg5[%add3A_114] : memref<320000xf32, #tpu.memory_space<hbm>> -> memref<400xf32, #tpu.memory_space<hbm>>
      %dma_start3A_118 = tpu.memref_slice %arg10[%mul3A_111] : memref<800xf32, #tpu.memory_space<vmem>> -> memref<400xf32, #tpu.memory_space<vmem>>
      tpu.enqueue_dma source(%dma_start3A_118 : memref<400xf32, #tpu.memory_space<vmem>>) target(%dma_start3A_117 : memref<400xf32, #tpu.memory_space<hbm>>) target_semaphore(%arg16 : memref<!tpu.dma_semaphore, #tpu.memory_space<semaphore_mem>>)
      %scan3A_119 = arith.constant 0 : i32
      scf.yield %scan3A_119 : i32
    }
    %scan3A_51 = arith.constant 25 : i32
    %dma_wait3A = arith.constant 0 : i32
    %dma_wait3A_52 = tpu.memref_slice %arg10[%dma_wait3A] : memref<800xf32, #tpu.memory_space<vmem>> -> memref<400xf32, #tpu.memory_space<vmem>>
    %dma_wait3A_53 = arith.constant 0 : i32
    %dma_wait3A_54 = tpu.memref_slice %arg5[%dma_wait3A_53] : memref<320000xf32, #tpu.memory_space<hbm>> -> memref<400xf32, #tpu.memory_space<hbm>>
    %dma_wait3A_55 = arith.constant 0 : i32
    %dma_wait3A_56 = tpu.memref_slice %arg5[%dma_wait3A_55] : memref<320000xf32, #tpu.memory_space<hbm>> -> memref<400xf32, #tpu.memory_space<hbm>>
    %dma_wait3A_57 = arith.constant 0 : i32
    %dma_wait3A_58 = tpu.memref_slice %arg10[%dma_wait3A_57] : memref<800xf32, #tpu.memory_space<vmem>> -> memref<400xf32, #tpu.memory_space<vmem>>
    tpu.wait_dma2 semaphore(%arg16 : memref<!tpu.dma_semaphore, #tpu.memory_space<semaphore_mem>>) src(%dma_wait3A_58 : memref<400xf32, #tpu.memory_space<vmem>>) dst(%dma_wait3A_56 : memref<400xf32, #tpu.memory_space<hbm>>)
    "tpu.region"() ({
      %run_scoped3A = tpu.sem_alloc : memref<!tpu.dma_semaphore, #tpu.memory_space<semaphore_mem>>
      %dma_start3A_59 = arith.constant 0 : i32
      %dma_start3A_60 = tpu.memref_slice %arg6[%add3A, %dma_start3A_59] : memref<32x10240xf32, #tpu.memory_space<hbm>> -> memref<1x10240xf32, #tpu.memory_space<hbm>>
      %dma_start3A_61 = tpu.memref_squeeze %dma_start3A_60 : memref<1x10240xf32, #tpu.memory_space<hbm>> -> memref<10240xf32, #tpu.memory_space<hbm>>
      %dma_start3A_62 = arith.constant 0 : i32
      %dma_start3A_63 = tpu.memref_slice %arg6[%add3A, %dma_start3A_62] : memref<32x10240xf32, #tpu.memory_space<hbm>> -> memref<1x10240xf32, #tpu.memory_space<hbm>>
      %dma_start3A_64 = tpu.memref_squeeze %dma_start3A_63 : memref<1x10240xf32, #tpu.memory_space<hbm>> -> memref<10240xf32, #tpu.memory_space<hbm>>
      tpu.enqueue_dma source(%arg12 : memref<10240xf32, #tpu.memory_space<vmem>>) target(%dma_start3A_64 : memref<10240xf32, #tpu.memory_space<hbm>>) target_semaphore(%run_scoped3A : memref<!tpu.dma_semaphore, #tpu.memory_space<semaphore_mem>>)
      %dma_wait3A_65 = arith.constant 0 : i32
      %dma_wait3A_66 = tpu.memref_slice %arg6[%add3A, %dma_wait3A_65] : memref<32x10240xf32, #tpu.memory_space<hbm>> -> memref<1x10240xf32, #tpu.memory_space<hbm>>
      %dma_wait3A_67 = tpu.memref_squeeze %dma_wait3A_66 : memref<1x10240xf32, #tpu.memory_space<hbm>> -> memref<10240xf32, #tpu.memory_space<hbm>>
      %dma_wait3A_68 = arith.constant 0 : i32
      %dma_wait3A_69 = tpu.memref_slice %arg6[%add3A, %dma_wait3A_68] : memref<32x10240xf32, #tpu.memory_space<hbm>> -> memref<1x10240xf32, #tpu.memory_space<hbm>>
      %dma_wait3A_70 = tpu.memref_squeeze %dma_wait3A_69 : memref<1x10240xf32, #tpu.memory_space<hbm>> -> memref<10240xf32, #tpu.memory_space<hbm>>
      tpu.wait_dma2 semaphore(%run_scoped3A : memref<!tpu.dma_semaphore, #tpu.memory_space<semaphore_mem>>) src(%arg12 : memref<10240xf32, #tpu.memory_space<vmem>>) dst(%dma_wait3A_70 : memref<10240xf32, #tpu.memory_space<hbm>>)
      tpu.yield
    }) : () -> ()
    "tpu.region"() ({
      %run_scoped3A = tpu.sem_alloc : memref<!tpu.dma_semaphore, #tpu.memory_space<semaphore_mem>>
      %dma_start3A_59 = arith.constant 0 : i32
      %dma_start3A_60 = tpu.memref_slice %arg7[%add3A, %dma_start3A_59] : memref<32x10240xf32, #tpu.memory_space<hbm>> -> memref<1x10240xf32, #tpu.memory_space<hbm>>
      %dma_start3A_61 = tpu.memref_squeeze %dma_start3A_60 : memref<1x10240xf32, #tpu.memory_space<hbm>> -> memref<10240xf32, #tpu.memory_space<hbm>>
      %dma_start3A_62 = arith.constant 0 : i32
      %dma_start3A_63 = tpu.memref_slice %arg7[%add3A, %dma_start3A_62] : memref<32x10240xf32, #tpu.memory_space<hbm>> -> memref<1x10240xf32, #tpu.memory_space<hbm>>
      %dma_start3A_64 = tpu.memref_squeeze %dma_start3A_63 : memref<1x10240xf32, #tpu.memory_space<hbm>> -> memref<10240xf32, #tpu.memory_space<hbm>>
      tpu.enqueue_dma source(%arg13 : memref<10240xf32, #tpu.memory_space<vmem>>) target(%dma_start3A_64 : memref<10240xf32, #tpu.memory_space<hbm>>) target_semaphore(%run_scoped3A : memref<!tpu.dma_semaphore, #tpu.memory_space<semaphore_mem>>)
      %dma_wait3A_65 = arith.constant 0 : i32
      %dma_wait3A_66 = tpu.memref_slice %arg7[%add3A, %dma_wait3A_65] : memref<32x10240xf32, #tpu.memory_space<hbm>> -> memref<1x10240xf32, #tpu.memory_space<hbm>>
      %dma_wait3A_67 = tpu.memref_squeeze %dma_wait3A_66 : memref<1x10240xf32, #tpu.memory_space<hbm>> -> memref<10240xf32, #tpu.memory_space<hbm>>
      %dma_wait3A_68 = arith.constant 0 : i32
      %dma_wait3A_69 = tpu.memref_slice %arg7[%add3A, %dma_wait3A_68] : memref<32x10240xf32, #tpu.memory_space<hbm>> -> memref<1x10240xf32, #tpu.memory_space<hbm>>
      %dma_wait3A_70 = tpu.memref_squeeze %dma_wait3A_69 : memref<1x10240xf32, #tpu.memory_space<hbm>> -> memref<10240xf32, #tpu.memory_space<hbm>>
      tpu.wait_dma2 semaphore(%run_scoped3A : memref<!tpu.dma_semaphore, #tpu.memory_space<semaphore_mem>>) src(%arg13 : memref<10240xf32, #tpu.memory_space<vmem>>) dst(%dma_wait3A_70 : memref<10240xf32, #tpu.memory_space<hbm>>)
      tpu.yield
    }) : () -> ()
    return
  }
}

</mosaic_0001>

<sc_bundles>
// kernel: kernel.4.cloned.1.call-start
scs
__scs_entry_jumppad:
0x0: {  	(pc) =	sbr.rel $0x88, $3  }
0x1: {  	(tag) =	ssettag $0x0;
	lr =	simm.s32 $0x1  }
0x2: {  	[smem:$0x3F9E] =	sst lr;
	_ =	strace $0xD0000000  }
0x3: {  	_ = 	snop  }
0x4: {  	_ = 	snop  }
0x5: {  	_ = 	snop  }
0x6: {  	_ = 	snop  }
0x7: {  	_ = 	snop  }
__scs_overlays_trampoline_lowered:
0x8: {  	[smem:$0x3FAD] =	sst s0  }
0x9: {  	[smem:$0x3FAE] =	sst s1  }
0xa: {  	[smem:$0x3FAF] =	sst s2  }
0xb: {  	[smem:$0x3FB0] =	sst s3  }
0xc: {  	[smem:$0x3FB1] =	sst s4  }
0xd: {  	[smem:$0x3FB2] =	sst s5  }
0xe: {  	[smem:$0x3FB3] =	sst s6  }
0xf: {  	[smem:$0x3FB4] =	sst s7  }
0x10: {  	[smem:$0x3FB5] =	sst s8  }
0x11: {  	[smem:$0x3FB6] =	sst s9;
	s0 =	simm.s32 @!p0 $0x0  }
0x12: {  	s1 =	sld [smem:$0x3F9C];
	s0 =	simm.s32 @p0 $0x1  }
0x13: {  	[smem:$0x3FB7] =	sst s0;
	s0 =	simm.s32 @!p1 $0x0  }
0x14: {  	s2 =	sld [smem:$0x3F9B];
	s0 =	simm.s32 @p1 $0x1  }
0x15: {  	[smem:$0x3FB8] =	sst s0;
	s0 =	simm.s32 @!p2 $0x0  }
0x16: {  	s3 =	sld [smem:$0x3FDB];
	s0 =	simm.s32 @p2 $0x1  }
0x17: {  	s4 =	simm.s32 $0x1BF5;
	[smem:$0x3FBA] =	sst s0  }
0x18: {  	s0 =	sld [smem:$0x3F9D];
	_ =	swait.ge [sflag:s4], $0x0  }
0x19: {  	s7 =	sld [smem:$0x3F9E]  }
0x1a: {  	s8 =	sadd.s32 $0xFFFFE003, lr  }
0x1b: {  	s9 =	sadd.s32 $0xFFFFFEF7, lr;
	s5 =	simm.s32 $0xFFFFFFFF;
	p2 =	slt.u32 s8, $0xFFFFF086  }
0x1c: {  	p1 =	slt.u32 s9, $0xF7A;
	s5 =	simm.s32 @!p2 $0x0  }
0x1d: {  	s5 =	simm.s32 @p1 $0x1;
	p0 =	seq.s32 s7, s2  }
0x1e: {  	s7 =	smul.u32 @!p0 $0xF7A, s2;
	p2 =	seq.s32 @!p0 s5, $0x0  }
0x1f: {  	s9 =	smul.u32 $0xF7A, s1;
	s8 =	simm.s32 @!p0 $0x1BF5;
	p2 =	por !p2, p0  }
0x20: {  	[sflag:s8] =	ssyncset.s32 @!p0 $0xFFFFF086;
	s6 =	sadd.s32 @!p0 s3, s7;
	s7 =	simm.s32 @!p0 $0x108  }
0x21: {  	s3 =	sadd.s32 s3, s9;
	s6 =	sadd.s32 @!p0 $0x88, s6;
	s7 =	simm.s32 @p2 $0x1082  }
0x22: {  	[simem:s7], [sflag:s8] =	dma.local @!p0 [hbm:s6], $0xF7A  }
0x23: {  	s9 =	sor.u32 $0xD0000000, s2;
	s6 =	simm.s32 $0x108;
	_ =	swait.ge @!p0 [sflag:s8], $0x0  }
0x24: {  	s3 =	sadd.s32 $0x88, s3;
	s6 =	simm.s32 @!p1 $0x1082;
	[sflag:s4] =	ssyncset.s32 $0xFFFFF086  }
0x25: {  	[simem:s6], [sflag:s4] =	dma.local [hbm:s3], $0xF7A  }
0x26: {  	[smem:$0x3F9E] =	sst s1;
	(tag) =	ssettag s2;
	_ =	strace s9  }
0x27: {  	s1 =	sld [smem:$0x3FAE]  }
0x28: {  	s2 =	sld [smem:$0x3FAF]  }
0x29: {  	s4 =	sld [smem:$0x3FB1]  }
0x2a: {  	p0 =	seq.s32 s5, $0x0;
	s5 =	sld [smem:$0x3FB2]  }
0x2b: {  	s6 =	sld [smem:$0x3FB3]  }
0x2c: {  	s7 =	sld [smem:$0x3FB4]  }
0x2d: {  	s3 =	simm.s32 $0x108;
	s8 =	sld [smem:$0x3FB5]  }
0x2e: {  	s3 =	simm.s32 @!p0 $0x1082;
	s9 =	sld [smem:$0x3FB6]  }
0x2f: {  	lr =	sadd.s32 s0, s3;
	s0 =	sld [smem:$0x3FAD]  }
0x30: {  	s3 =	sld [smem:$0x3FB0]  }
0x31: {  	[smem:$0x3FB9] =	sst s10  }
0x32: {  	s10 =	sld [smem:$0x3FB7];
	_ =	sdelay $0x3  }
0x33: {  	p0 =	seq.s32 s10, $0x1;
	s10 =	sld [smem:$0x3FB9];
	_ =	sdelay $0x3  }
0x34: {  	[smem:$0x3FB9] =	sst s10  }
0x35: {  	s10 =	sld [smem:$0x3FB8];
	_ =	sdelay $0x3  }
0x36: {  	p1 =	seq.s32 s10, $0x1;
	s10 =	sld [smem:$0x3FB9];
	_ =	sdelay $0x3  }
0x37: {  	[smem:$0x3FB9] =	sst s10  }
0x38: {  	s10 =	sld [smem:$0x3FBA]  }
0x39: {  	_ = 	snop;
	(pc) =	sbr.ind lr, $3  }
0x3a: {  	_ = 	snop  }
0x3b: {  	_ = 	snop  }
0x3c: {  	p2 =	seq.s32 s10, $0x1;
	s10 =	sld [smem:$0x3FB9]  }
0x3d: {  	_ =	shalt  }
0x3e: {  	_ =	shalt  }
0x3f: {  	_ =	shalt  }
0x40: {  	_ =	shalt  }
0x41: {  	_ =	shalt  }
0x42: {  	_ =	shalt  }
0x43: {  	_ =	shalt  }
0x44: {  	_ =	shalt  }
0x45: {  	_ =	shalt  }
0x46: {  	_ =	shalt  }
0x47: {  	_ =	shalt  }
0x48: {  	_ =	shalt  }
0x49: {  	_ =	shalt  }
0x4a: {  	_ =	shalt  }
0x4b: {  	_ =	shalt  }
0x4c: {  	_ =	shalt  }
0x4d: {  	_ =	shalt  }
0x4e: {  	_ =	shalt  }
0x4f: {  	_ =	shalt  }
0x50: {  	_ =	shalt  }
0x51: {  	_ =	shalt  }
0x52: {  	_ =	shalt  }
0x53: {  	_ =	shalt  }
0x54: {  	_ =	shalt  }
0x55: {  	_ =	shalt  }
0x56: {  	_ =	shalt  }
0x57: {  	_ =	shalt  }
0x58: {  	_ =	shalt  }
0x59: {  	_ =	shalt  }
0x5a: {  	_ =	shalt  }
0x5b: {  	_ =	shalt  }
0x5c: {  	_ =	shalt  }
0x5d: {  	_ =	shalt  }
0x5e: {  	_ =	shalt  }
0x5f: {  	_ =	shalt  }
0x60: {  	_ =	shalt  }
0x61: {  	_ =	shalt  }
0x62: {  	_ =	shalt  }
0x63: {  	_ =	shalt  }
0x64: {  	_ =	shalt  }
0x65: {  	_ =	shalt  }
0x66: {  	_ =	shalt  }
0x67: {  	_ =	shalt  }
0x68: {  	_ =	shalt  }
0x69: {  	_ =	shalt  }
0x6a: {  	_ =	shalt  }
0x6b: {  	_ =	shalt  }
0x6c: {  	_ =	shalt  }
0x6d: {  	_ =	shalt  }
0x6e: {  	_ =	shalt  }
0x6f: {  	_ =	shalt  }
0x70: {  	_ =	shalt  }
0x71: {  	_ =	shalt  }
0x72: {  	_ =	shalt  }
0x73: {  	_ =	shalt  }
0x74: {  	_ =	shalt  }
0x75: {  	_ =	shalt  }
0x76: {  	_ =	shalt  }
0x77: {  	_ =	shalt  }
0x78: {  	_ =	shalt  }
0x79: {  	_ =	shalt  }
0x7a: {  	_ =	shalt  }
0x7b: {  	_ =	shalt  }
0x7c: {  	_ =	shalt  }
0x7d: {  	_ =	shalt  }
0x7e: {  	_ =	shalt  }
0x7f: {  	_ =	shalt  }
0x80: {  	_ =	shalt  }
0x81: {  	_ =	shalt  }
0x82: {  	_ =	shalt  }
0x83: {  	_ =	shalt  }
0x84: {  	_ =	shalt  }
0x85: {  	_ =	shalt  }
0x86: {  	_ =	shalt  }
0x87: {  	_ =	shalt  }
.Lfunc_end0:
.L_simem_size_0:
called_computation_lowered:
.L_overlay_start_0:
0x88: {  	s2 =	sld [smem:$0x3FD9]  }
0x89: {  	s3 =	sld [smem:$0x3FFE];
	_ =	sdelay $0x1  }
0x8a: {  	s1 =	srdreg.scid  }
0x8b: {  	s0 =	sand.u32 $0x1, s1  }
0x8c: {  	s17 =	sshll.u32 s0, $0xA;
	s2 =	sadd.s32 s3, s2  }
0x8d: {  	s2 =	sadd.s32 s2, s17  }
0x8e: {  	[smem:$0x3FC5] =	sst s2  }
0x8f: {  	_ = 	snop  }
0x90: {  	s2 =	sld [smem:$0x3FC9]  }
0x91: {  	s18 =	sld [smem:$0x3FC8]  }
0x92: {  	s4 =	sld [smem:$0x3FC7];
	(tm) =	ssettm $0x1  }
0x93: {  	s5 =	sld [smem:$0x3FFB];
	_ =	sdelay $0x3  }
0x94: {  	_ =	strace s5  }
0x95: {  	s5 =	sld [smem:$0x3FFC];
	_ =	sdelay $0x3  }
0x96: {  	_ =	strace s5  }
0x97: {  	s5 =	sld [smem:$0x3FFD];
	_ =	sdelay $0x3  }
0x98: {  	_ =	strace s5  }
0x99: {  	_ =	strace $0x8FFFFFFF  }
0x9a: {  	s19 =	sld [smem:$0x3FDB];
	_ =	sdelay $0x1  }
0x9b: {  	s6 =	simm.s32 $_scs_section_size  }
0x9c: {  	s7 =	simm.s32 $_size__tile_overlayer_lowered;
	s8 =	simm.s32 $_tile_overlayer_lowered  }
0x9d: {  	s22 =	simm.s32 $0x1BFF;
	s21 =	sshll.u32 s8, $0x1;
	s5 =	sadd.s32 s6, s19  }
0x9e: {  	s9 =	simm.s32 $0x0;
	s20 =	sshll.u32 s7, $0x1;
	s7 =	sadd.s32 s21, s5  }
0x9f: {  	[timem:s9], [sflag:s22] =	dma.local [hbm:s7], s20  }
0xa0: {  	_ =	swait.ge [sflag:s22], s20  }
0xa1: {  	s6 =	ssub.s32 $0x0, s20;
	[sflag:s22] =	ssyncset.done $0x0  }
0xa2: {  	[sflag:s22] =	ssyncadd.s32 s6;
	_ =	sdelay $0x1  }
0xa3: {  	s23 =	simm.s32 $0x1B8B  }
0xa4: {  	_ =	swait.ge [sflag:s23], $0x1  }
0xa5: {  	[sflag:s23] =	ssyncset.done $0x0  }
0xa6: {  	s25 =	simm.s32 $0x1B8E;
	s24 =	sld [smem:$0x3FFE];
	[sflag:s23] =	ssyncadd.s32 $0xFFFFFFFF  }
0xa7: {  	s26 =	simm.s32 $execute0_lowered;
	[smem:$0x3FD2] =	sst s25  }
0xa8: {  	s7 =	sshll.u32 s26, $0x1;
	_ =	strace $0x80000046;
	[dreg:$0x1] =	wrdreg $0xFFFFFFFF  }
0xa9: {  	s28 =	simm.s32 $_size_execute0_lowered;
	s5 =	sadd.s32 s5, s7;
	[dreg:$0x0] =	wrdreg $0x0  }
0xaa: {  	s7 =	sshll.u32 s28, $0x1;
	[dreg:$0x2] =	wrdreg s5  }
0xab: {  	[dreg:$0x3] =	wrdreg s7  }
0xac: {  	[dreg:$0x4] =	wrdreg $0xC0  }
0xad: {  	_ =	task [dreg:s9], $0x5FFFF  }
0xae: {  	[dreg:$0x1] =	wrdreg $0xFFFFFFFF  }
0xaf: {  	[dreg:$0x0] =	wrdreg $0x60  }
0xb0: {  	[dreg:$0x2] =	wrdreg s2  }
0xb1: {  	[dreg:$0x3] =	wrdreg s18  }
0xb2: {  	[dreg:$0x4] =	wrdreg s4  }
0xb3: {  	[dreg:$0x5] =	wrdreg s24  }
0xb4: {  	[dreg:$0x6] =	wrdreg $0x9  }
0xb5: {  	_ =	task.clear_ibuf [dreg:s9], $0x7FFFF;
	_ =	strace $0x90000046  }
0xb6: {  	s29 =	simm.s32 $0x9;
	_ =	strace $0x80000048  }
0xb7: {  	_ =	swait.ge [sflag:s29], $0x1  }
0xb8: {  	[sflag:s29] =	ssyncadd.s32 $0xFFFFFFFF  }
0xb9: {  	_ =	strace $0x90000048  }
0xba: {  	_ =	sfence  }
0xbb: {  	s30 =	sld [smem:$0x0];
	_ =	sdelay $0x2  }
0xbc: {  	s31 =	sshll.u32 s1, $0xD;
	s1 =	sshrl.u32 s1, $0x2  }
0xbd: {  	s3 =	sand.u32 $0x4000, s31;
	s1 =	sadd.s32 s1, s30  }
0xbe: {  	s0 =	sor.u32 s3, s0;
	s1 =	sshll.u32 s1, $0x11  }
0xbf: {  	s0 =	sor.u32 s1, s0  }
0xc0: {  	s0 =	sadd.s32 $0x8F2B, s0  }
0xc1: {  	[sflag:s0] =	ssyncadd.remote.s32 $0x1  }
0xc2: {  	_ =	sfence.sel $0xFFFF  }
0xc3: {  	[dreg:$0x0] =	wrdreg $0xFFFFFFFF;
	(pc) =	sbr.abs _section_cstart, $3  }
0xc4: {  	[dreg:$0x1] =	wrdreg $0xFFFFFFFF  }
0xc5: {  	_ =	task.clear_ibuf [dreg:s9], $0x2FFFF;
	_ =	strace $0x9FFFFFFF  }
0xc6: {  	(tm) =	ssettm $0x7FFFFFFF  }
0xc7: {  	_ =	shalt  }
tec
execute0_lowered:
.L_overlay_start_1:
0x0: {  	(tag) =	ssettag $0x1  }
0x1: {  	s1 =	rddreg [dreg:$0x0]  }
0x2: {  	s2 =	rddreg [dreg:$0x1]  }
0x3: {  	s4 =	rddreg [dreg:$0x2];
	s3 =	srdreg.scid  }
0x4: {  	s0 =	stileid.u32;
	s8 =	rddreg [dreg:$0x3]  }
0x5: {  	s13 =	simm.s32 $0x19700;
	s14 =	simm.s32 $0x19000;
	s15 =	simm.s32 $0x3  }
0x6: {  	s16 =	simm.s32 $0x1;
	s17 =	simm.s32 $0x2;
	s18 =	simm.s32 $0x19780  }
0x7: {  	s19 =	simm.s32 $0x1BF80;
	s20 =	simm.s32 $0x80;
	s21 =	simm.s32 $0x400  }
0x8: {  	s22 =	simm.s32 $0x4;
	s3 =	sand.u32 $0x1, s3;
	s5 =	sshll.u32 s0, $0x1  }
0x9: {  	s23 =	simm.s32 $0x0;
	s6 =	sshrl.u32 s0, $0x2;
	s7 =	sor.u32 s3, s5  }
0xa: {  	s5 =	simm.s32 $0x0;
	s6 =	smul.u32 $0x14000, s6;
	s3 =	ssub.s32 $0x2, s3  }
0xb: {  	v0 =	vimm.f32 $0.0e+00;
	s9 =	sshll.u32 s7, $0x7;
	[smem:$0x7FF] =	sst s5;
	s10 =	smul.u32 $0x27100, s7  }
0xc: {  	vm0 =	vmmov $0x1;
	vm1 =	vmmov $0x3;
	vm2 =	vmmov $0x7;
	s30 =	sshrl.u32 s3, $0x1;
	s9 =	sand.u32 $0x380, s9;
	_ =	strace $0x80000047  }
0xd: {  	vm3 =	vmmov $0xf;
	vm4 =	vmmov $0x1f;
	vm5 =	vmmov $0x3f;
	s3 =	ssub.s32 s3, s30;
	s9 =	sor.u32 s6, s9;
	s6 =	smul.u32 $0x2710, s7  }
0xe: {  	vm6 =	vmmov $0x7f;
	vm7 =	vmmov $0xff;
	vm8 =	vmmov $0x1ff;
	s7 =	sadd.s32 $0xC00, s8;
	s12 =	smax.u32 s3, $0x1;
	s9 =	sshrl.u32 s9, $0x3  }
0xf: {  	vm9 =	vmmov $0x3ff;
	vm10 =	vmmov $0x7ff;
	vm11 =	vmmov $0xfff;
	s11 =	sadd.s32 s9, s8;
	s8 =	sadd.s32 s2, s10;
	s31 =	sshrl.u32 s6, $0x3  }
0x10: {  	vm12 =	vmmov $0x1fff;
	vm13 =	vmmov $0x3fff;
	vm14 =	vmmov $0x7fff;
	s9 =	sadd.s32 s1, s31;
	s10 =	sadd.s32 $0xAA00, s11;
	s11 =	sadd.s32 $0x14A00, s11  }
.LBB2_1:
0x11: {  	[tilespmem:s13], [sflag:$0x3] =	stream.linear.gather [hbm4b:s4+s5], $0x80, $0x38;
	[tilespmem:$0x1E780] =	vst v63  }
0x12: {  	_ = 	snop  }
0x13: {  	[tilespmem:s5], [sflag:$0x1] =	stream.linear.gather [hbm4b:s8+s5], $0xC800, $0x38;
	[tilespmem:$0x1E780] =	vst v63  }
0x14: {  	s24 =	simm.s32 $0x197A0  }
0x15: {  	[tilespmem:s14], [sflag:$0x2] =	stream.linear.gather [hbm4b:s9+s5], $0x190, $0x38;
	[tilespmem:$0x1E780] =	vst v63  }
0x16: {  	s3 =	simm.s32 $0x1BFA0;
	[tilespmem:s24+$0xFFFFFFE0] =	vst v0  }
0x17: {  	[tilespmem:s3+$0xFFFFFFE0] =	vst v0  }
0x18: {  	[tilespmem:s24+$0xFFFFFFF0] =	vst v0  }
0x19: {  	[tilespmem:s3+$0xFFFFFFF0] =	vst v0  }
0x1a: {  	[tilespmem:s24+$0x0] =	vst v0  }
0x1b: {  	[tilespmem:s3+$0x0] =	vst v0  }
0x1c: {  	[tilespmem:s24+$0x10] =	vst v0  }
0x1d: {  	s25 =	simm.s32 $0x197E0;
	s24 =	simm.s32 $0x0;
	[tilespmem:s3+$0x10] =	vst v0  }
.LBB2_2:
0x1e: {  	[tilespmem:s25+$0xFFFFFFE0] =	vst v0;
	s3 =	sadd.s32 $0x40, s3  }
0x1f: {  	s24 =	sadd.s32 $0x4, s24;
	[tilespmem:s3+$0xFFFFFFE0] =	vst v0  }
0x20: {  	p0 =	slt.u32 s24, $0x27C;
	[tilespmem:s25+$0xFFFFFFF0] =	vst v0  }
.Ltmp0:
0x21: {  	[tilespmem:s3+$0xFFFFFFF0] =	vst v0;
	(pc) =	sbr.rel @p0 .LBB2_2-.Ltmp0, $4  }
0x22: {  	[tilespmem:s25+$0x0] =	vst v0  }
0x23: {  	[tilespmem:s3+$0x0] =	vst v0  }
0x24: {  	[tilespmem:s25+$0x10] =	vst v0  }
0x25: {  	s25 =	sadd.s32 $0x40, s25;
	[tilespmem:s3+$0x10] =	vst v0  }
0x26: {  	_ =	swait.ge [sflag:s15], $0x80  }
0x27: {  	[sflag:s15] =	ssyncset.done $0x0  }
0x28: {  	[sflag:s15] =	ssyncadd.s32 $0xFFFFFF80  }
0x29: {  	v2 =	vld [tilespmem:$0x19700]  }
0x2a: {  	v3 =	vld [tilespmem:$0x19710]  }
0x2b: {  	v4 =	vld [tilespmem:$0x19720]  }
0x2c: {  	v5 =	vld [tilespmem:$0x19730]  }
0x2d: {  	v6 =	vld [tilespmem:$0x19740]  }
0x2e: {  	v7 =	vld [tilespmem:$0x19750]  }
0x2f: {  	v8 =	vld [tilespmem:$0x19760]  }
0x30: {  	s25 =	simm.s32 $0x0;
	p0 =	por $0x0, $0x0;
	v9 =	vld [tilespmem:$0x19770]  }
.LBB2_4:
0x31: {  	_ =	swait.ge [sflag:s16], $0xC800;
	s24 =	sadd.s32 $0x1, s25;
	p1 =	seq.s32 s25, $0x18  }
0x32: {  	[sflag:s16] =	ssyncset.done $0x0;
	s3 =	sand.u32 @!p1 $0x1, s24;
	s26 =	smul.u32 @!p1 $0x190, s24  }
0x33: {  	[sflag:s16] =	ssyncadd.s32 $0xFFFF3800;
	s28 =	smul.u32 @!p1 $0x32000, s3  }
0x34: {  	s3 =	smul.u32 @!p1 $0x640, s3;
	_ =	swait.ge [sflag:s17], $0x190  }
0x35: {  	s30 =	simm.s32 @!p1 $0x0;
	s26 =	sadd.s32 @!p1 s6, s26;
	[sflag:s17] =	ssyncset.done $0x0  }
0x36: {  	s28 =	sshrl.u32 @!p1 s28, $0x2;
	s29 =	sshll.u32 @!p1 s26, $0x4;
	s3 =	sshrl.u32 @!p1 s3, $0x2  }
0x37: {  	s26 =	sshrl.u32 @!p1 s26, $0x3;
	[sflag:s17] =	ssyncadd.s32 $0xFFFFFE70;
	s29 =	sadd.s32 @!p1 s2, s29  }
0x38: {  	[tilespmem:s28], [sflag:$0x1] =	stream.linear.gather @!p1 [hbm4b:s29+s30], $0xC800, $0x38;
	[tilespmem:$0x1E780] =	vst v63  }
0x39: {  	s3 =	sor.u32 @!p1 $0x19000, s3;
	s26 =	sadd.s32 @!p1 s1, s26  }
0x3a: {  	[tilespmem:s3], [sflag:$0x2] =	stream.linear.gather @!p1 [hbm4b:s26+s30], $0x190, $0x38;
	[tilespmem:$0x1E780] =	vst v63  }
0x3b: {  	s3 =	simm.s32 $0x1  }
0x3c: {  	p2 =	seq.s32 @!p1 s25, $0x0;
	s3 =	simm.s32 @!p0 $0x0  }
0x3d: {  	p1 =	por p1, !p2;
	s0 =	smul.u32 $0x32000, s3  }
0x3e: {  	_ =	swait.ge @p1 [sflag:s15], $0x190  }
0x3f: {  	[sflag:s15] =	ssyncset.done @p1 $0x0;
	s26 =	sshrl.u32 s0, $0x2  }
0x40: {  	[sflag:s15] =	ssyncadd.s32 @p1 $0xFFFFFE70;
	s26 =	sor.u32 $0x400, s26  }
0x41: {  	v12 =	vld [tilespmem:s26+$0x370]  }
0x42: {  	v13 =	vld [tilespmem:s26+$0x360]  }
0x43: {  	v63 =	vld [tilespmem:s26+$0x3C0]  }
0x44: {  	v14 =	vld [tilespmem:s26+$0x270]  }
0x45: {  	v15 =	vld [tilespmem:s26+$0x350]  }
0x46: {  	v34 =	vld [tilespmem:s26+$0x3B0]  }
0x47: {  	v35 =	vld [tilespmem:s26+$0x1F0]  }
0x48: {  	v17 =	vld [tilespmem:s26+$0x260]  }
0x49: {  	v28 =	vld [tilespmem:s26+$0x340]  }
0x4a: {  	v36 =	vld [tilespmem:s26+$0x3A0]  }
0x4b: {  	v37 =	vld [tilespmem:s26+$0x1E0]  }
0x4c: {  	v31 =	vld [tilespmem:s26+$0x250]  }
0x4d: {  	v38 =	vld [tilespmem:s26+$0x2C0]  }
0x4e: {  	v32 =	vld [tilespmem:s26+$0x330]  }
0x4f: {  	v39 =	vld [tilespmem:s26+$0x380]  }
0x50: {  	v40 =	vld [tilespmem:s26+$0x390]  }
0x51: {  	v21 =	vld [tilespmem:s26+$0xF0]  }
0x52: {  	v41 =	vld [tilespmem:s26+$0x1D0]  }
0x53: {  	v42 =	vld [tilespmem:s26+$0x240]  }
0x54: {  	v16 =	vld [tilespmem:s26+$0x2B0]  }
0x55: {  	v24 =	vld [tilespmem:s26+$0x320]  }
0x56: {  	v18 =	vld [tilespmem:s26+$0x70]  }
0x57: {  	v33 =	vld [tilespmem:s26+$0xE0]  }
0x58: {  	v43 =	vld [tilespmem:s26+$0x1C0]  }
0x59: {  	v44 =	vld [tilespmem:s26+$0x230]  }
0x5a: {  	v19 =	vld [tilespmem:s26+$0x2A0]  }
0x5b: {  	v25 =	vld [tilespmem:s26+$0x300]  }
0x5c: {  	v26 =	vld [tilespmem:s26+$0x310]  }
0x5d: {  	v30 =	vld [tilespmem:s26+$0x60]  }
0x5e: {  	v45 =	vld [tilespmem:s26+$0xD0]  }
0x5f: {  	v29 =	vld [tilespmem:s26+$0x140]  }
0x60: {  	v46 =	vld [tilespmem:s26+$0x1B0]  }
0x61: {  	v47 =	vld [tilespmem:s26+$0x220]  }
0x62: {  	v48 =	vld [tilespmem:s26+$0x280]  }
0x63: {  	v49 =	vld [tilespmem:s26+$0x290]  }
0x64: {  	v20 =	vld [tilespmem:s26+$0xFFFFFF70]  }
0x65: {  	v50 =	vld [tilespmem:s26+$0x50]  }
0x66: {  	v51 =	vld [tilespmem:s26+$0xC0]  }
0x67: {  	v11 =	vld [tilespmem:s26+$0x130]  }
0x68: {  	v52 =	vld [tilespmem:s26+$0x1A0]  }
0x69: {  	v53 =	vld [tilespmem:s26+$0x200]  }
0x6a: {  	v54 =	vld [tilespmem:s26+$0x210]  }
0x6b: {  	v27 =	vld [tilespmem:s26+$0xFFFFFEF0]  }
0x6c: {  	v23 =	vld [tilespmem:s26+$0xFFFFFF60]  }
0x6d: {  	v55 =	vld [tilespmem:s26+$0x40]  }
0x6e: {  	v56 =	vld [tilespmem:s26+$0xB0]  }
0x6f: {  	v57 =	vld [tilespmem:s26+$0x180]  }
0x70: {  	v59 =	vld [tilespmem:s26+$0x190]  }
0x71: {  	v22 =	vld [tilespmem:s26+$0x120];
	v58 =	vmul.f32 v25, v2  }
0x72: {  	v61 =	vld [tilespmem:s26+$0xA0];
	v26 =	vmul.f32 v26, v3;
	v60 =	vmul.f32 v24, v4  }
0x73: {  	v62 =	vld [tilespmem:s26+$0x110];
	v32 =	vmul.f32 v32, v5;
	v28 =	vmul.f32 v28, v6  }
0x74: {  	v25 =	vld [tilespmem:s26+$0xFFFFFEE0];
	v53 =	vmul.f32 v53, v2;
	v54 =	vmul.f32 v54, v3  }
0x75: {  	v24 =	vld [tilespmem:s26+$0xFFFFFFC0];
	v57 =	vmul.f32 v57, v2;
	v59 =	vmul.f32 v59, v3  }
0x76: {  	v39 =	vmul.f32 v39, v2;
	v40 =	vmul.f32 v40, v3;
	v58 =	vadd.f32 v26, v58;
	v26 =	vld [tilespmem:s26+$0xFFFFFF50]  }
0x77: {  	v15 =	vmul.f32 v15, v7;
	v53 =	vadd.f32 v54, v53;
	v54 =	vadd.f32 v59, v57;
	v57 =	vld [tilespmem:s26+$0x80]  }
0x78: {  	v47 =	vmul.f32 v47, v4;
	v52 =	vmul.f32 v52, v4;
	v0 =	vadd.f32 v40, v39;
	v40 =	vld [tilespmem:s26+$0xFFFFFFB0]  }
0x79: {  	v44 =	vmul.f32 v44, v5;
	v13 =	vmul.f32 v13, v8;
	v58 =	vadd.f32 v60, v58;
	v60 =	vld [tilespmem:s26+$0x30]  }
0x7a: {  	v46 =	vmul.f32 v46, v5;
	v42 =	vmul.f32 v42, v6;
	v47 =	vadd.f32 v47, v53;
	v53 =	vld [tilespmem:s26+$0x90]  }
0x7b: {  	v12 =	vmul.f32 v12, v9;
	v43 =	vmul.f32 v43, v6;
	v52 =	vadd.f32 v52, v54;
	v54 =	vld [tilespmem:s26+$0xFFFFFF40]  }
0x7c: {  	v41 =	vmul.f32 v41, v7;
	v17 =	vmul.f32 v17, v8;
	v32 =	vadd.f32 v32, v58;
	v58 =	vld [tilespmem:s26+$0x100]  }
0x7d: {  	v61 =	vmul.f32 v61, v4;
	v39 =	vadd.f32 v44, v47;
	v44 =	vadd.f32 v46, v52;
	v46 =	vld [tilespmem:s26+$0x20]  }
0x7e: {  	v14 =	vmul.f32 v14, v9;
	[tilespmem:$0x1FFB0] =	vst v0;
	v0 =	vmul.f32 v34, v5;
	v52 =	vld [tilespmem:s26+$0xFFFFFDE0]  }
0x7f: {  	v37 =	vmul.f32 v37, v8;
	v35 =	vmul.f32 v35, v9;
	v28 =	vadd.f32 v28, v32;
	v32 =	vld [tilespmem:s26+$0xFFFFFDF0]  }
0x80: {  	v16 =	vmul.f32 v16, v5;
	[tilespmem:$0x1FFC0] =	vst v0;
	v0 =	vmul.f32 v36, v4;
	v39 =	vadd.f32 v42, v39;
	v42 =	vld [tilespmem:s26+$0xFFFFFD70]  }
0x81: {  	v33 =	vmul.f32 v33, v8;
	v43 =	vadd.f32 v43, v44;
	v44 =	vld [tilespmem:s26+$0x0];
	v15 =	vadd.f32 v15, v28  }
0x82: {  	v47 =	vmul.f32 v31, v7;
	[tilespmem:$0x1FFD0] =	vst v0;
	v0 =	vmul.f32 v38, v6;
	v38 =	vld [tilespmem:s26+$0xFFFFFE80]  }
0x83: {  	v55 =	vmul.f32 v55, v6;
	v30 =	vmul.f32 v30, v8;
	v28 =	vld [tilespmem:s26+$0xFFFFFED0];
	v15 =	vadd.f32 v13, v15  }
0x84: {  	v22 =	vmul.f32 v22, v4;
	v39 =	vadd.f32 v47, v39;
	v41 =	vadd.f32 v41, v43;
	v43 =	vld [tilespmem:s26+$0xFFFFFEC0]  }
0x85: {  	v59 =	vmul.f32 v57, v2;
	v47 =	vld [tilespmem:s26+$0xFFFFFFA0];
	v31 =	vadd.f32 v12, v15;
	v15 =	vmul.f32 v53, v3  }
0x86: {  	v57 =	vmul.f32 v48, v2;
	v39 =	vadd.f32 v17, v39;
	v13 =	vmul.f32 v56, v5;
	v53 =	vld [tilespmem:s26+$0xFFFFFF30]  }
0x87: {  	v37 =	vadd.f32 v37, v41;
	v56 =	vmul.f32 v51, v6;
	v12 =	vadd.f32 v15, v59;
	v15 =	vld [tilespmem:s26+$0x10]  }
0x88: {  	v44 =	vmul.f32 v44, v2;
	v41 =	vadd.f32 v14, v39;
	v39 =	vld [tilespmem:s26+$0xFFFFFC70];
	v59 =	vmul.f32 v49, v3  }
0x89: {  	v51 =	vadd.f32 v35, v37;
	v35 =	vld [tilespmem:s26+$0xFFFFFDD0];
	v14 =	vmul.f32 v21, v9;
	v12 =	vadd.f32 v61, v12  }
0x8a: {  	v37 =	vld [tilespmem:s26+$0xFFFFFEB0];
	v17 =	vadd.f32 v59, v57;
	v59 =	vmul.f32 v46, v4;
	v61 =	vmul.f32 v45, v7  }
0x8b: {  	v49 =	vld [tilespmem:s26+$0xFFFFFD60];
	v46 =	vmul.f32 v20, v9;
	v20 =	vmul.f32 v11, v5;
	v48 =	vadd.f32 v13, v12  }
0x8c: {  	v45 =	vld [tilespmem:s26+$0xFFFFFF00];
	v12 =	vmul.f32 v58, v2;
	v15 =	vmul.f32 v15, v3  }
0x8d: {  	v13 =	vmul.f32 v62, v3;
	v62 =	vld [tilespmem:s26+$0xFFFFFE90];
	v58 =	vmul.f32 v27, v9;
	v34 =	vadd.f32 v56, v48  }
0x8e: {  	v48 =	vmul.f32 v18, v9;
	v18 =	vmul.f32 v19, v4;
	v57 =	vadd.f32 v15, v44;
	v44 =	vld [tilespmem:s26+$0xFFFFFF10]  }
0x8f: {  	v21 =	vadd.f32 v13, v12;
	v12 =	vld [tilespmem:s26+$0xFFFFFF20];
	v19 =	vmul.f32 v29, v6;
	v29 =	vmul.f32 v50, v7  }
0x90: {  	v13 =	vld [tilespmem:s26+$0xFFFFFEA0];
	v34 =	vadd.f32 v61, v34;
	v61 =	vmul.f32 v60, v5;
	v36 =	vadd.f32 v59, v57  }
0x91: {  	v50 =	vmul.f32 v25, v8;
	v56 =	vld [tilespmem:s26+$0xFFFFFE00];
	v60 =	vmul.f32 v45, v2  }
0x92: {  	v45 =	vld [tilespmem:s26+$0xFFFFFC60];
	v62 =	vmul.f32 v62, v3;
	v33 =	vadd.f32 v33, v34;
	v36 =	vadd.f32 v61, v36  }
0x93: {  	v59 =	vld [tilespmem:s26+$0xFFFFFD50];
	v61 =	vmul.f32 v38, v2;
	v44 =	vmul.f32 v44, v3  }
0x94: {  	v34 =	vld [tilespmem:s26+$0xFFFFFF80];
	v12 =	vmul.f32 v12, v4;
	v36 =	vadd.f32 v55, v36;
	v55 =	vadd.f32 v14, v33  }
0x95: {  	v14 =	vld [tilespmem:s26+$0xFFFFFF90];
	v27 =	vadd.f32 v44, v60;
	v44 =	vmul.f32 v23, v8;
	v23 =	vmul.f32 v13, v4  }
0x96: {  	v57 =	vld [tilespmem:s26+$0xFFFFFC50];
	v11 =	vadd.f32 v62, v61;
	v13 =	vmul.f32 v26, v7;
	v26 =	vmul.f32 v32, v9  }
0x97: {  	v38 =	vld [tilespmem:s26+$0xFFFFFDC0];
	v29 =	vadd.f32 v29, v36;
	v25 =	vadd.f32 v12, v27;
	v27 =	vmul.f32 v53, v5  }
0x98: {  	v32 =	vld [tilespmem:s26+$0xFFFFFD80];
	v11 =	vadd.f32 v23, v11;
	v23 =	vmul.f32 v24, v6;
	v24 =	vmul.f32 v37, v5  }
0x99: {  	v60 =	vld [tilespmem:s26+$0xFFFFFD40];
	v29 =	vadd.f32 v30, v29;
	v25 =	vadd.f32 v27, v25;
	v27 =	vmul.f32 v34, v2  }
0x9a: {  	v62 =	vld [tilespmem:s26+$0xFFFFFDB0];
	v11 =	vadd.f32 v24, v11;
	v30 =	vmul.f32 v14, v3;
	v24 =	vmul.f32 v40, v5  }
0x9b: {  	v37 =	vld [tilespmem:s26+$0xFFFFFD90];
	v34 =	vmul.f32 v49, v8;
	v33 =	vadd.f32 v48, v29;
	v29 =	vmul.f32 v54, v6  }
0x9c: {  	v36 =	vld [tilespmem:s26+$0xFFFFFD30];
	v48 =	vmul.f32 v28, v7;
	v28 =	vmul.f32 v43, v6  }
0x9d: {  	s3 =	smul.u32 $0x640, s3;
	(xrf2) =	vadd.scan.msk.f32 $0xffff, v31;
	v53 =	vld [tilespmem:s26+$0xFFFFFDA0];
	v49 =	vmul.f32 v32, v2;
	v32 =	vmul.f32 v45, v8  }
0x9e: {  	(xrf2) =	vadd.scan.msk.f32 $0xffff, v41;
	v45 =	vld [tilespmem:s26+$0xFFFFFC00];
	v43 =	vmul.f32 v38, v6;
	v41 =	vmul.f32 v60, v6;
	v14 =	vadd.f32 v29, v25  }
0x9f: {  	s3 =	sshrl.u32 s3, $0x2;
	v25 =	vmul.f32 v42, v9;
	v29 =	vadd.f32 v30, v27;
	v30 =	vmul.f32 v52, v8;
	v42 =	vld [tilespmem:s26+$0xFFFFFE10]  }
0xa0: {  	s29 =	sadd.s32 $0x19380, s3;
	v11 =	vadd.f32 v28, v11;
	v61 =	vmul.f32 v37, v3;
	v12 =	vadd.f32 v13, v14;
	v13 =	vld [tilespmem:s26+$0xFFFFFD00]  }
0xa1: {  	[tilespmem:$0x1FFE0] =	vst v0;
	v0 =	vmov s29;
	v27 =	vmul.f32 v47, v4;
	v28 =	vmul.f32 v39, v9;
	v14 =	vld [tilespmem:s26+$0xFFFFFD10]  }
0xa2: {  	s28 =	sand.u32 $0x1, s25;
	v31 =	vmul.f32 v53, v4;
	v11 =	vadd.f32 v48, v11;
	v47 =	vadd.f32 v61, v49;
	v48 =	vld [tilespmem:s26+$0xFFFFFC10]  }
0xa3: {  	s28 =	smul.u32 $0x640, s28;
	v39 =	vmul.f32 v35, v7;
	v37 =	vmul.f32 v59, v7;
	v40 =	vadd.f32 v44, v12;
	v44 =	vld [tilespmem:s26+$0xFFFFFD20]  }
0xa4: {  	(xrf2) =	vadd.scan.msk.f32 $0xffff, v51;
	v35 =	vmul.f32 v57, v7;
	v11 =	vadd.f32 v50, v11;
	v51 =	vadd.f32 v31, v47;
	v47 =	vld [tilespmem:s26+$0xFFFFFC80]  }
0xa5: {  	s31 =	simm.s32 $0x0;
	s0 =	sshrl.u32 s28, $0x2;
	[tilespmem:$0x1FFF0] =	vst v0;
	v52 =	vmul.f32 v56, v2;
	v49 =	vmul.f32 v62, v5;
	v50 =	vld [tilespmem:s26+$0xFFFFFC90];
	v40 =	vadd.f32 v46, v40  }
0xa6: {  	s30 =	sor.u32 $0x19000, s3;
	s28 =	sadd.s32 $0x19380, s0;
	s3 =	simm.s32 $0x40;
	(xrf2) =	vadd.scan.msk.f32 $0xffff, v55;
	v46 =	vld [tilespmem:s26+$0xFFFFFC20];
	v38 =	vadd.f32 v58, v11;
	v53 =	vmul.f32 v13, v2;
	v54 =	vmul.f32 v14, v3  }
.LBB2_5:
0xa7: {  	_ = 	snop  }
0xa8: {  	v27 =	vadd.f32 v27, v29;
	v49 =	vadd.f32 v49, v51  }
0xa9: {  	v13 =	vld [tilespmem:s26+$0xFFFFFCA0];
	v17 =	vadd.f32 v18, v17;
	v53 =	vadd.f32 v54, v53;
	v44 =	vmul.f32 v44, v4  }
0xaa: {  	v55 =	vld [tilespmem:s26+$0xFFFFFC30];
	v43 =	vadd.f32 v43, v49;
	v42 =	vmul.f32 v42, v3;
	v45 =	vmul.f32 v45, v2  }
0xab: {  	v56 =	vld [tilespmem:s26+$0xFFFFFCB0];
	v24 =	vadd.f32 v24, v27;
	v48 =	vmul.f32 v48, v3;
	v36 =	vmul.f32 v36, v5  }
0xac: {  	v14 =	vld [tilespmem:s26+$0xFFFFFC40];
	v47 =	vmul.f32 v47, v2;
	v57 =	vmul.f32 v50, v3;
	v39 =	vadd.f32 v39, v43  }
0xad: {  	v58 =	vld [tilespmem:s26+$0xFFFFFE20];
	v46 =	vmul.f32 v46, v4;
	v44 =	vadd.f32 v44, v53;
	v45 =	vadd.f32 v48, v45  }
0xae: {  	v60 =	vld [tilespmem:s26+$0xFFFFFCC0];
	v62 =	vmul.f32 v13, v4;
	v42 =	vadd.f32 v42, v52;
	v61 =	vadd.f32 v57, v47  }
0xaf: {  	v12 =	vld [tilespmem:s26+$0xFFFFFE30];
	v31, _, _ =	vpop (xrf2);
	(xrf2) =	vadd.scan.msk.f32 $0xffff, v33;
	v59 =	vmul.f32 v55, v5;
	v0 =	vadd.f32 v36, v44;
	v45 =	vadd.f32 v46, v45  }
0xb0: {  	v53 =	vmul.f32 v56, v5;
	v30 =	vadd.f32 v30, v39;
	v52 =	vadd.f32 v62, v61  }
0xb1: {  	v13 =	vmul.f32 v14, v6;
	v14 =	vld [tilespmem:s26+$0xFFFFFCD0];
	v41 =	vadd.f32 v41, v0;
	v45 =	vadd.f32 v59, v45  }
0xb2: {  	v54 =	vld [tilespmem:s26+$0xFFFFFE40];
	v44 =	vmul.f32 v58, v4;
	v30 =	vadd.f32 v26, v30;
	v39 =	vadd.f32 v53, v52  }
0xb3: {  	v56 =	vld [tilespmem:s26+$0xFFFFFCE0];
	v37 =	vadd.f32 v37, v41;
	v55 =	vadd.f32 v13, v45  }
0xb4: {  	v33, _, _ =	vpop (xrf2);
	(xrf2) =	vadd.scan.msk.f32 $0xffff, v40;
	v0 =	vmul.f32 v60, v6;
	v42 =	vadd.f32 v44, v42;
	v59 =	vmul.f32 v12, v5  }
0xb5: {  	v36, _, _ =	vpop (xrf2);
	(xrf2) =	vadd.scan.msk.f32 $0xffff, v38;
	v58 =	vld [tilespmem:s26+$0xFFFFFCF0];
	v34 =	vadd.f32 v34, v37;
	v35 =	vadd.f32 v35, v55  }
0xb6: {  	v26, _, _ =	vpop (xrf2);
	v60 =	vmul.f32 v14, v7;
	(xrf2) =	vadd.scan.msk.f32 $0xffff, v30;
	v30 =	vadd.f32 v0, v39;
	v0 =	vadd.f32 v59, v42  }
0xb7: {  	v1 =	vld [tilespmem:$0x1FFD0];
	v25 =	vadd.f32 v25, v34;
	v32 =	vadd.f32 v32, v35  }
0xb8: {  	v27 =	vld [tilespmem:s26+$0x150];
	v41 =	vmul.f32 v54, v6;
	v13 =	vmul.f32 v56, v8;
	v30 =	vadd.f32 v60, v30  }
0xb9: {  	v16 =	vadd.f32 v16, v17;
	v17 =	vld [tilespmem:s26+$0x3D0];
	v62, _, _ =	vpop (xrf2);
	(xrf2) =	vadd.scan.msk.f32 $0xffff, v25;
	v25 =	vadd.f32 v28, v32  }
0xba: {  	v57 =	vld [tilespmem:s26+$0xFFFFFE50];
	v45 =	vmul.f32 v58, v9;
	v28 =	vadd.f32 v41, v0;
	v0 =	vadd.f32 v13, v30  }
0xbb: {  	v61 =	vld [tilespmem:s26+$0xFFFFFE60]  }
0xbc: {  	v21 =	vadd.f32 v22, v21;
	v22 =	vadd.f32 v45, v0;
	v0 =	vld [tilespmem:$0x1FFB0]  }
0xbd: {  	v12 =	vld [tilespmem:s26+$0xFFFFFFD0]  }
0xbe: {  	v14 =	vld [tilespmem:s26+$0xFFFFFE70]  }
0xbf: {  	v29 =	vmul.f32 v57, v7;
	v41 =	vld [tilespmem:s26+$0xFFFFFFE0]  }
0xc0: {  	v46 =	vld [tilespmem:s26+$0xFFFFFFF0]  }
0xc1: {  	v28 =	vadd.f32 v29, v28;
	v29 =	vmul.f32 v61, v8;
	v13 =	vadd.f32 v1, v0;
	v0 =	vld [tilespmem:$0x1FFE0]  }
0xc2: {  	v23 =	vadd.f32 v23, v24;
	v44, _, _ =	vpop (xrf2);
	v24 =	vmul.f32 v12, v7;
	(xrf2) =	vadd.scan.msk.f32 $0xffff, v25;
	v25 =	vld [tilespmem:s26+$0x160]  }
0xc3: {  	v20 =	vadd.f32 v20, v21;
	v21 =	vld [tilespmem:s26+$0x2D0];
	v30, _, _ =	vpop (xrf2);
	v28 =	vadd.f32 v29, v28;
	v29 =	vmul.f32 v14, v9;
	(xrf2) =	vadd.scan.msk.f32 $0xffff, v22  }
0xc4: {  	v47 =	vld [tilespmem:s26+$0x170];
	v23 =	vadd.f32 v24, v23;
	v24 =	vmul.f32 v41, v8  }
0xc5: {  	v19 =	vadd.f32 v19, v20;
	v20 =	vmul.f32 v27, v7;
	v22 =	vld [tilespmem:s26+$0x2E0];
	v10 =	vadd.f32 v29, v28  }
0xc6: {  	v23 =	vadd.f32 v24, v23;
	v24 =	vmul.f32 v46, v9;
	v15 =	vadd.f32 v0, v16;
	v0 =	vld [tilespmem:$0x1FFC0]  }
0xc7: {  	v19 =	vadd.f32 v20, v19;
	v27, _, _ =	vpop (xrf2);
	v20 =	vmul.f32 v25, v8;
	v25 =	vld [tilespmem:s26+$0x2F0];
	(xrf2) =	vadd.scan.msk.f32 $0xffff, v10  }
0xc8: {  	v14 =	vadd.f32 v24, v23;
	v16 =	vmul.f32 v21, v7  }
0xc9: {  	v1 =	vadd.f32 v20, v19;
	v20 =	vmul.f32 v47, v9  }
0xca: {  	v18, _, _ =	vpop (xrf2);
	(xrf2) =	vadd.scan.msk.f32 $0xffff, v14;
	v21 =	vld [tilespmem:s26+$0x3E0];
	v15 =	vadd.f32 v16, v15;
	v16 =	vmul.f32 v22, v8  }
0xcb: {  	v10 =	vmul.f32 v63, v6;
	v48 =	vadd.f32 v20, v1;
	v12 =	vadd.f32 v0, v13  }
0xcc: {  	v19, _, _ =	vpop (xrf2);
	v15 =	vadd.f32 v16, v15;
	v16 =	vmul.f32 v25, v9;
	v0 =	vmul.f32 v17, v7;
	v17 =	vld [tilespmem:s26+$0x3F0]  }
0xcd: {  	(xrf2) =	vadd.scan.msk.f32 $0xffff, v48;
	v51, _, _ =	vpop (xrf2);
	v10 =	vadd.f32 v10, v12  }
0xce: {  	v14 =	vbroadcast v51, $0xF;
	v49 =	vadd.f32 v16, v15  }
0xcf: {  	v50 =	vmul.f32 v21, v8;
	v10 =	vadd.f32 v0, v10;
	v0 =	vbroadcast v19, $0xF  }
0xd0: {  	v54 =	vbroadcast v27, $0xF;
	v16 =	vbroadcast v18, $0xF;
	(xrf2) =	vadd.scan.msk.f32 $0xffff, v49  }
0xd1: {  	v15, _, _ =	vpop (xrf2);
	v52 =	vmul.f32 v17, v9;
	v10 =	vadd.f32 v50, v10;
	v53 =	vsel vm0, v0, v14  }
0xd2: {  	v0 =	vbroadcast v15, $0xF;
	v12 =	vsel vm1, v53, v16  }
0xd3: {  	v55 =	vbroadcast v30, $0xF;
	v10 =	vadd.f32 v52, v10;
	v12 =	vsel vm2, v12, v54  }
0xd4: {  	v15, _, _ =	vpop (xrf2);
	v12 =	vsel vm3, v12, v0;
	v0 =	vbroadcast v44, $0xF  }
0xd5: {  	v56 =	vbroadcast v15, $0xF;
	(xrf2) =	vadd.scan.msk.f32 $0xffff, v10;
	v10 =	vsel vm4, v12, v55  }
0xd6: {  	v57 =	vbroadcast v62, $0xF;
	v10 =	vsel vm5, v10, v0  }
0xd7: {  	v58 =	vbroadcast v26, $0xF;
	v59, _, _ =	vpop (xrf2);
	v10 =	vsel vm6, v10, v56  }
0xd8: {  	v60 =	vbroadcast v59, $0xF;
	v10 =	vsel vm7, v10, v57  }
0xd9: {  	v61 =	vbroadcast v36, $0xF;
	v10 =	vsel vm8, v10, v58  }
0xda: {  	v62 =	vbroadcast v33, $0xF;
	v63, _, _ =	vpop (xrf2);
	v10 =	vsel vm9, v10, v60  }
0xdb: {  	v0 =	vbroadcast v63, $0xF;
	v10 =	vsel vm10, v10, v61  }
0xdc: {  	v10 =	vsel vm11, v10, v62  }
0xdd: {  	v10 =	vsel vm12, v10, v0;
	v0 =	vld [tilespmem:$0x1FFF0];
	_ =	sdelay $0x3  }
0xde: {  	v32 =	vbroadcast v31, $0xF;
	_ =	sdelay $0x1  }
0xdf: {  	v10 =	vsel vm13, v10, v32;
	v33, _, _ =	vpop (xrf2)  }
0xe0: {  	s0 =	sshra.s32 s31, $0x2;
	v10 =	vsel vm14, v10, v33  }
0xe1: {  	s26 =	sadd.s32 $0x800, s26;
	[tilespmem:v0+s0+$0x0 ss:$0x1] =	vst.idx.msk $0xffff, v10  }
0xe2: {  	v12 =	vld [tilespmem:s26+$0x370]  }
0xe3: {  	v13 =	vld [tilespmem:s26+$0x360]  }
0xe4: {  	v0 =	vld [tilespmem:s26+$0x3C0]  }
0xe5: {  	v14 =	vld [tilespmem:s26+$0x270]  }
0xe6: {  	v15 =	vld [tilespmem:s26+$0x350]  }
0xe7: {  	v16 =	vld [tilespmem:s26+$0x3B0]  }
0xe8: {  	v18 =	vld [tilespmem:s26+$0x1F0]  }
0xe9: {  	v27 =	vld [tilespmem:s26+$0x260]  }
0xea: {  	v28 =	vld [tilespmem:s26+$0x340]  }
0xeb: {  	v29 =	vld [tilespmem:s26+$0x3A0]  }
0xec: {  	v31 =	vld [tilespmem:s26+$0x1E0]  }
0xed: {  	v34 =	vld [tilespmem:s26+$0x250]  }
0xee: {  	v35 =	vld [tilespmem:s26+$0x2C0]  }
0xef: {  	v33 =	vld [tilespmem:s26+$0x330]  }
0xf0: {  	v36 =	vld [tilespmem:s26+$0x380]  }
0xf1: {  	v37 =	vld [tilespmem:s26+$0x390]  }
0xf2: {  	v38 =	vld [tilespmem:s26+$0xF0]  }
0xf3: {  	v39 =	vld [tilespmem:s26+$0x1D0]  }
0xf4: {  	v40 =	vld [tilespmem:s26+$0x240]  }
0xf5: {  	v41 =	vld [tilespmem:s26+$0x2B0]  }
0xf6: {  	v42 =	vld [tilespmem:s26+$0x320]  }
0xf7: {  	v43 =	vld [tilespmem:s26+$0x70]  }
0xf8: {  	v44 =	vld [tilespmem:s26+$0xE0]  }
0xf9: {  	v45 =	vld [tilespmem:s26+$0x1C0]  }
0xfa: {  	v46 =	vld [tilespmem:s26+$0x230]  }
0xfb: {  	v47 =	vld [tilespmem:s26+$0x2A0]  }
0xfc: {  	v48 =	vld [tilespmem:s26+$0x300]  }
0xfd: {  	v49 =	vld [tilespmem:s26+$0x310]  }
0xfe: {  	v50 =	vld [tilespmem:s26+$0x60]  }
0xff: {  	v17 =	vld [tilespmem:s26+$0xD0]  }
0x100: {  	v19 =	vld [tilespmem:s26+$0x140]  }
0x101: {  	v51 =	vld [tilespmem:s26+$0x1B0]  }
0x102: {  	v52 =	vld [tilespmem:s26+$0x220]  }
0x103: {  	v53 =	vld [tilespmem:s26+$0x280]  }
0x104: {  	v54 =	vld [tilespmem:s26+$0x290]  }
0x105: {  	v55 =	vld [tilespmem:s26+$0xFFFFFF70]  }
0x106: {  	v56 =	vld [tilespmem:s26+$0x50]  }
0x107: {  	v57 =	vld [tilespmem:s26+$0xC0]  }
0x108: {  	v20 =	vld [tilespmem:s26+$0x130]  }
0x109: {  	v58 =	vld [tilespmem:s26+$0x1A0]  }
0x10a: {  	v59 =	vld [tilespmem:s26+$0x200]  }
0x10b: {  	v60 =	vld [tilespmem:s26+$0x210]  }
0x10c: {  	v61 =	vld [tilespmem:s26+$0xFFFFFEF0]  }
0x10d: {  	v30 =	vld [tilespmem:s26+$0xFFFFFF60]  }
0x10e: {  	v32 =	vld [tilespmem:s26+$0x40]  }
0x10f: {  	v26 =	vld [tilespmem:s26+$0xB0]  }
0x110: {  	v22 =	vld [tilespmem:s26+$0x120]  }
0x111: {  	v62 =	vld [tilespmem:s26+$0x180]  }
0x112: {  	v63 =	vld [tilespmem:s26+$0x190]  }
0x113: {  	v25 =	vld [tilespmem:s26+$0xFFFFFEE0];
	[tilespmem:$0x1FFA0] =	vst v0;
	v0 =	vmul.f32 v13, v8;
	v1 =	vmul.f32 v12, v9  }
0x114: {  	v23 =	vld [tilespmem:s26+$0xFFFFFF50];
	v11 =	vmul.f32 v14, v9;
	v13 =	vmul.f32 v15, v7  }
0x115: {  	v21 =	vld [tilespmem:s26+$0xFFFFFFC0];
	v14 =	vmul.f32 v48, v2;
	v15 =	vmul.f32 v49, v3  }
0x116: {  	v24 =	vld [tilespmem:s26+$0x30];
	v49 =	vmul.f32 v18, v9;
	v10 =	vmul.f32 v16, v5  }
0x117: {  	v48 =	vld [tilespmem:s26+$0xA0];
	v12 =	vmul.f32 v27, v8;
	v16 =	vmul.f32 v42, v4  }
0x118: {  	v42 =	vld [tilespmem:s26+$0x110];
	v18 =	vmul.f32 v28, v6;
	v27 =	vmul.f32 v33, v5  }
0x119: {  	v33 =	vld [tilespmem:s26+$0xFFFFFED0];
	v28 =	vmul.f32 v35, v6;
	v59 =	vmul.f32 v59, v2  }
0x11a: {  	v35 =	vld [tilespmem:s26+$0xFFFFFF40];
	v60 =	vmul.f32 v60, v3;
	v53 =	vmul.f32 v53, v2  }
0x11b: {  	v54 =	vmul.f32 v54, v3;
	[tilespmem:$0x1FFC0] =	vst v10;
	v10 =	vld [tilespmem:s26+$0x100];
	v15 =	vadd.f32 v15, v14;
	v14 =	vmul.f32 v29, v4  }
0x11c: {  	v52 =	vmul.f32 v52, v4;
	v29 =	vld [tilespmem:s26+$0xFFFFFDF0];
	v59 =	vadd.f32 v60, v59;
	v60 =	vmul.f32 v17, v7  }
0x11d: {  	v17 =	vadd.f32 v54, v53;
	v53 =	vld [tilespmem:s26+$0xFFFFFD60];
	v54 =	vmul.f32 v56, v7;
	[tilespmem:$0x1FFD0] =	vst v14;
	v14 =	vmul.f32 v31, v8  }
0x11e: {  	v56 =	vld [tilespmem:s26+$0xFFFFFDD0];
	v16 =	vadd.f32 v16, v15;
	v15 =	vmul.f32 v34, v7;
	v31 =	vmul.f32 v36, v2  }
0x11f: {  	v34 =	vmul.f32 v37, v3;
	v36 =	vld [tilespmem:s26+$0xFFFFFFB0];
	v37 =	vmul.f32 v39, v7  }
0x120: {  	[tilespmem:$0x1FFE0] =	vst v28;
	v39 =	vld [tilespmem:s26+$0x20];
	v28 =	vadd.f32 v27, v16;
	v27 =	vmul.f32 v38, v9;
	v38 =	vmul.f32 v40, v6  }
0x121: {  	v16 =	vmul.f32 v41, v5;
	v40 =	vld [tilespmem:s26+$0x80];
	v41 =	vmul.f32 v44, v8  }
0x122: {  	v44 =	vmul.f32 v45, v6;
	v45 =	vmul.f32 v46, v5;
	v46 =	vld [tilespmem:s26+$0xFFFFFD70];
	v18 =	vadd.f32 v18, v28  }
0x123: {  	v58 =	vmul.f32 v58, v4;
	v34 =	vadd.f32 v34, v31;
	v28 =	vmul.f32 v43, v9;
	v43 =	vld [tilespmem:s26+$0x90]  }
0x124: {  	v19 =	vmul.f32 v19, v6;
	v31 =	vmul.f32 v62, v2;
	v62 =	vld [tilespmem:s26+$0xFFFFFEC0];
	v18 =	vadd.f32 v13, v18  }
0x125: {  	v20 =	vmul.f32 v20, v5;
	[tilespmem:$0x1FFB0] =	vst v34;
	v34 =	vmul.f32 v63, v3;
	v63 =	vld [tilespmem:$0x1FFA0]  }
0x126: {  	v32 =	vmul.f32 v32, v6;
	v26 =	vmul.f32 v26, v5;
	v13 =	vld [tilespmem:s26+$0xFFFFFDE0];
	v0 =	vadd.f32 v0, v18  }
0x127: {  	v22 =	vmul.f32 v22, v4;
	v31 =	vadd.f32 v34, v31;
	v18 =	vmul.f32 v47, v4;
	v47 =	vld [tilespmem:s26+$0xFFFFFF30]  }
0x128: {  	v40 =	vmul.f32 v40, v2;
	v43 =	vmul.f32 v43, v3;
	v34 =	vadd.f32 v1, v0;
	v0 =	vld [tilespmem:s26+$0xFFFFFFA0]  }
0x129: {  	v1 =	vmul.f32 v50, v8;
	v50 =	vmul.f32 v51, v5;
	v51 =	vadd.f32 v52, v59;
	v52 =	vld [tilespmem:s26+$0x0]  }
0x12a: {  	v24 =	vmul.f32 v24, v5;
	v48 =	vmul.f32 v48, v4;
	v59 =	vld [tilespmem:s26+$0x10]  }
0x12b: {  	v35 =	vmul.f32 v35, v6;
	v58 =	vadd.f32 v58, v31;
	v40 =	vadd.f32 v43, v40;
	v43 =	vld [tilespmem:s26+$0xFFFFFE90]  }
0x12c: {  	v31 =	vmul.f32 v55, v9;
	v55 =	vmul.f32 v57, v6;
	v45 =	vadd.f32 v45, v51;
	v51 =	vld [tilespmem:s26+$0xFFFFFC70]  }
0x12d: {  	v57 =	vmul.f32 v30, v8;
	v50 =	vadd.f32 v50, v58;
	v30 =	vadd.f32 v48, v40;
	v48 =	vld [tilespmem:s26+$0xFFFFFF00]  }
0x12e: {  	v10 =	vmul.f32 v10, v2;
	v40 =	vmul.f32 v33, v7;
	v33 =	vld [tilespmem:s26+$0xFFFFFEA0]  }
0x12f: {  	v45 =	vadd.f32 v38, v45;
	v44 =	vadd.f32 v44, v50;
	v50 =	vld [tilespmem:s26+$0xFFFFFEB0];
	v38 =	vmul.f32 v61, v9  }
0x130: {  	v61 =	vld [tilespmem:s26+$0xFFFFFF10];
	v58 =	vmul.f32 v52, v2;
	v59 =	vmul.f32 v59, v3  }
0x131: {  	v26 =	vadd.f32 v26, v30;
	v52 =	vmul.f32 v25, v8;
	v15 =	vadd.f32 v15, v45;
	v45 =	vld [tilespmem:s26+$0xFFFFFF20]  }
0x132: {  	v30 =	vmul.f32 v39, v4;
	v37 =	vadd.f32 v37, v44;
	v44 =	vld [tilespmem:s26+$0xFFFFFF80];
	v25 =	vadd.f32 v59, v58  }
0x133: {  	v26 =	vadd.f32 v55, v26;
	v58 =	vmul.f32 v42, v3;
	v42 =	vld [tilespmem:s26+$0xFFFFFE80];
	v12 =	vadd.f32 v12, v15  }
0x134: {  	v15 =	vld [tilespmem:s26+$0xFFFFFF90];
	v14 =	vadd.f32 v14, v37;
	v33 =	vmul.f32 v33, v4;
	v25 =	vadd.f32 v30, v25  }
0x135: {  	v37 =	vld [tilespmem:s26+$0xFFFFFC60];
	v30 =	vadd.f32 v60, v26;
	v26 =	vmul.f32 v29, v9;
	v61 =	vmul.f32 v61, v3  }
0x136: {  	v11 =	vadd.f32 v11, v12;
	v12 =	vld [tilespmem:s26+$0xFFFFFD50];
	v14 =	vadd.f32 v49, v14;
	v49 =	vmul.f32 v23, v7  }
0x137: {  	v23 =	vmul.f32 v21, v6;
	v21 =	vadd.f32 v58, v10;
	v10 =	vld [tilespmem:s26+$0xFFFFFDC0];
	v29 =	vadd.f32 v24, v25  }
0x138: {  	v58 =	vld [tilespmem:s26+$0xFFFFFDB0];
	v24 =	vmul.f32 v36, v5;
	v59 =	vadd.f32 v41, v30;
	v25 =	vmul.f32 v46, v9  }
0x139: {  	v41 =	vld [tilespmem:s26+$0xFFFFFC50];
	v30 =	vmul.f32 v13, v8;
	v60 =	vadd.f32 v32, v29;
	v29 =	vmul.f32 v48, v2  }
0x13a: {  	v46 =	vld [tilespmem:s26+$0xFFFFFD40];
	v55 =	vadd.f32 v27, v59;
	v27 =	vmul.f32 v42, v2;
	v48 =	vmul.f32 v43, v3  }
0x13b: {  	v36 =	vld [tilespmem:s26+$0xFFFFFD30];
	v59 =	vmul.f32 v45, v4;
	v13 =	vadd.f32 v54, v60;
	v29 =	vadd.f32 v61, v29  }
0x13c: {  	v43 =	vmul.f32 v62, v6;
	v62 =	vmul.f32 v44, v2;
	v42 =	vld [tilespmem:s26+$0xFFFFFE10];
	v39 =	vadd.f32 v48, v27  }
0x13d: {  	v44 =	vld [tilespmem:s26+$0xFFFFFD20];
	v60 =	vmul.f32 v47, v5;
	v1 =	vadd.f32 v1, v13;
	v29 =	vadd.f32 v59, v29  }
0x13e: {  	v27 =	vmul.f32 v0, v4;
	v0 =	vld [tilespmem:s26+$0xFFFFFD80];
	v61 =	vmul.f32 v50, v5;
	v39 =	vadd.f32 v33, v39  }
0x13f: {  	(xrf2) =	vadd.scan.msk.f32 $0xffff, v34;
	v34 =	vmul.f32 v53, v8;
	v33 =	vadd.f32 v28, v1;
	v1 =	vld [tilespmem:s26+$0xFFFFFD90];
	v29 =	vadd.f32 v60, v29  }
0x140: {  	v15 =	vmul.f32 v15, v3;
	v32 =	vmul.f32 v37, v8;
	v54 =	vld [tilespmem:s26+$0xFFFFFDA0];
	v59 =	vadd.f32 v61, v39  }
0x141: {  	v37 =	vmul.f32 v12, v7;
	v13 =	vld [tilespmem:s26+$0xFFFFFE00];
	v28 =	vmul.f32 v51, v9;
	v61 =	vadd.f32 v35, v29  }
0x142: {  	v60 =	vld [tilespmem:s26+$0xFFFFFD00];
	v39 =	vmul.f32 v56, v7;
	v29 =	vadd.f32 v15, v62;
	v62 =	vadd.f32 v43, v59  }
0x143: {  	p1 =	sne.s32 s3, $0x600;
	v0 =	vmul.f32 v0, v2;
	v15 =	vld [tilespmem:s26+$0xFFFFFD10];
	v43 =	vmul.f32 v10, v6;
	v10 =	vadd.f32 v49, v61  }
.Ltmp1:
0x144: {  	(xrf2) =	vadd.scan.msk.f32 $0xffff, v11;
	v45 =	vld [tilespmem:s26+$0xFFFFFC00];
	v35 =	vmul.f32 v41, v7;
	v11 =	vadd.f32 v40, v62;
	v1 =	vmul.f32 v1, v3;
	(pc) =	sbr.rel @p1 .LBB2_5-.Ltmp1, $4  }
0x145: {  	v48 =	vld [tilespmem:s26+$0xFFFFFC10];
	v41 =	vmul.f32 v46, v6;
	v49 =	vmul.f32 v58, v5;
	v10 =	vadd.f32 v57, v10  }
0x146: {  	v47 =	vld [tilespmem:s26+$0xFFFFFC80];
	v11 =	vadd.f32 v52, v11;
	v0 =	vadd.f32 v1, v0;
	v1 =	vmul.f32 v54, v4  }
0x147: {  	(xrf2) =	vadd.scan.msk.f32 $0xffff, v14;
	v50 =	vld [tilespmem:s26+$0xFFFFFC90];
	v53 =	vmul.f32 v60, v2;
	v52 =	vmul.f32 v13, v2;
	v40 =	vadd.f32 v31, v10  }
0x148: {  	s31 =	smov.u32 s3;
	s3 =	sadd.s32 $0x40, s3;
	(xrf2) =	vadd.scan.msk.f32 $0xffff, v55;
	v46 =	vld [tilespmem:s26+$0xFFFFFC20];
	v54 =	vmul.f32 v15, v3;
	v38 =	vadd.f32 v38, v11;
	v51 =	vadd.f32 v1, v0  }
0x149: {  	v0 =	vld [tilespmem:s26+$0xFFFFFC30]  }
0x14a: {  	v14 =	vld [tilespmem:s26+$0xFFFFFCA0]  }
0x14b: {  	v10 =	vmul.f32 v44, v4;
	v11 =	vmul.f32 v42, v3;
	v31 =	vld [tilespmem:s26+$0xFFFFFC40];
	v1 =	vadd.f32 v54, v53  }
0x14c: {  	v12 =	vmul.f32 v45, v2;
	v60 =	vld [tilespmem:s26+$0xFFFFFCB0];
	v27 =	vadd.f32 v27, v29;
	v21 =	vadd.f32 v22, v21  }
0x14d: {  	v45 =	vld [tilespmem:s26+$0xFFFFFCC0];
	v13 =	vmul.f32 v48, v3;
	v1 =	vadd.f32 v10, v1;
	v10 =	vmul.f32 v36, v5  }
0x14e: {  	v56 =	vld [tilespmem:s26+$0xFFFFFE60];
	v15 =	vadd.f32 v49, v51;
	v11 =	vadd.f32 v11, v52;
	v61 =	vmul.f32 v47, v2  }
0x14f: {  	v24 =	vadd.f32 v24, v27;
	v62 =	vmul.f32 v50, v3;
	v1 =	vadd.f32 v10, v1;
	v10 =	vld [tilespmem:s26+$0xFFFFFE20]  }
0x150: {  	v57 =	vld [tilespmem:s26+$0xFFFFFFD0];
	v12 =	vadd.f32 v13, v12;
	v15 =	vadd.f32 v43, v15;
	v59 =	vmul.f32 v46, v4  }
0x151: {  	v47 =	vld [tilespmem:s26+$0xFFFFFE30];
	v0 =	vmul.f32 v0, v5;
	v46 =	vadd.f32 v62, v61;
	v14 =	vmul.f32 v14, v4  }
0x152: {  	v49 =	vld [tilespmem:s26+$0xFFFFFCD0];
	v15 =	vadd.f32 v39, v15;
	v48 =	vmul.f32 v31, v6;
	v12 =	vadd.f32 v59, v12  }
0x153: {  	v51 =	vld [tilespmem:s26+$0xFFFFFE40];
	v50 =	vmul.f32 v60, v5;
	v1 =	vadd.f32 v41, v1;
	v14 =	vadd.f32 v14, v46  }
0x154: {  	v52 =	vld [tilespmem:s26+$0xFFFFFCE0];
	v15 =	vadd.f32 v30, v15;
	v0 =	vadd.f32 v0, v12;
	v10 =	vmul.f32 v10, v4  }
0x155: {  	v53 =	vld [tilespmem:s26+$0xFFFFFE50];
	v13 =	vmul.f32 v45, v6;
	v1 =	vadd.f32 v37, v1;
	v14 =	vadd.f32 v50, v14  }
0x156: {  	v54 =	vld [tilespmem:s26+$0xFFFFFCF0];
	v0 =	vadd.f32 v48, v0;
	v10 =	vadd.f32 v10, v11;
	v11 =	vmul.f32 v47, v5  }
0x157: {  	v58 =	vld [tilespmem:s26+$0xFFFFFE70];
	v55 =	vmul.f32 v49, v7;
	v15 =	vadd.f32 v26, v15;
	v13 =	vadd.f32 v13, v14  }
0x158: {  	v29 =	vld [tilespmem:s26+$0x2D0];
	v0 =	vadd.f32 v35, v0;
	v10 =	vadd.f32 v11, v10;
	v11 =	vmul.f32 v51, v6  }
0x159: {  	(xrf2) =	vadd.scan.msk.f32 $0xffff, v33;
	v42 =	vld [tilespmem:$0x1FFE0];
	v12 =	vmul.f32 v52, v8;
	v1 =	vadd.f32 v34, v1;
	v13 =	vadd.f32 v55, v13  }
0x15a: {  	(xrf2) =	vadd.scan.msk.f32 $0xffff, v40;
	v40 =	vld [tilespmem:$0x1FFB0];
	v0 =	vadd.f32 v32, v0;
	v10 =	vadd.f32 v11, v10;
	v11 =	vmul.f32 v53, v7  }
0x15b: {  	(xrf2) =	vadd.scan.msk.f32 $0xffff, v38;
	v59 =	vld [tilespmem:s26+$0xFFFFFFE0];
	v60 =	vmul.f32 v54, v9;
	v1 =	vadd.f32 v25, v1;
	v12 =	vadd.f32 v12, v13  }
0x15c: {  	v61 =	vld [tilespmem:s26+$0x150];
	(xrf2) =	vadd.scan.msk.f32 $0xffff, v15;
	v0 =	vadd.f32 v28, v0;
	v10 =	vadd.f32 v11, v10;
	v11 =	vmul.f32 v56, v8  }
0x15d: {  	v24 =	vadd.f32 v23, v24;
	v62 =	vld [tilespmem:s26+$0xFFFFFFF0];
	(xrf2) =	vadd.scan.msk.f32 $0xffff, v1;
	v1 =	vadd.f32 v60, v12  }
0x15e: {  	v25 =	vmul.f32 v57, v7;
	v28 =	vld [tilespmem:s26+$0x160];
	(xrf2) =	vadd.scan.msk.f32 $0xffff, v0;
	v0 =	vadd.f32 v11, v10;
	v10 =	vmul.f32 v58, v9  }
0x15f: {  	v17 =	vadd.f32 v18, v17;
	v41 =	vld [tilespmem:$0x1FFD0];
	v11 =	vadd.f32 v20, v21  }
0x160: {  	v30, _, _ =	vpop (xrf2);
	v31 =	vmul.f32 v59, v8;
	v32 =	vld [tilespmem:s26+$0x170];
	v12 =	vadd.f32 v25, v24;
	(xrf2) =	vadd.scan.msk.f32 $0xffff, v1;
	v0 =	vadd.f32 v10, v0  }
0x161: {  	v33 =	vld [tilespmem:s26+$0x2E0];
	v1, _, _ =	vpop (xrf2);
	v10 =	vadd.f32 v19, v11;
	v11 =	vmul.f32 v61, v7  }
0x162: {  	v36 =	vadd.f32 v16, v17;
	v48 =	vld [tilespmem:$0x1FFC0];
	v35 =	vmul.f32 v62, v9;
	v12 =	vadd.f32 v31, v12;
	v34, _, _ =	vpop (xrf2)  }
0x163: {  	v39 =	vld [tilespmem:s26+$0x2F0];
	v38, _, _ =	vpop (xrf2);
	v10 =	vadd.f32 v11, v10;
	v11 =	vmul.f32 v28, v8;
	(xrf2) =	vadd.scan.msk.f32 $0xffff, v0  }
0x164: {  	v37 =	vld [tilespmem:s26+$0x3D0];
	v14 =	vmul.f32 v29, v7;
	v13 =	vadd.f32 v42, v36;
	v12 =	vadd.f32 v35, v12;
	v0, _, _ =	vpop (xrf2)  }
0x165: {  	v45 =	vld [tilespmem:s26+$0x3E0];
	v23 =	vadd.f32 v41, v40;
	v10 =	vadd.f32 v11, v10;
	v11 =	vmul.f32 v32, v9;
	v43, _, _ =	vpop (xrf2)  }
0x166: {  	v47 =	vmul.f32 v33, v8;
	v13 =	vadd.f32 v14, v13;
	(xrf2) =	vadd.scan.msk.f32 $0xffff, v12;
	v46, _, _ =	vpop (xrf2)  }
0x167: {  	v44 =	vmul.f32 v63, v6;
	v50 =	vld [tilespmem:s26+$0x3F0];
	v18 =	vadd.f32 v48, v23;
	v10 =	vadd.f32 v11, v10;
	v49, _, _ =	vpop (xrf2)  }
0x168: {  	v52 =	vmul.f32 v39, v9;
	v13 =	vadd.f32 v47, v13;
	v51, _, _ =	vpop (xrf2)  }
0x169: {  	v18 =	vadd.f32 v44, v18;
	v11 =	vmul.f32 v37, v7;
	(xrf2) =	vadd.scan.msk.f32 $0xffff, v10;
	v53, _, _ =	vpop (xrf2)  }
0x16a: {  	v54 =	vmul.f32 v45, v8;
	v10 =	vadd.f32 v52, v13;
	v55, _, _ =	vpop (xrf2)  }
0x16b: {  	v11 =	vadd.f32 v11, v18;
	v56 =	vbroadcast v53, $0xF;
	v14 =	vbroadcast v55, $0xF  }
0x16c: {  	v58 =	vmul.f32 v50, v9;
	v57 =	vbroadcast v51, $0xF  }
0x16d: {  	v12 =	vbroadcast v49, $0xF;
	v11 =	vadd.f32 v54, v11;
	(xrf2) =	vadd.scan.msk.f32 $0xffff, v10;
	v59, _, _ =	vpop (xrf2);
	v10 =	vsel vm0, v56, v14  }
0x16e: {  	v14 =	vbroadcast v59, $0xF;
	v10 =	vsel vm1, v10, v57  }
0x16f: {  	v60 =	vbroadcast v46, $0xF;
	v11 =	vadd.f32 v58, v11;
	v10 =	vsel vm2, v10, v12  }
0x170: {  	v61 =	vbroadcast v43, $0xF;
	v62, _, _ =	vpop (xrf2);
	v10 =	vsel vm3, v10, v14  }
0x171: {  	(xrf2) =	vadd.scan.msk.f32 $0xffff, v11;
	v11 =	vbroadcast v62, $0xF;
	v10 =	vsel vm4, v10, v60  }
0x172: {  	v0 =	vbroadcast v0, $0xF;
	v10 =	vsel vm5, v10, v61  }
0x173: {  	v63, _, _ =	vpop (xrf2);
	v10 =	vsel vm6, v10, v11;
	v11 =	vbroadcast v38, $0xF  }
0x174: {  	v0 =	vsel vm7, v10, v0;
	v10 =	vbroadcast v63, $0xF  }
0x175: {  	v0 =	vsel vm8, v0, v11;
	v11 =	vbroadcast v34, $0xF  }
0x176: {  	v1 =	vbroadcast v1, $0xF;
	v0 =	vsel vm9, v0, v10  }
0x177: {  	v0 =	vsel vm10, v0, v11  }
0x178: {  	v10, _, _ =	vpop (xrf2);
	v0 =	vsel vm11, v0, v1;
	v1 =	vbroadcast v30, $0xF  }
0x179: {  	v10 =	vbroadcast v10, $0xF;
	_ =	sdelay $0x1  }
0x17a: {  	v0 =	vsel vm12, v0, v10  }
0x17b: {  	v0 =	vsel vm13, v0, v1;
	v1, _, _ =	vpop (xrf2)  }
0x17c: {  	v0 =	vsel vm14, v0, v1;
	v1 =	vld [tilespmem:$0x1FFF0];
	_ =	sdelay $0x6  }
0x17d: {  	s0 =	sshra.s32 s31, $0x2  }
0x17e: {  	s31 =	sadd.s32 $0x0, s30;
	s3 =	simm.s32 $0x40;
	s26 =	simm.s32 $0x0;
	v10 =	vimm.f32 $1.000000000e+00;
	[tilespmem:v1+s0+$0x0 ss:$0x1] =	vst.idx.msk $0xffff, v0  }
.LBB2_7:
0x17f: {  	p1 =	sne.s32 s3, $0x600;
	v0 =	vld [tilespmem:s31+$0x0];
	_ =	sdelay $0x1  }
0x180: {  	s0 =	sadd.s32 s26, s29  }
0x181: {  	v1 =	vld [tilespmem:s0+$0x0];
	_ =	sdelay $0x1  }
.Ltmp2:
0x182: {  	(pc) =	sbr.rel @p1 .LBB2_7-.Ltmp2, $3  }
0x183: {  	_ =	sdelay $0x1  }
0x184: {  	s26 =	sshra.s32 s3, $0x2;
	[tilespmem:v0+s18+$0x0] =	vst.idx.add.f32.msk $0xffff, v1  }
0x185: {  	s3 =	sadd.s32 $0x40, s3;
	s31 =	sadd.s32 s26, s30;
	[tilespmem:v0+s19+$0x0] =	vst.idx.add.f32.msk $0xffff, v10  }
0x186: {  	v0 =	vld [tilespmem:s31+$0x0];
	_ =	sdelay $0x1  }
0x187: {  	s0 =	sadd.s32 s26, s29  }
0x188: {  	v1 =	vld [tilespmem:s0+$0x0];
	_ =	sdelay $0x1  }
0x189: {  	s31 =	smul.u32 $0x190, s25;
	p1 =	sne.s32 s24, $0x19  }
.Ltmp3:
0x18a: {  	_ = 	snop;
	(pc) =	sbr.rel @p1 .LBB2_4-.Ltmp3, $4  }
0x18b: {  	s0 =	sadd.s32 s6, s31  }
0x18c: {  	s0 =	sshrl.u32 s0, $0x3;
	[tilespmem:v0+s18+$0x0] =	vst.idx.add.f32.msk $0xffff, v1  }
0x18d: {  	p0 =	por !p0, !p0;
	s25 =	smov.u32 s24;
	s0 =	sadd.s32 s7, s0;
	[tilespmem:v0+s19+$0x0] =	vst.idx.add.f32.msk $0xffff, v10  }
0x18e: {  	[hbm4b:s0+s5] =	stream.linear.scatter [tilespmem:s28], [sflag:$0x3], $0x190, $0x38;
	[tilespmem:$0x1E780] =	vst v63  }
0x18f: {  	_ =	swait.ge [sflag:s15], $0x190  }
0x190: {  	[sflag:s15] =	ssyncset.done $0x0  }
0x191: {  	[sflag:s15] =	ssyncadd.s32 $0xFFFFFE70  }
0x192: {  	[hbm4b:s10+s20] =	stream.strided.scatter [tilespmem:s18], [sflag:$0x4], $0x2800, s21, s20, $0x38;
	[tilespmem:$0x1E780] =	vst v63  }
0x193: {  	s23 =	sadd.s32 $0x1, s23;
	_ =	swait.ge [sflag:s22], $0x2800  }
0x194: {  	p0 =	sne.s32 s23, s12;
	[sflag:s22] =	ssyncset.done $0x0  }
.Ltmp4:
0x195: {  	[sflag:s22] =	ssyncadd.s32 $0xFFFFD800;
	(pc) =	sbr.rel @p0 .LBB2_1-.Ltmp4, $4  }
0x196: {  	[hbm4b:s11+s20] =	stream.strided.scatter [tilespmem:s19], [sflag:$0x4], $0x2800, s21, s20, $0x38;
	[tilespmem:$0x1E780] =	vst v63  }
0x197: {  	_ =	swait.ge [sflag:s22], $0x2800  }
0x198: {  	[sflag:s22] =	ssyncset.done $0x0  }
0x199: {  	v0 =	vimm.f32 $0.0e+00;
	[sflag:s22] =	ssyncadd.s32 $0xFFFFD800  }
0x19a: {  	_ =	sfence.sel $0x180000  }
0x19b: {  	[bflag:$0x0] =	sbarrier.arrive $0xFFFF  }
0x19c: {  	_ =	strace $0x90000047  }
0x19d: {  	s0 =	stileid.u32;
	[bflag:$0x2] =	sbarrier.arrive $0xFFFF  }
0x19e: {  	p0 =	sne.s32 s0, $0x0;
	s0 =	rddreg [dreg:$0x4]  }
0x19f: {  	s0 =	sadd.s32 @!p0 $0x100000, s0  }
0x1a0: {  	[sflag:s0] =	ssyncadd.tile.s32 @!p0 $0x1;
	_ =	shalt  }
.Lfunc_end2:
_tile_overlayer_lowered:
.L_overlay_start_2:
0x1a1: {  	(tag) =	ssettag $0x2  }
0x1a2: {  	s0 =	rddreg [dreg:$0x0];
	s2 =	stileid.u32  }
0x1a3: {  	s1 =	rddreg [dreg:$0x1];
	p0 =	sne.s32 s2, $0x0  }
0x1a4: {  	s3 =	rddreg [dreg:$0x2];
	[bflag:$0x3] =	sbarrier.arrive $0xFFFF;
	s2 =	simm.s32 @!p0 $0x1C04  }
0x1a5: {  	[timem:s3], [sflag:s2] =	dma.local @!p0 [hbm:s0], s1  }
0x1a6: {  	s0 =	simm.s32 @!p0 $0x4  }
0x1a7: {  	_ =	swait.ge @!p0 [sflag:s0], s1  }
0x1a8: {  	s1 =	ssub.s32 @!p0 $0x0, s1;
	[sflag:s0] =	ssyncset.done @!p0 $0x0  }
0x1a9: {  	[sflag:s0] =	ssyncadd.s32 @!p0 s1  }
0x1aa: {  	[bflag:$0x3] =	sbarrier.arrive $0xFFFF  }
0x1ab: {  	_ =	shalt  }

// kernel: kernel.7.cloned.1.call-start
scs
__scs_entry_jumppad:
0x0: {  	(pc) =	sbr.rel $0x88, $3  }
0x1: {  	(tag) =	ssettag $0x0;
	lr =	simm.s32 $0x1  }
0x2: {  	[smem:$0x3F9E] =	sst lr;
	_ =	strace $0xD0000000  }
0x3: {  	_ = 	snop  }
0x4: {  	_ = 	snop  }
0x5: {  	_ = 	snop  }
0x6: {  	_ = 	snop  }
0x7: {  	_ = 	snop  }
__scs_overlays_trampoline_lowered:
0x8: {  	[smem:$0x3FAD] =	sst s0  }
0x9: {  	[smem:$0x3FAE] =	sst s1  }
0xa: {  	[smem:$0x3FAF] =	sst s2  }
0xb: {  	[smem:$0x3FB0] =	sst s3  }
0xc: {  	[smem:$0x3FB1] =	sst s4  }
0xd: {  	[smem:$0x3FB2] =	sst s5  }
0xe: {  	[smem:$0x3FB3] =	sst s6  }
0xf: {  	[smem:$0x3FB4] =	sst s7  }
0x10: {  	[smem:$0x3FB5] =	sst s8  }
0x11: {  	[smem:$0x3FB6] =	sst s9;
	s0 =	simm.s32 @!p0 $0x0  }
0x12: {  	s1 =	sld [smem:$0x3F9C];
	s0 =	simm.s32 @p0 $0x1  }
0x13: {  	[smem:$0x3FB7] =	sst s0;
	s0 =	simm.s32 @!p1 $0x0  }
0x14: {  	s2 =	sld [smem:$0x3F9B];
	s0 =	simm.s32 @p1 $0x1  }
0x15: {  	[smem:$0x3FB8] =	sst s0;
	s0 =	simm.s32 @!p2 $0x0  }
0x16: {  	s3 =	sld [smem:$0x3FDB];
	s0 =	simm.s32 @p2 $0x1  }
0x17: {  	s4 =	simm.s32 $0x1BF5;
	[smem:$0x3FBA] =	sst s0  }
0x18: {  	s0 =	sld [smem:$0x3F9D];
	_ =	swait.ge [sflag:s4], $0x0  }
0x19: {  	s7 =	sld [smem:$0x3F9E]  }
0x1a: {  	s8 =	sadd.s32 $0xFFFFE003, lr  }
0x1b: {  	s9 =	sadd.s32 $0xFFFFFEF7, lr;
	s5 =	simm.s32 $0xFFFFFFFF;
	p2 =	slt.u32 s8, $0xFFFFF086  }
0x1c: {  	p1 =	slt.u32 s9, $0xF7A;
	s5 =	simm.s32 @!p2 $0x0  }
0x1d: {  	s5 =	simm.s32 @p1 $0x1;
	p0 =	seq.s32 s7, s2  }
0x1e: {  	s7 =	smul.u32 @!p0 $0xF7A, s2;
	p2 =	seq.s32 @!p0 s5, $0x0  }
0x1f: {  	s9 =	smul.u32 $0xF7A, s1;
	s8 =	simm.s32 @!p0 $0x1BF5;
	p2 =	por !p2, p0  }
0x20: {  	[sflag:s8] =	ssyncset.s32 @!p0 $0xFFFFF086;
	s6 =	sadd.s32 @!p0 s3, s7;
	s7 =	simm.s32 @!p0 $0x108  }
0x21: {  	s3 =	sadd.s32 s3, s9;
	s6 =	sadd.s32 @!p0 $0x88, s6;
	s7 =	simm.s32 @p2 $0x1082  }
0x22: {  	[simem:s7], [sflag:s8] =	dma.local @!p0 [hbm:s6], $0xF7A  }
0x23: {  	s9 =	sor.u32 $0xD0000000, s2;
	s6 =	simm.s32 $0x108;
	_ =	swait.ge @!p0 [sflag:s8], $0x0  }
0x24: {  	s3 =	sadd.s32 $0x88, s3;
	s6 =	simm.s32 @!p1 $0x1082;
	[sflag:s4] =	ssyncset.s32 $0xFFFFF086  }
0x25: {  	[simem:s6], [sflag:s4] =	dma.local [hbm:s3], $0xF7A  }
0x26: {  	[smem:$0x3F9E] =	sst s1;
	(tag) =	ssettag s2;
	_ =	strace s9  }
0x27: {  	s1 =	sld [smem:$0x3FAE]  }
0x28: {  	s2 =	sld [smem:$0x3FAF]  }
0x29: {  	s4 =	sld [smem:$0x3FB1]  }
0x2a: {  	p0 =	seq.s32 s5, $0x0;
	s5 =	sld [smem:$0x3FB2]  }
0x2b: {  	s6 =	sld [smem:$0x3FB3]  }
0x2c: {  	s7 =	sld [smem:$0x3FB4]  }
0x2d: {  	s3 =	simm.s32 $0x108;
	s8 =	sld [smem:$0x3FB5]  }
0x2e: {  	s3 =	simm.s32 @!p0 $0x1082;
	s9 =	sld [smem:$0x3FB6]  }
0x2f: {  	lr =	sadd.s32 s0, s3;
	s0 =	sld [smem:$0x3FAD]  }
0x30: {  	s3 =	sld [smem:$0x3FB0]  }
0x31: {  	[smem:$0x3FB9] =	sst s10  }
0x32: {  	s10 =	sld [smem:$0x3FB7];
	_ =	sdelay $0x3  }
0x33: {  	p0 =	seq.s32 s10, $0x1;
	s10 =	sld [smem:$0x3FB9];
	_ =	sdelay $0x3  }
0x34: {  	[smem:$0x3FB9] =	sst s10  }
0x35: {  	s10 =	sld [smem:$0x3FB8];
	_ =	sdelay $0x3  }
0x36: {  	p1 =	seq.s32 s10, $0x1;
	s10 =	sld [smem:$0x3FB9];
	_ =	sdelay $0x3  }
0x37: {  	[smem:$0x3FB9] =	sst s10  }
0x38: {  	s10 =	sld [smem:$0x3FBA]  }
0x39: {  	_ = 	snop;
	(pc) =	sbr.ind lr, $3  }
0x3a: {  	_ = 	snop  }
0x3b: {  	_ = 	snop  }
0x3c: {  	p2 =	seq.s32 s10, $0x1;
	s10 =	sld [smem:$0x3FB9]  }
0x3d: {  	_ =	shalt  }
0x3e: {  	_ =	shalt  }
0x3f: {  	_ =	shalt  }
0x40: {  	_ =	shalt  }
0x41: {  	_ =	shalt  }
0x42: {  	_ =	shalt  }
0x43: {  	_ =	shalt  }
0x44: {  	_ =	shalt  }
0x45: {  	_ =	shalt  }
0x46: {  	_ =	shalt  }
0x47: {  	_ =	shalt  }
0x48: {  	_ =	shalt  }
0x49: {  	_ =	shalt  }
0x4a: {  	_ =	shalt  }
0x4b: {  	_ =	shalt  }
0x4c: {  	_ =	shalt  }
0x4d: {  	_ =	shalt  }
0x4e: {  	_ =	shalt  }
0x4f: {  	_ =	shalt  }
0x50: {  	_ =	shalt  }
0x51: {  	_ =	shalt  }
0x52: {  	_ =	shalt  }
0x53: {  	_ =	shalt  }
0x54: {  	_ =	shalt  }
0x55: {  	_ =	shalt  }
0x56: {  	_ =	shalt  }
0x57: {  	_ =	shalt  }
0x58: {  	_ =	shalt  }
0x59: {  	_ =	shalt  }
0x5a: {  	_ =	shalt  }
0x5b: {  	_ =	shalt  }
0x5c: {  	_ =	shalt  }
0x5d: {  	_ =	shalt  }
0x5e: {  	_ =	shalt  }
0x5f: {  	_ =	shalt  }
0x60: {  	_ =	shalt  }
0x61: {  	_ =	shalt  }
0x62: {  	_ =	shalt  }
0x63: {  	_ =	shalt  }
0x64: {  	_ =	shalt  }
0x65: {  	_ =	shalt  }
0x66: {  	_ =	shalt  }
0x67: {  	_ =	shalt  }
0x68: {  	_ =	shalt  }
0x69: {  	_ =	shalt  }
0x6a: {  	_ =	shalt  }
0x6b: {  	_ =	shalt  }
0x6c: {  	_ =	shalt  }
0x6d: {  	_ =	shalt  }
0x6e: {  	_ =	shalt  }
0x6f: {  	_ =	shalt  }
0x70: {  	_ =	shalt  }
0x71: {  	_ =	shalt  }
0x72: {  	_ =	shalt  }
0x73: {  	_ =	shalt  }
0x74: {  	_ =	shalt  }
0x75: {  	_ =	shalt  }
0x76: {  	_ =	shalt  }
0x77: {  	_ =	shalt  }
0x78: {  	_ =	shalt  }
0x79: {  	_ =	shalt  }
0x7a: {  	_ =	shalt  }
0x7b: {  	_ =	shalt  }
0x7c: {  	_ =	shalt  }
0x7d: {  	_ =	shalt  }
0x7e: {  	_ =	shalt  }
0x7f: {  	_ =	shalt  }
0x80: {  	_ =	shalt  }
0x81: {  	_ =	shalt  }
0x82: {  	_ =	shalt  }
0x83: {  	_ =	shalt  }
0x84: {  	_ =	shalt  }
0x85: {  	_ =	shalt  }
0x86: {  	_ =	shalt  }
0x87: {  	_ =	shalt  }
.Lfunc_end0:
.L_simem_size_0:
called_computation.1_lowered:
.L_overlay_start_0:
0x88: {  	s2 =	sld [smem:$0x3FD9]  }
0x89: {  	s3 =	sld [smem:$0x3FFE];
	_ =	sdelay $0x1  }
0x8a: {  	s1 =	srdreg.scid  }
0x8b: {  	s0 =	sand.u32 $0x1, s1  }
0x8c: {  	s17 =	sshll.u32 s0, $0xA;
	s2 =	sadd.s32 s3, s2  }
0x8d: {  	s2 =	sadd.s32 s2, s17  }
0x8e: {  	[smem:$0x3FC5] =	sst s2  }
0x8f: {  	_ = 	snop  }
0x90: {  	s2 =	sld [smem:$0x3FC9];
	(tm) =	ssettm $0x1  }
0x91: {  	s18 =	sld [smem:$0x3FFB];
	_ =	sdelay $0x3  }
0x92: {  	_ =	strace s18  }
0x93: {  	s3 =	sld [smem:$0x3FFC];
	_ =	sdelay $0x3  }
0x94: {  	_ =	strace s3  }
0x95: {  	s3 =	sld [smem:$0x3FFD];
	_ =	sdelay $0x3  }
0x96: {  	_ =	strace s3  }
0x97: {  	_ =	strace $0x8FFFFFFF  }
0x98: {  	s19 =	sld [smem:$0x3FDB];
	_ =	sdelay $0x1  }
0x99: {  	s4 =	simm.s32 $_scs_section_size  }
0x9a: {  	s5 =	simm.s32 $_size__tile_overlayer_lowered;
	s6 =	simm.s32 $_tile_overlayer_lowered  }
0x9b: {  	s22 =	simm.s32 $0x1BFF;
	s21 =	sshll.u32 s6, $0x1;
	s3 =	sadd.s32 s4, s19  }
0x9c: {  	s7 =	simm.s32 $0x0;
	s20 =	sshll.u32 s5, $0x1;
	s5 =	sadd.s32 s21, s3  }
0x9d: {  	[timem:s7], [sflag:s22] =	dma.local [hbm:s5], s20  }
0x9e: {  	_ =	swait.ge [sflag:s22], s20  }
0x9f: {  	s4 =	ssub.s32 $0x0, s20;
	[sflag:s22] =	ssyncset.done $0x0  }
0xa0: {  	[sflag:s22] =	ssyncadd.s32 s4;
	_ =	sdelay $0x1  }
0xa1: {  	s23 =	simm.s32 $0x1B8B  }
0xa2: {  	_ =	swait.ge [sflag:s23], $0x1  }
0xa3: {  	[sflag:s23] =	ssyncset.done $0x0  }
0xa4: {  	s25 =	simm.s32 $0x1B8E;
	s24 =	sld [smem:$0x3FFE];
	[sflag:s23] =	ssyncadd.s32 $0xFFFFFFFF  }
0xa5: {  	s26 =	simm.s32 $execute0_lowered;
	[smem:$0x3FD2] =	sst s25  }
0xa6: {  	s5 =	sshll.u32 s26, $0x1;
	_ =	strace $0x80000049;
	[dreg:$0x1] =	wrdreg $0xFFFFFFFF  }
0xa7: {  	s28 =	simm.s32 $_size_execute0_lowered;
	s3 =	sadd.s32 s3, s5;
	[dreg:$0x0] =	wrdreg $0x0  }
0xa8: {  	s5 =	sshll.u32 s28, $0x1;
	[dreg:$0x2] =	wrdreg s3  }
0xa9: {  	[dreg:$0x3] =	wrdreg s5  }
0xaa: {  	[dreg:$0x4] =	wrdreg $0xC0  }
0xab: {  	_ =	task [dreg:s7], $0x5FFFF  }
0xac: {  	[dreg:$0x1] =	wrdreg $0xFFFFFFFF  }
0xad: {  	[dreg:$0x0] =	wrdreg $0x60  }
0xae: {  	[dreg:$0x2] =	wrdreg s2  }
0xaf: {  	[dreg:$0x3] =	wrdreg s24  }
0xb0: {  	[dreg:$0x4] =	wrdreg $0x117000  }
0xb1: {  	[dreg:$0x5] =	wrdreg $0x9  }
0xb2: {  	_ =	task.clear_ibuf [dreg:s7], $0x6FFFF;
	_ =	strace $0x90000049  }
0xb3: {  	s29 =	simm.s32 $0x9;
	_ =	strace $0x8000004B  }
0xb4: {  	_ =	swait.ge [sflag:s29], $0x1  }
0xb5: {  	[sflag:s29] =	ssyncadd.s32 $0xFFFFFFFF  }
0xb6: {  	_ =	strace $0x9000004B  }
0xb7: {  	_ =	sfence  }
0xb8: {  	s30 =	sld [smem:$0x0];
	_ =	sdelay $0x2  }
0xb9: {  	s31 =	sshll.u32 s1, $0xD;
	s1 =	sshrl.u32 s1, $0x2  }
0xba: {  	s3 =	sand.u32 $0x4000, s31;
	s1 =	sadd.s32 s1, s30  }
0xbb: {  	s0 =	sor.u32 s3, s0;
	s1 =	sshll.u32 s1, $0x11  }
0xbc: {  	s0 =	sor.u32 s1, s0  }
0xbd: {  	s0 =	sadd.s32 $0x8F2B, s0  }
0xbe: {  	[sflag:s0] =	ssyncadd.remote.s32 $0x1  }
0xbf: {  	_ =	sfence.sel $0xFFFF  }
0xc0: {  	[dreg:$0x0] =	wrdreg $0xFFFFFFFF;
	(pc) =	sbr.abs _section_cstart, $3  }
0xc1: {  	[dreg:$0x1] =	wrdreg $0xFFFFFFFF  }
0xc2: {  	_ =	task.clear_ibuf [dreg:s7], $0x2FFFF;
	_ =	strace $0x9FFFFFFF  }
0xc3: {  	(tm) =	ssettm $0x7FFFFFFF  }
tec
execute0_lowered:
.L_overlay_start_1:
0x0: {  	(tag) =	ssettag $0x1  }
0x1: {  	s0 =	rddreg [dreg:$0x0]  }
0x2: {  	s1 =	rddreg [dreg:$0x1]  }
0x3: {  	s7 =	rddreg [dreg:$0x2]  }
0x4: {  	s6 =	stileid.u32;
	s2 =	srdreg.scid  }
0x5: {  	s8 =	simm.s32 $0x0;
	s2 =	sand.u32 $0x1, s2;
	s4 =	smul.u32 $0x280, s6  }
0x6: {  	s3 =	sshll.u32 s6, $0x1;
	[smem:$0x7FF] =	sst s8;
	s6 =	smul.u32 $0xA00, s6  }
0x7: {  	s3 =	sor.u32 s2, s3;
	_ =	strace $0x8000004A;
	s4 =	sadd.s32 s4, s1  }
0x8: {  	s2 =	ssub.s32 $0x2, s2;
	s3 =	smul.u32 $0x4E2, s3;
	s24 =	sadd.s32 $0xAA00, s4  }
0x9: {  	s5 =	sshrl.u32 s2, $0x1;
	s25 =	sadd.s32 $0x14A00, s4;
	[dreg:$0x1f] =	wrdreg s24  }
0xa: {  	s2 =	ssub.s32 s2, s5;
	s0 =	sadd.s32 s0, s3;
	[smem:$0x7F6] =	sst s25  }
0xb: {  	s1 =	sadd.s32 s3, s1;
	s28 =	smax.u32 s2, $0x1;
	[dreg:$0x1d] =	wrdreg s0  }
0xc: {  	s23 =	sadd.s32 $0xC00, s1;
	[smem:$0x7F8] =	sst s28  }
0xd: {  	s26 =	sshrl.u32 s6, $0x2;
	s1 =	sadd.s32 $0x1EA00, s1;
	[dreg:$0x1e] =	wrdreg s23  }
0xe: {  	s0 =	sadd.s32 s26, s7;
	[smem:$0x7F7] =	sst s1  }
0xf: {  	s29 =	sadd.s32 $0x80, s0;
	[smem:$0x7FC] =	sst s0  }
0x10: {  	s30 =	sadd.s32 $0x100, s0;
	[smem:$0x7F9] =	sst s29  }
0x11: {  	s31 =	sadd.s32 $0x180, s0;
	[smem:$0x7FA] =	sst s30  }
0x12: {  	s3 =	simm.s32 $0x7700;
	s0 =	sadd.s32 $0x200, s0;
	[smem:$0x7FB] =	sst s31  }
0x13: {  	s2 =	simm.s32 $0x0;
	s1 =	simm.s32 $0x2780;
	[smem:$0x7FD] =	sst s0  }
.LBB2_1:
0x14: {  	s0 =	rddreg [dreg:$0x1d]  }
0x15: {  	s24 =	rddreg [dreg:$0x1e]  }
0x16: {  	[tilespmem:s8], [sflag:$0x1] =	stream.linear.gather [hbm4b:s0+s8], $0x2710, $0x38;
	[tilespmem:$0x11980] =	vst v63  }
0x17: {  	s25 =	rddreg [dreg:$0x1f]  }
0x18: {  	[tilespmem:s1], [sflag:$0x1] =	stream.linear.gather [hbm4b:s24+s8], $0x2710, $0x38;
	[tilespmem:$0x11980] =	vst v63  }
0x19: {  	s26 =	simm.s32 $0x1400;
	s28 =	simm.s32 $0x14000;
	s29 =	sld [smem:$0x7F6]  }
0x1a: {  	[tilespmem:s3], [sflag:$0x2] =	stream.strided.gather [hbm4b:s25+s26], $0x5000, s28, s26, $0x38;
	[tilespmem:$0x11980] =	vst v63  }
0x1b: {  	[smem:$0x7F3] =	sst s2;
	s30 =	simm.s32 $0xC700;
	s4 =	simm.s32 $0x2  }
0x1c: {  	[tilespmem:s30], [sflag:$0x2] =	stream.strided.gather [hbm4b:s29+s26], $0x5000, s28, s26, $0x38;
	[tilespmem:$0x11980] =	vst v63  }
0x1d: {  	_ =	swait.ge [sflag:s4], $0x5000  }
0x1e: {  	[sflag:s4] =	ssyncset.done $0x0  }
0x1f: {  	[sflag:s4] =	ssyncadd.s32 $0xFFFFB000  }
0x20: {  	_ =	swait.ge [sflag:s4], $0x5000  }
0x21: {  	s7 =	sand.u32 $0x60, s8;
	s2 =	sand.u32 $0x1C00, s8;
	[sflag:s4] =	ssyncset.done $0x0  }
0x22: {  	s10 =	sor.u32 s7, s2;
	[sflag:s4] =	ssyncadd.s32 $0xFFFFB000  }
0x23: {  	v0 =	vld [tilespmem:s10+$0xC700]  }
0x24: {  	v1 =	vld [tilespmem:s10+$0xC780];
	_ =	sdelay $0x1  }
0x25: {  	v2 =	vld [tilespmem:s10+$0xC800];
	_ =	sdelay $0x1  }
0x26: {  	v3 =	vld [tilespmem:s10+$0xC880]  }
0x27: {  	v0 =	vadd.f32 v1, v0  }
0x28: {  	s5 =	sand.u32 $0x3, s8;
	v1 =	vld [tilespmem:s10+$0xC900]  }
0x29: {  	s0 =	sshll.u32 s5, $0x5;
	v4 =	vld [tilespmem:s10+$0x7780];
	v0 =	vadd.f32 v2, v0  }
0x2a: {  	s12 =	sadd.s32 $0x0, s0;
	v2 =	vld [tilespmem:s10+$0xC980]  }
0x2b: {  	s5 =	sor.u32 $0x300, s12;
	v5 =	vld [tilespmem:s10+$0x7700];
	v0 =	vadd.f32 v3, v0  }
0x2c: {  	s6 =	sor.u32 s8, s8;
	v3 =	vld [tilespmem:s5+$0xC700]  }
0x2d: {  	s6 =	sor.u32 $0x380, s6;
	v6 =	vld [tilespmem:s10+$0x7800];
	v0 =	vadd.f32 v1, v0  }
0x2e: {  	s8 =	sadd.s32 $0x1400, s2;
	v1 =	vld [tilespmem:s6+$0xC700]  }
0x2f: {  	s9 =	sor.u32 s7, s8;
	v7 =	vld [tilespmem:s10+$0x7880];
	v0 =	vadd.f32 v2, v0  }
0x30: {  	s11 =	sadd.s32 $0x1480, s2;
	v2 =	vld [tilespmem:s9+$0xC700]  }
0x31: {  	[smem:$0x7F5] =	sst s11;
	s11 =	sor.u32 s7, s11;
	v57 =	vld [tilespmem:s10+$0x7900];
	v4 =	vadd.f32 v4, v5;
	v0 =	vadd.f32 v3, v0  }
0x32: {  	s3 =	sadd.s32 $0x1500, s2;
	v3 =	vld [tilespmem:s11+$0xC700]  }
0x33: {  	s13 =	sor.u32 s7, s3;
	v58 =	vld [tilespmem:s10+$0x7980];
	v4 =	vadd.f32 v6, v4;
	v0 =	vadd.f32 v1, v0  }
0x34: {  	s4 =	sadd.s32 $0x1580, s2;
	v1 =	vld [tilespmem:s13+$0xC700]  }
0x35: {  	s14 =	sor.u32 s7, s4;
	v8 =	vld [tilespmem:s5+$0x7700];
	v4 =	vadd.f32 v7, v4;
	v0 =	vadd.f32 v2, v0  }
0x36: {  	s5 =	sadd.s32 $0x1600, s2;
	v2 =	vld [tilespmem:s14+$0xC700]  }
0x37: {  	v59 =	vld [tilespmem:s6+$0x7700];
	s15 =	sor.u32 s7, s5;
	v4 =	vadd.f32 v57, v4;
	v0 =	vadd.f32 v3, v0  }
0x38: {  	s6 =	sadd.s32 $0x1680, s2;
	v3 =	vld [tilespmem:s15+$0xC700]  }
0x39: {  	v60 =	vld [tilespmem:s9+$0x7700];
	s16 =	sor.u32 s7, s6;
	v4 =	vadd.f32 v58, v4;
	v0 =	vadd.f32 v1, v0  }
0x3a: {  	s9 =	sadd.s32 $0x1700, s2;
	v1 =	vld [tilespmem:s16+$0xC700]  }
0x3b: {  	v61 =	vld [tilespmem:s11+$0x7700];
	s17 =	sor.u32 s7, s9;
	v4 =	vadd.f32 v8, v4;
	v0 =	vadd.f32 v2, v0  }
0x3c: {  	[smem:$0x7F4] =	sst s8;
	s8 =	sadd.s32 $0x1780, s2;
	v2 =	vld [tilespmem:s17+$0xC700]  }
0x3d: {  	s18 =	sor.u32 s7, s8;
	v62 =	vld [tilespmem:s13+$0x7700];
	v4 =	vadd.f32 v59, v4;
	v0 =	vadd.f32 v3, v0  }
0x3e: {  	s11 =	sadd.s32 $0x2800, s2;
	v3 =	vld [tilespmem:s18+$0xC700]  }
0x3f: {  	v63 =	vld [tilespmem:s14+$0x7700];
	s19 =	sor.u32 s7, s11;
	v4 =	vadd.f32 v60, v4;
	v0 =	vadd.f32 v1, v0  }
0x40: {  	s13 =	sadd.s32 $0x2880, s2;
	v1 =	vld [tilespmem:s19+$0xC700]  }
0x41: {  	v9 =	vld [tilespmem:s15+$0x7700];
	s20 =	sor.u32 s7, s13;
	v4 =	vadd.f32 v61, v4;
	v0 =	vadd.f32 v2, v0  }
0x42: {  	s14 =	sadd.s32 $0x2900, s2;
	v2 =	vld [tilespmem:s20+$0xC700]  }
0x43: {  	v10 =	vld [tilespmem:s16+$0x7700];
	s21 =	sor.u32 s7, s14;
	v4 =	vadd.f32 v62, v4;
	v0 =	vadd.f32 v3, v0  }
0x44: {  	s15 =	sadd.s32 $0x2980, s2;
	v3 =	vld [tilespmem:s21+$0xC700]  }
0x45: {  	v11 =	vld [tilespmem:s17+$0x7700];
	s22 =	sor.u32 s7, s15;
	v4 =	vadd.f32 v63, v4;
	v0 =	vadd.f32 v1, v0  }
0x46: {  	s16 =	sadd.s32 $0x2A00, s2;
	v1 =	vld [tilespmem:s22+$0xC700]  }
0x47: {  	v12 =	vld [tilespmem:s18+$0x7700];
	s23 =	sor.u32 s7, s16;
	v4 =	vadd.f32 v9, v4;
	v0 =	vadd.f32 v2, v0  }
0x48: {  	s17 =	sadd.s32 $0x2A80, s2;
	v2 =	vld [tilespmem:s23+$0xC700]  }
0x49: {  	v13 =	vld [tilespmem:s19+$0x7700];
	s24 =	sor.u32 s7, s17;
	v4 =	vadd.f32 v10, v4;
	v0 =	vadd.f32 v3, v0  }
0x4a: {  	s18 =	sadd.s32 $0x2B00, s2;
	v3 =	vld [tilespmem:s24+$0xC700]  }
0x4b: {  	v14 =	vld [tilespmem:s20+$0x7700];
	s25 =	sor.u32 s7, s18;
	v4 =	vadd.f32 v11, v4;
	v0 =	vadd.f32 v1, v0  }
0x4c: {  	s19 =	sadd.s32 $0x2B80, s2;
	v1 =	vld [tilespmem:s25+$0xC700]  }
0x4d: {  	v15 =	vld [tilespmem:s21+$0x7700];
	s26 =	sor.u32 s7, s19;
	v4 =	vadd.f32 v12, v4;
	v0 =	vadd.f32 v2, v0  }
0x4e: {  	s20 =	sadd.s32 $0x3C00, s2;
	v2 =	vld [tilespmem:s26+$0xC700]  }
0x4f: {  	v16 =	vld [tilespmem:s22+$0x7700];
	s28 =	sor.u32 s7, s20;
	v4 =	vadd.f32 v13, v4;
	v0 =	vadd.f32 v3, v0  }
0x50: {  	s21 =	sadd.s32 $0x3C80, s2;
	v3 =	vld [tilespmem:s28+$0xC700]  }
0x51: {  	v17 =	vld [tilespmem:s23+$0x7700];
	s29 =	sor.u32 s7, s21;
	v4 =	vadd.f32 v14, v4;
	v0 =	vadd.f32 v1, v0  }
0x52: {  	s22 =	sadd.s32 $0x3D00, s2;
	v1 =	vld [tilespmem:s29+$0xC700]  }
0x53: {  	v18 =	vld [tilespmem:s24+$0x7700];
	s30 =	sor.u32 s7, s22;
	v4 =	vadd.f32 v15, v4;
	v0 =	vadd.f32 v2, v0  }
0x54: {  	s23 =	sadd.s32 $0x3D80, s2;
	v2 =	vld [tilespmem:s30+$0xC700]  }
0x55: {  	v19 =	vld [tilespmem:s25+$0x7700];
	s31 =	sor.u32 s7, s23;
	v4 =	vadd.f32 v16, v4;
	v0 =	vadd.f32 v3, v0  }
0x56: {  	s24 =	sadd.s32 $0x3E00, s2;
	v3 =	vld [tilespmem:s31+$0xC700]  }
0x57: {  	v20 =	vld [tilespmem:s26+$0x7700];
	s1 =	sor.u32 s7, s24;
	v4 =	vadd.f32 v17, v4;
	v0 =	vadd.f32 v1, v0  }
0x58: {  	s25 =	sadd.s32 $0x3E80, s2;
	v1 =	vld [tilespmem:s1+$0xC700]  }
0x59: {  	v21 =	vld [tilespmem:s28+$0x7700];
	v4 =	vadd.f32 v18, v4;
	s28 =	sor.u32 s7, s25;
	v0 =	vadd.f32 v2, v0  }
0x5a: {  	s26 =	sadd.s32 $0x3F00, s2;
	v2 =	vld [tilespmem:s28+$0xC700]  }
0x5b: {  	v22 =	vld [tilespmem:s29+$0x7700];
	s0 =	sor.u32 s7, s26;
	v4 =	vadd.f32 v19, v4;
	v0 =	vadd.f32 v3, v0  }
0x5c: {  	s29 =	sadd.s32 $0x3F80, s2;
	v3 =	vld [tilespmem:s0+$0xC700]  }
0x5d: {  	v23 =	vld [tilespmem:s30+$0x7700];
	v4 =	vadd.f32 v20, v4;
	s30 =	sor.u32 s7, s29;
	v0 =	vadd.f32 v1, v0  }
0x5e: {  	v1 =	vld [tilespmem:s30+$0xC700]  }
0x5f: {  	v4 =	vadd.f32 v21, v4;
	v0 =	vadd.f32 v2, v0  }
0x60: {  	v2 =	vld [tilespmem:s31+$0x7700]  }
0x61: {  	v4 =	vadd.f32 v22, v4;
	v0 =	vadd.f32 v3, v0  }
0x62: {  	v3 =	vld [tilespmem:s1+$0x7700]  }
0x63: {  	v4 =	vadd.f32 v23, v4;
	v0 =	vadd.f32 v1, v0  }
0x64: {  	v1 =	vld [tilespmem:s28+$0x7700]  }
0x65: {  	v2 =	vadd.f32 v2, v4;
	(erf) = vrcp.f32 v0  }
0x66: {  	v0 =	vld [tilespmem:s0+$0x7700]  }
0x67: {  	v2 =	vadd.f32 v3, v2  }
0x68: {  	v3 =	vld [tilespmem:s30+$0x7700]  }
0x69: {  	v1 =	vadd.f32 v1, v2;
	_ =	sdelay $0x1  }
0x6a: {  	v0 =	vadd.f32 v0, v1;
	_ =	sdelay $0x1  }
0x6b: {  	v0 =	vadd.f32 v3, v0  }
0x6c: {  	v1 =	vpop (erf)  }
0x6d: {  	v0 =	vmul.f32 v1, v0  }
0x6e: {  	s7 =	sor.u32 $0x10, s7  }
0x6f: {  	s2 =	sor.u32 s2, s7;
	[tilespmem:s10+$0x7700] =	vst v0  }
0x70: {  	v0 =	vld [tilespmem:s2+$0xC700]  }
0x71: {  	v1 =	vld [tilespmem:s2+$0xC780]  }
0x72: {  	v2 =	vld [tilespmem:s2+$0xC800]  }
0x73: {  	v3 =	vld [tilespmem:s2+$0x7780]  }
0x74: {  	v24 =	vld [tilespmem:s2+$0x7700]  }
0x75: {  	v25 =	vld [tilespmem:s2+$0xC880]  }
0x76: {  	v26 =	vld [tilespmem:s2+$0x7800];
	v0 =	vadd.f32 v1, v0  }
0x77: {  	v1 =	vld [tilespmem:s2+$0xC900]  }
0x78: {  	v27 =	vld [tilespmem:s2+$0x7880];
	v0 =	vadd.f32 v2, v0  }
0x79: {  	s12 =	sadd.s32 $0x10, s12;
	v3 =	vadd.f32 v3, v24;
	v2 =	vld [tilespmem:s2+$0xC980]  }
0x7a: {  	s28 =	sor.u32 $0x300, s12;
	v28 =	vld [tilespmem:s2+$0x7900];
	v0 =	vadd.f32 v25, v0  }
0x7b: {  	s30 =	sld [smem:$0x7F4];
	v29 =	vld [tilespmem:s28+$0xC700];
	v3 =	vadd.f32 v26, v3  }
0x7c: {  	s0 =	sor.u32 $0x380, s12;
	v30 =	vld [tilespmem:s2+$0x7980];
	v0 =	vadd.f32 v1, v0  }
0x7d: {  	s1 =	sld [smem:$0x7F5];
	v1 =	vadd.f32 v27, v3;
	v3 =	vld [tilespmem:s0+$0xC700]  }
0x7e: {  	v32 =	vld [tilespmem:s0+$0x7700];
	s0 =	sor.u32 s7, s30;
	v0 =	vadd.f32 v2, v0  }
0x7f: {  	v2 =	vld [tilespmem:s0+$0xC700]  }
0x80: {  	v33 =	vld [tilespmem:s0+$0x7700];
	s0 =	sor.u32 s7, s1;
	v0 =	vadd.f32 v29, v0  }
0x81: {  	v34 =	vld [tilespmem:s0+$0xC700]  }
0x82: {  	s3 =	sor.u32 s7, s3;
	v31 =	vld [tilespmem:s28+$0x7700];
	v0 =	vadd.f32 v3, v0  }
0x83: {  	v3 =	vld [tilespmem:s3+$0xC700]  }
0x84: {  	s4 =	sor.u32 s7, s4;
	v1 =	vadd.f32 v28, v1;
	v0 =	vadd.f32 v2, v0  }
0x85: {  	v2 =	vld [tilespmem:s4+$0xC700]  }
0x86: {  	s5 =	sor.u32 s7, s5;
	v1 =	vadd.f32 v30, v1;
	v0 =	vadd.f32 v34, v0  }
0x87: {  	v38 =	vld [tilespmem:s5+$0xC700]  }
0x88: {  	s6 =	sor.u32 s7, s6;
	v35 =	vld [tilespmem:s0+$0x7700];
	v1 =	vadd.f32 v31, v1;
	v0 =	vadd.f32 v3, v0  }
0x89: {  	v3 =	vld [tilespmem:s6+$0xC700]  }
0x8a: {  	s9 =	sor.u32 s7, s9;
	v36 =	vld [tilespmem:s3+$0x7700];
	v1 =	vadd.f32 v32, v1;
	v0 =	vadd.f32 v2, v0  }
0x8b: {  	v2 =	vld [tilespmem:s9+$0xC700]  }
0x8c: {  	s10 =	sor.u32 s7, s8;
	v37 =	vld [tilespmem:s4+$0x7700];
	v1 =	vadd.f32 v33, v1;
	v0 =	vadd.f32 v38, v0  }
0x8d: {  	v42 =	vld [tilespmem:s10+$0xC700]  }
0x8e: {  	s12 =	sor.u32 s7, s11;
	v39 =	vld [tilespmem:s5+$0x7700];
	v1 =	vadd.f32 v35, v1;
	v0 =	vadd.f32 v3, v0  }
0x8f: {  	v3 =	vld [tilespmem:s12+$0xC700]  }
0x90: {  	s13 =	sor.u32 s7, s13;
	v40 =	vld [tilespmem:s6+$0x7700];
	v1 =	vadd.f32 v36, v1;
	v0 =	vadd.f32 v2, v0  }
0x91: {  	v2 =	vld [tilespmem:s13+$0xC700]  }
0x92: {  	s14 =	sor.u32 s7, s14;
	v41 =	vld [tilespmem:s9+$0x7700];
	v1 =	vadd.f32 v37, v1;
	v0 =	vadd.f32 v42, v0  }
0x93: {  	v46 =	vld [tilespmem:s14+$0xC700]  }
0x94: {  	s15 =	sor.u32 s7, s15;
	v43 =	vld [tilespmem:s10+$0x7700];
	v1 =	vadd.f32 v39, v1;
	v0 =	vadd.f32 v3, v0  }
0x95: {  	v3 =	vld [tilespmem:s15+$0xC700]  }
0x96: {  	s16 =	sor.u32 s7, s16;
	v44 =	vld [tilespmem:s12+$0x7700];
	v1 =	vadd.f32 v40, v1;
	v0 =	vadd.f32 v2, v0  }
0x97: {  	v2 =	vld [tilespmem:s16+$0xC700]  }
0x98: {  	s17 =	sor.u32 s7, s17;
	v45 =	vld [tilespmem:s13+$0x7700];
	v1 =	vadd.f32 v41, v1;
	v0 =	vadd.f32 v46, v0  }
0x99: {  	v50 =	vld [tilespmem:s17+$0xC700]  }
0x9a: {  	s18 =	sor.u32 s7, s18;
	v47 =	vld [tilespmem:s14+$0x7700];
	v1 =	vadd.f32 v43, v1;
	v0 =	vadd.f32 v3, v0  }
0x9b: {  	v3 =	vld [tilespmem:s18+$0xC700]  }
0x9c: {  	s19 =	sor.u32 s7, s19;
	v48 =	vld [tilespmem:s15+$0x7700];
	v1 =	vadd.f32 v44, v1;
	v0 =	vadd.f32 v2, v0  }
0x9d: {  	v2 =	vld [tilespmem:s19+$0xC700]  }
0x9e: {  	s20 =	sor.u32 s7, s20;
	v49 =	vld [tilespmem:s16+$0x7700];
	v1 =	vadd.f32 v45, v1;
	v0 =	vadd.f32 v50, v0  }
0x9f: {  	v54 =	vld [tilespmem:s20+$0xC700]  }
0xa0: {  	s21 =	sor.u32 s7, s21;
	v51 =	vld [tilespmem:s17+$0x7700];
	v1 =	vadd.f32 v47, v1;
	v0 =	vadd.f32 v3, v0  }
0xa1: {  	v3 =	vld [tilespmem:s21+$0xC700]  }
0xa2: {  	s22 =	sor.u32 s7, s22;
	v52 =	vld [tilespmem:s18+$0x7700];
	v1 =	vadd.f32 v48, v1;
	v0 =	vadd.f32 v2, v0  }
0xa3: {  	v2 =	vld [tilespmem:s22+$0xC700]  }
0xa4: {  	s23 =	sor.u32 s7, s23;
	v53 =	vld [tilespmem:s19+$0x7700];
	v1 =	vadd.f32 v49, v1;
	v0 =	vadd.f32 v54, v0  }
0xa5: {  	v58 =	vld [tilespmem:s23+$0xC700]  }
0xa6: {  	s24 =	sor.u32 s7, s24;
	v55 =	vld [tilespmem:s20+$0x7700];
	v1 =	vadd.f32 v51, v1;
	v0 =	vadd.f32 v3, v0  }
0xa7: {  	v3 =	vld [tilespmem:s24+$0xC700]  }
0xa8: {  	s25 =	sor.u32 s7, s25;
	v56 =	vld [tilespmem:s21+$0x7700];
	v1 =	vadd.f32 v52, v1;
	v0 =	vadd.f32 v2, v0  }
0xa9: {  	v2 =	vld [tilespmem:s25+$0xC700]  }
0xaa: {  	v57 =	vld [tilespmem:s22+$0x7700];
	s28 =	sor.u32 s7, s26;
	v1 =	vadd.f32 v53, v1;
	v0 =	vadd.f32 v58, v0  }
0xab: {  	v61 =	vld [tilespmem:s28+$0xC700]  }
0xac: {  	v59 =	vld [tilespmem:s23+$0x7700];
	s30 =	sor.u32 s7, s29;
	v1 =	vadd.f32 v55, v1;
	v0 =	vadd.f32 v3, v0  }
0xad: {  	v63 =	vld [tilespmem:s30+$0xC700]  }
0xae: {  	v1 =	vadd.f32 v56, v1;
	v0 =	vadd.f32 v2, v0  }
0xaf: {  	v60 =	vld [tilespmem:s24+$0x7700]  }
0xb0: {  	v1 =	vadd.f32 v57, v1;
	v0 =	vadd.f32 v61, v0  }
0xb1: {  	v62 =	vld [tilespmem:s25+$0x7700]  }
0xb2: {  	v1 =	vadd.f32 v59, v1;
	v0 =	vadd.f32 v63, v0  }
0xb3: {  	v3 =	vld [tilespmem:s28+$0x7700]  }
0xb4: {  	v1 =	vadd.f32 v60, v1;
	(erf) = vrcp.f32 v0  }
0xb5: {  	v2 =	vld [tilespmem:s30+$0x7700]  }
0xb6: {  	v1 =	vadd.f32 v62, v1;
	_ =	sdelay $0x1  }
0xb7: {  	v1 =	vadd.f32 v3, v1  }
0xb8: {  	s31 =	simm.s32 $0x0  }
0xb9: {  	s0 =	simm.s32 $0x0;
	s3 =	simm.s32 $0x0;
	s4 =	simm.s32 $0x20;
	v0 =	vadd.f32 v2, v1  }
.LBB2_2:
0xba: {  	_ =	sdelay $0x1  }
0xbb: {  	v1 =	vpop (erf)  }
0xbc: {  	s0 =	sadd.s32 $0x100, s0;
	v0 =	vmul.f32 v1, v0  }
0xbd: {  	s29 =	sand.u32 $0x60, s4;
	s25 =	sand.u32 $0x1C00, s0  }
0xbe: {  	s26 =	sor.u32 s29, s25;
	[tilespmem:s2+$0x7700] =	vst v0  }
0xbf: {  	v0 =	vld [tilespmem:s26+$0xC700]  }
0xc0: {  	v1 =	vld [tilespmem:s26+$0xC780];
	_ =	sdelay $0x1  }
0xc1: {  	v2 =	vld [tilespmem:s26+$0xC800];
	_ =	sdelay $0x1  }
0xc2: {  	v3 =	vld [tilespmem:s26+$0xC880]  }
0xc3: {  	s31 =	sadd.s32 $0x1, s31;
	v0 =	vadd.f32 v1, v0  }
0xc4: {  	s18 =	sand.u32 $0x3, s31;
	v1 =	vld [tilespmem:s26+$0xC900]  }
0xc5: {  	s30 =	sadd.s32 $0x1780, s25;
	s2 =	sshll.u32 s18, $0x5;
	v5 =	vld [tilespmem:s26+$0x7780];
	v0 =	vadd.f32 v2, v0  }
0xc6: {  	[dreg:$0x16] =	wrdreg s30;
	s12 =	sor.u32 s29, s30;
	s30 =	sadd.s32 s2, s0;
	v2 =	vld [tilespmem:s26+$0xC980]  }
0xc7: {  	s22 =	sadd.s32 $0x1500, s25;
	v6 =	vld [tilespmem:s26+$0x7700];
	s2 =	sor.u32 $0x300, s30;
	v0 =	vadd.f32 v3, v0  }
0xc8: {  	[dreg:$0x1a] =	wrdreg s22;
	s8 =	sor.u32 s29, s22;
	s22 =	sor.u32 s0, s4;
	v7 =	vld [tilespmem:s2+$0xC700]  }
0xc9: {  	[dreg:$0x5] =	wrdreg s4;
	s4 =	sor.u32 $0x380, s22;
	v4 =	vld [tilespmem:s26+$0x7800];
	v0 =	vadd.f32 v1, v0  }
0xca: {  	s3 =	sadd.s32 $0x2, s3;
	s21 =	sadd.s32 $0x1400, s25;
	v1 =	vld [tilespmem:s4+$0xC700]  }
0xcb: {  	[dreg:$0x4] =	wrdreg s3;
	p0 =	slt.u32 s3, $0x26;
	s3 =	sor.u32 s29, s21;
	v8 =	vld [tilespmem:s26+$0x7880];
	v0 =	vadd.f32 v2, v0  }
0xcc: {  	s5 =	sadd.s32 $0x1480, s25;
	v5 =	vadd.f32 v5, v6;
	v2 =	vld [tilespmem:s3+$0xC700]  }
0xcd: {  	s28 =	sor.u32 s29, s5;
	v45 =	vld [tilespmem:s26+$0x7900];
	v0 =	vadd.f32 v7, v0  }
0xce: {  	v46 =	vld [tilespmem:s28+$0xC700];
	v4 =	vadd.f32 v4, v5  }
0xcf: {  	v47 =	vld [tilespmem:s26+$0x7980];
	v0 =	vadd.f32 v1, v0  }
0xd0: {  	s6 =	sadd.s32 $0x1580, s25;
	v4 =	vadd.f32 v8, v4;
	v1 =	vld [tilespmem:s8+$0xC700]  }
0xd1: {  	s20 =	sor.u32 s29, s6;
	v3 =	vld [tilespmem:s2+$0x7700];
	v0 =	vadd.f32 v2, v0  }
0xd2: {  	s23 =	sadd.s32 $0x1600, s25;
	v4 =	vadd.f32 v45, v4;
	v2 =	vld [tilespmem:s20+$0xC700]  }
0xd3: {  	s24 =	sadd.s32 $0x1680, s25;
	s1 =	sadd.s32 $0x2800, s25;
	s14 =	sor.u32 s29, s23;
	v48 =	vld [tilespmem:s4+$0x7700];
	v0 =	vadd.f32 v46, v0  }
0xd4: {  	[dreg:$0x15] =	wrdreg s1;
	s11 =	sor.u32 s29, s1;
	s1 =	sadd.s32 $0x3E00, s25;
	v49 =	vld [tilespmem:s14+$0xC700];
	v4 =	vadd.f32 v47, v4  }
0xd5: {  	s13 =	sor.u32 s29, s24;
	[dreg:$0x9] =	wrdreg s1;
	v50 =	vld [tilespmem:s3+$0x7700];
	v0 =	vadd.f32 v1, v0  }
0xd6: {  	s22 =	sor.u32 s29, s1;
	s1 =	sadd.s32 $0x3F80, s25;
	s3 =	sadd.s32 $0x1700, s25;
	v3 =	vadd.f32 v3, v4;
	v1 =	vld [tilespmem:s13+$0xC700]  }
0xd7: {  	[dreg:$0x6] =	wrdreg s1;
	v51 =	vld [tilespmem:s28+$0x7700];
	s2 =	sor.u32 s29, s1;
	s1 =	sor.u32 s29, s3;
	v0 =	vadd.f32 v2, v0  }
0xd8: {  	v3 =	vadd.f32 v48, v3;
	v2 =	vld [tilespmem:s1+$0xC700]  }
0xd9: {  	v52 =	vld [tilespmem:s8+$0x7700];
	v0 =	vadd.f32 v49, v0  }
0xda: {  	v53 =	vld [tilespmem:s12+$0xC700];
	v3 =	vadd.f32 v50, v3  }
0xdb: {  	v54 =	vld [tilespmem:s20+$0x7700];
	v0 =	vadd.f32 v1, v0  }
0xdc: {  	[dreg:$0x1b] =	wrdreg s5;
	s5 =	sadd.s32 $0x2880, s25;
	v3 =	vadd.f32 v51, v3;
	v1 =	vld [tilespmem:s11+$0xC700]  }
0xdd: {  	s10 =	sor.u32 s29, s5;
	v55 =	vld [tilespmem:s14+$0x7700];
	v0 =	vadd.f32 v2, v0  }
0xde: {  	[dreg:$0x19] =	wrdreg s6;
	s6 =	sadd.s32 $0x2900, s25;
	v3 =	vadd.f32 v52, v3;
	v2 =	vld [tilespmem:s10+$0xC700]  }
0xdf: {  	s9 =	sor.u32 s29, s6;
	v56 =	vld [tilespmem:s13+$0x7700];
	v0 =	vadd.f32 v53, v0  }
0xe0: {  	s7 =	sadd.s32 $0x2980, s25;
	v57 =	vld [tilespmem:s9+$0xC700];
	v3 =	vadd.f32 v54, v3  }
0xe1: {  	[dreg:$0x12] =	wrdreg s7;
	s7 =	sor.u32 s29, s7;
	v58 =	vld [tilespmem:s1+$0x7700];
	v0 =	vadd.f32 v1, v0  }
0xe2: {  	s15 =	sadd.s32 $0x2A00, s25;
	v3 =	vadd.f32 v55, v3;
	v1 =	vld [tilespmem:s7+$0xC700]  }
0xe3: {  	[dreg:$0x11] =	wrdreg s15;
	s15 =	sor.u32 s29, s15;
	v59 =	vld [tilespmem:s12+$0x7700];
	v0 =	vadd.f32 v2, v0  }
0xe4: {  	s16 =	sadd.s32 $0x2A80, s25;
	v3 =	vadd.f32 v56, v3;
	v2 =	vld [tilespmem:s15+$0xC700]  }
0xe5: {  	[dreg:$0x13] =	wrdreg s6;
	s6 =	sor.u32 s29, s16;
	v60 =	vld [tilespmem:s11+$0x7700];
	v0 =	vadd.f32 v57, v0  }
0xe6: {  	s17 =	sadd.s32 $0x2B00, s25;
	v61 =	vld [tilespmem:s6+$0xC700];
	v3 =	vadd.f32 v58, v3  }
0xe7: {  	s19 =	sor.u32 s29, s17;
	v62 =	vld [tilespmem:s10+$0x7700];
	v0 =	vadd.f32 v1, v0  }
0xe8: {  	[dreg:$0x1c] =	wrdreg s21;
	s21 =	sadd.s32 $0x2B80, s25;
	v3 =	vadd.f32 v59, v3;
	v1 =	vld [tilespmem:s19+$0xC700]  }
0xe9: {  	[dreg:$0x14] =	wrdreg s5;
	s5 =	sor.u32 s29, s21;
	v63 =	vld [tilespmem:s9+$0x7700];
	v0 =	vadd.f32 v2, v0  }
0xea: {  	[dreg:$0xd] =	wrdreg s17;
	s17 =	sadd.s32 $0x3C00, s25;
	v3 =	vadd.f32 v60, v3;
	v2 =	vld [tilespmem:s5+$0xC700]  }
0xeb: {  	[dreg:$0x10] =	wrdreg s16;
	s16 =	sor.u32 s29, s17;
	v9 =	vld [tilespmem:s7+$0x7700];
	v0 =	vadd.f32 v61, v0  }
0xec: {  	s18 =	sadd.s32 $0x3C80, s25;
	v10 =	vld [tilespmem:s16+$0xC700];
	v3 =	vadd.f32 v62, v3  }
0xed: {  	[dreg:$0xe] =	wrdreg s18;
	s18 =	sor.u32 s29, s18;
	v11 =	vld [tilespmem:s15+$0x7700];
	v0 =	vadd.f32 v1, v0  }
0xee: {  	[dreg:$0xf] =	wrdreg s21;
	s21 =	sadd.s32 $0x3D00, s25;
	v3 =	vadd.f32 v63, v3;
	v1 =	vld [tilespmem:s18+$0xC700]  }
0xef: {  	[dreg:$0x18] =	wrdreg s23;
	s23 =	sor.u32 s29, s21;
	v12 =	vld [tilespmem:s6+$0x7700];
	v0 =	vadd.f32 v2, v0  }
0xf0: {  	[dreg:$0x17] =	wrdreg s24;
	s24 =	sadd.s32 $0x3D80, s25;
	v3 =	vadd.f32 v9, v3;
	v2 =	vld [tilespmem:s23+$0xC700]  }
0xf1: {  	[dreg:$0xc] =	wrdreg s17;
	s17 =	sor.u32 s29, s24;
	v13 =	vld [tilespmem:s19+$0x7700];
	v0 =	vadd.f32 v10, v0  }
0xf2: {  	v14 =	vld [tilespmem:s17+$0xC700];
	v3 =	vadd.f32 v11, v3  }
0xf3: {  	v15 =	vld [tilespmem:s5+$0x7700];
	v0 =	vadd.f32 v1, v0  }
0xf4: {  	[dreg:$0xa] =	wrdreg s21;
	s21 =	sadd.s32 $0x3E80, s25;
	v3 =	vadd.f32 v12, v3;
	v1 =	vld [tilespmem:s22+$0xC700]  }
0xf5: {  	[dreg:$0x8] =	wrdreg s21;
	s21 =	sor.u32 s29, s21;
	v16 =	vld [tilespmem:s16+$0x7700];
	v0 =	vadd.f32 v2, v0  }
0xf6: {  	[dreg:$0xb] =	wrdreg s24;
	s24 =	sadd.s32 $0x3F00, s25;
	v3 =	vadd.f32 v13, v3;
	v2 =	vld [tilespmem:s21+$0xC700]  }
0xf7: {  	[dreg:$0x7] =	wrdreg s24;
	s24 =	sor.u32 s29, s24;
	v17 =	vld [tilespmem:s18+$0x7700];
	v0 =	vadd.f32 v14, v0  }
0xf8: {  	v18 =	vld [tilespmem:s24+$0xC700];
	v3 =	vadd.f32 v15, v3  }
0xf9: {  	v19 =	vld [tilespmem:s23+$0x7700];
	v0 =	vadd.f32 v1, v0  }
0xfa: {  	v3 =	vadd.f32 v16, v3;
	v1 =	vld [tilespmem:s2+$0xC700]  }
0xfb: {  	v20 =	vld [tilespmem:s17+$0x7700];
	v0 =	vadd.f32 v2, v0  }
0xfc: {  	v3 =	vadd.f32 v17, v3  }
0xfd: {  	v2 =	vld [tilespmem:s22+$0x7700];
	v0 =	vadd.f32 v18, v0  }
0xfe: {  	v3 =	vadd.f32 v19, v3  }
0xff: {  	v21 =	vld [tilespmem:s21+$0x7700];
	v0 =	vadd.f32 v1, v0  }
0x100: {  	v3 =	vadd.f32 v20, v3  }
0x101: {  	(erf) = vrcp.f32 v0  }
0x102: {  	v1 =	vld [tilespmem:s24+$0x7700];
	v2 =	vadd.f32 v2, v3;
	_ =	sdelay $0x1  }
0x103: {  	v0 =	vadd.f32 v21, v2;
	v2 =	vld [tilespmem:s2+$0x7700];
	_ =	sdelay $0x2  }
0x104: {  	v0 =	vadd.f32 v1, v0;
	_ =	sdelay $0x1  }
0x105: {  	v0 =	vadd.f32 v2, v0  }
0x106: {  	v1 =	vpop (erf)  }
0x107: {  	v0 =	vmul.f32 v1, v0  }
0x108: {  	s29 =	sor.u32 $0x10, s29  }
0x109: {  	s2 =	sor.u32 s25, s29;
	[tilespmem:s26+$0x7700] =	vst v0  }
0x10a: {  	v0 =	vld [tilespmem:s2+$0xC700]  }
0x10b: {  	v1 =	vld [tilespmem:s2+$0xC780];
	_ =	sdelay $0x1  }
0x10c: {  	v2 =	vld [tilespmem:s2+$0xC800];
	_ =	sdelay $0x1  }
0x10d: {  	v22 =	vld [tilespmem:s2+$0xC880]  }
0x10e: {  	v3 =	vld [tilespmem:s2+$0x7780];
	v0 =	vadd.f32 v1, v0  }
0x10f: {  	v1 =	vld [tilespmem:s2+$0xC900]  }
0x110: {  	s30 =	sadd.s32 $0x10, s30;
	v24 =	vld [tilespmem:s2+$0x7700];
	v0 =	vadd.f32 v2, v0  }
0x111: {  	s23 =	sor.u32 $0x300, s30;
	v2 =	vld [tilespmem:s2+$0xC980]  }
0x112: {  	v23 =	vld [tilespmem:s23+$0xC700];
	v0 =	vadd.f32 v22, v0  }
0x113: {  	s24 =	sor.u32 $0x380, s30;
	v26 =	vld [tilespmem:s2+$0x7800]  }
0x114: {  	v25 =	vld [tilespmem:s24+$0xC700];
	v0 =	vadd.f32 v1, v0  }
0x115: {  	s25 =	rddreg [dreg:$0x1c];
	v27 =	vld [tilespmem:s2+$0x7880]  }
0x116: {  	s6 =	sor.u32 s29, s25;
	v28 =	vld [tilespmem:s2+$0x7900];
	v0 =	vadd.f32 v2, v0;
	v2 =	vadd.f32 v3, v24  }
0x117: {  	s26 =	rddreg [dreg:$0x1b];
	v1 =	vld [tilespmem:s6+$0xC700]  }
0x118: {  	s28 =	rddreg [dreg:$0x1a];
	s7 =	sor.u32 s29, s26;
	v30 =	vld [tilespmem:s2+$0x7980];
	v0 =	vadd.f32 v23, v0;
	v2 =	vadd.f32 v26, v2  }
0x119: {  	s8 =	sor.u32 s29, s28;
	v3 =	vld [tilespmem:s7+$0xC700]  }
0x11a: {  	s30 =	rddreg [dreg:$0x19];
	v29 =	vld [tilespmem:s8+$0xC700];
	v0 =	vadd.f32 v25, v0;
	v2 =	vadd.f32 v27, v2  }
0x11b: {  	s9 =	sor.u32 s29, s30;
	v32 =	vld [tilespmem:s23+$0x7700]  }
0x11c: {  	v31 =	vld [tilespmem:s9+$0xC700];
	v0 =	vadd.f32 v1, v0;
	v1 =	vadd.f32 v28, v2  }
0x11d: {  	s1 =	rddreg [dreg:$0x18];
	v33 =	vld [tilespmem:s24+$0x7700]  }
0x11e: {  	s4 =	sor.u32 s29, s1;
	v34 =	vld [tilespmem:s6+$0x7700];
	v0 =	vadd.f32 v3, v0;
	v1 =	vadd.f32 v30, v1  }
0x11f: {  	s10 =	rddreg [dreg:$0x17];
	v2 =	vld [tilespmem:s4+$0xC700]  }
0x120: {  	s5 =	sor.u32 s29, s10;
	v36 =	vld [tilespmem:s7+$0x7700];
	v0 =	vadd.f32 v29, v0;
	v1 =	vadd.f32 v32, v1  }
0x121: {  	s3 =	sor.u32 s29, s3;
	v3 =	vld [tilespmem:s5+$0xC700]  }
0x122: {  	v35 =	vld [tilespmem:s3+$0xC700];
	v0 =	vadd.f32 v31, v0;
	v1 =	vadd.f32 v33, v1  }
0x123: {  	s11 =	rddreg [dreg:$0x16];
	v38 =	vld [tilespmem:s8+$0x7700]  }
0x124: {  	v39 =	vld [tilespmem:s9+$0x7700];
	s6 =	sor.u32 s29, s11;
	v0 =	vadd.f32 v2, v0;
	v1 =	vadd.f32 v34, v1  }
0x125: {  	s12 =	rddreg [dreg:$0x15];
	v37 =	vld [tilespmem:s6+$0xC700]  }
0x126: {  	v40 =	vld [tilespmem:s4+$0x7700];
	s7 =	sor.u32 s29, s12;
	v0 =	vadd.f32 v3, v0;
	v1 =	vadd.f32 v36, v1  }
0x127: {  	s13 =	rddreg [dreg:$0x14];
	v2 =	vld [tilespmem:s7+$0xC700]  }
0x128: {  	s8 =	sor.u32 s29, s13;
	v42 =	vld [tilespmem:s5+$0x7700];
	v0 =	vadd.f32 v35, v0;
	v1 =	vadd.f32 v38, v1  }
0x129: {  	s14 =	rddreg [dreg:$0x13];
	v3 =	vld [tilespmem:s8+$0xC700]  }
0x12a: {  	v44 =	vld [tilespmem:s3+$0x7700];
	s4 =	sor.u32 s29, s14;
	v0 =	vadd.f32 v37, v0;
	v1 =	vadd.f32 v39, v1  }
0x12b: {  	s15 =	rddreg [dreg:$0x12];
	v41 =	vld [tilespmem:s4+$0xC700]  }
0x12c: {  	v45 =	vld [tilespmem:s6+$0x7700];
	s5 =	sor.u32 s29, s15;
	v0 =	vadd.f32 v2, v0;
	v1 =	vadd.f32 v40, v1  }
0x12d: {  	s16 =	rddreg [dreg:$0x11];
	v43 =	vld [tilespmem:s5+$0xC700]  }
0x12e: {  	s3 =	sor.u32 s29, s16;
	v46 =	vld [tilespmem:s7+$0x7700];
	v0 =	vadd.f32 v3, v0;
	v1 =	vadd.f32 v42, v1  }
0x12f: {  	s17 =	rddreg [dreg:$0x10];
	v2 =	vld [tilespmem:s3+$0xC700]  }
0x130: {  	v48 =	vld [tilespmem:s8+$0x7700];
	s6 =	sor.u32 s29, s17;
	v0 =	vadd.f32 v41, v0;
	v1 =	vadd.f32 v44, v1  }
0x131: {  	s18 =	rddreg [dreg:$0xd];
	v3 =	vld [tilespmem:s6+$0xC700]  }
0x132: {  	v50 =	vld [tilespmem:s4+$0x7700];
	s7 =	sor.u32 s29, s18;
	v0 =	vadd.f32 v43, v0;
	v1 =	vadd.f32 v45, v1  }
0x133: {  	s19 =	rddreg [dreg:$0xf];
	v47 =	vld [tilespmem:s7+$0xC700]  }
0x134: {  	v51 =	vld [tilespmem:s5+$0x7700];
	s8 =	sor.u32 s29, s19;
	v0 =	vadd.f32 v2, v0;
	v1 =	vadd.f32 v46, v1  }
0x135: {  	s20 =	rddreg [dreg:$0xc];
	v49 =	vld [tilespmem:s8+$0xC700]  }
0x136: {  	v52 =	vld [tilespmem:s3+$0x7700];
	s4 =	sor.u32 s29, s20;
	v0 =	vadd.f32 v3, v0;
	v1 =	vadd.f32 v48, v1  }
0x137: {  	s21 =	rddreg [dreg:$0xe];
	v2 =	vld [tilespmem:s4+$0xC700]  }
0x138: {  	v54 =	vld [tilespmem:s6+$0x7700];
	s5 =	sor.u32 s29, s21;
	v0 =	vadd.f32 v47, v0;
	v1 =	vadd.f32 v50, v1  }
0x139: {  	s22 =	rddreg [dreg:$0xa];
	v3 =	vld [tilespmem:s5+$0xC700]  }
0x13a: {  	v56 =	vld [tilespmem:s7+$0x7700];
	s3 =	sor.u32 s29, s22;
	v0 =	vadd.f32 v49, v0;
	v1 =	vadd.f32 v51, v1  }
0x13b: {  	s23 =	rddreg [dreg:$0xb];
	v53 =	vld [tilespmem:s3+$0xC700]  }
0x13c: {  	v57 =	vld [tilespmem:s8+$0x7700];
	s6 =	sor.u32 s29, s23;
	v0 =	vadd.f32 v2, v0;
	v1 =	vadd.f32 v52, v1  }
0x13d: {  	s24 =	rddreg [dreg:$0x9];
	v55 =	vld [tilespmem:s6+$0xC700]  }
0x13e: {  	v58 =	vld [tilespmem:s4+$0x7700];
	s7 =	sor.u32 s29, s24;
	v0 =	vadd.f32 v3, v0;
	v1 =	vadd.f32 v54, v1  }
0x13f: {  	s25 =	rddreg [dreg:$0x8];
	v2 =	vld [tilespmem:s7+$0xC700]  }
0x140: {  	v60 =	vld [tilespmem:s5+$0x7700];
	s8 =	sor.u32 s29, s25;
	v0 =	vadd.f32 v53, v0;
	v1 =	vadd.f32 v56, v1  }
0x141: {  	s26 =	rddreg [dreg:$0x7];
	v3 =	vld [tilespmem:s8+$0xC700]  }
0x142: {  	s28 =	rddreg [dreg:$0x6];
	v62 =	vld [tilespmem:s3+$0x7700];
	s4 =	sor.u32 s29, s26;
	v0 =	vadd.f32 v55, v0;
	v1 =	vadd.f32 v57, v1  }
0x143: {  	v59 =	vld [tilespmem:s4+$0xC700];
	s5 =	sor.u32 s29, s28  }
0x144: {  	v61 =	vld [tilespmem:s5+$0xC700];
	v0 =	vadd.f32 v2, v0;
	v1 =	vadd.f32 v58, v1  }
0x145: {  	v2 =	vld [tilespmem:s6+$0x7700]  }
0x146: {  	v0 =	vadd.f32 v3, v0;
	v1 =	vadd.f32 v60, v1  }
0x147: {  	v3 =	vld [tilespmem:s7+$0x7700]  }
0x148: {  	v0 =	vadd.f32 v59, v0;
	v1 =	vadd.f32 v62, v1  }
0x149: {  	v63 =	vld [tilespmem:s8+$0x7700]  }
0x14a: {  	v0 =	vadd.f32 v61, v0;
	v1 =	vadd.f32 v2, v1  }
0x14b: {  	v2 =	vld [tilespmem:s4+$0x7700]  }
0x14c: {  	(erf) = vrcp.f32 v0;
	v0 =	vadd.f32 v3, v1  }
0x14d: {  	v1 =	vld [tilespmem:s5+$0x7700]  }
.Ltmp0:
0x14e: {  	v0 =	vadd.f32 v63, v0;
	(pc) =	sbr.rel @p0 .LBB2_2-.Ltmp0, $4  }
0x14f: {  	_ = 	snop  }
0x150: {  	v0 =	vadd.f32 v2, v0  }
0x151: {  	s30 =	rddreg [dreg:$0x5]  }
0x152: {  	s3 =	rddreg [dreg:$0x4];
	s4 =	sadd.s32 $0x20, s30;
	v0 =	vadd.f32 v1, v0  }
0x153: {  	_ =	sdelay $0x1  }
0x154: {  	v1 =	vpop (erf)  }
0x155: {  	s0 =	sld [smem:$0x7FC];
	v0 =	vmul.f32 v1, v0;
	_ =	sdelay $0x1  }
0x156: {  	s3 =	simm.s32 $0x7700;
	s22 =	sld [smem:$0x7F9];
	[tilespmem:s2+$0x7700] =	vst v0  }
0x157: {  	[spmem:s0] =	stream.linear.scatter [tilespmem:s3], [sflag:$0x3], $0x80, $0x38;
	[tilespmem:$0x11980] =	vst v63  }
0x158: {  	s1 =	simm.s32 $0x7B00;
	s23 =	sld [smem:$0x7FA]  }
0x159: {  	[spmem:s22] =	stream.linear.scatter [tilespmem:s1], [sflag:$0x3], $0x80, $0x38;
	[tilespmem:$0x11980] =	vst v63  }
0x15a: {  	s24 =	simm.s32 $0x7F00;
	s25 =	sld [smem:$0x7FB]  }
0x15b: {  	[spmem:s23] =	stream.linear.scatter [tilespmem:s24], [sflag:$0x3], $0x80, $0x38;
	[tilespmem:$0x11980] =	vst v63  }
0x15c: {  	s26 =	simm.s32 $0x8300;
	s28 =	sld [smem:$0x7FD]  }
0x15d: {  	[spmem:s25] =	stream.linear.scatter [tilespmem:s26], [sflag:$0x3], $0x80, $0x38;
	[tilespmem:$0x11980] =	vst v63  }
0x15e: {  	s29 =	simm.s32 $0x8700;
	s4 =	simm.s32 $0x3  }
0x15f: {  	[spmem:s28] =	stream.linear.scatter [tilespmem:s29], [sflag:$0x3], $0x80, $0x38;
	[tilespmem:$0x11980] =	vst v63  }
0x160: {  	_ =	swait.ge [sflag:s4], $0x280  }
0x161: {  	[sflag:s4] =	ssyncset.done $0x0  }
0x162: {  	[sflag:s4] =	ssyncadd.s32 $0xFFFFFD80  }
0x163: {  	[bflag:$0x0] =	sbarrier.arrive $0xFFFF  }
0x164: {  	s5 =	simm.s32 $0x4F00;
	s30 =	rddreg [dreg:$0x2]  }
0x165: {  	[tilespmem:s5], [sflag:$0x3] =	stream.linear.gather [spmem:s30], $0x2800, $0x38;
	[tilespmem:$0x11980] =	vst v63  }
0x166: {  	_ =	swait.ge [sflag:s4], $0x2800  }
0x167: {  	[sflag:s4] =	ssyncset.done $0x0  }
0x168: {  	s31 =	simm.s32 $0x1;
	[sflag:s4] =	ssyncadd.s32 $0xFFFFD800  }
0x169: {  	_ =	swait.ge [sflag:s31], $0x2710  }
0x16a: {  	[sflag:s31] =	ssyncset.done $0x0  }
0x16b: {  	[sflag:s31] =	ssyncadd.s32 $0xFFFFD8F0  }
0x16c: {  	_ =	swait.ge [sflag:s31], $0x2710  }
0x16d: {  	s2 =	simm.s32 $0x20;
	[sflag:s31] =	ssyncset.done $0x0  }
0x16e: {  	s0 =	simm.s32 $0xFFFFFFFC;
	s1 =	simm.s32 $0x27A0;
	[sflag:s31] =	ssyncadd.s32 $0xFFFFD8F0  }
.LBB2_4:
0x16f: {  	v0 =	vld [tilespmem:s2+$0xFFFFFFE0];
	_ =	sdelay $0x6  }
0x170: {  	v1 =	vld [tilespmem:s1+$0xFFFFFFE0]  }
0x171: {  	v0 =	vld.idx.msk [tilespmem:v0+s5+$0x0], $0xffff;
	_ =	sdelay $0x4  }
0x172: {  	v0 =	vsub.f32 v1, v0;
	_ =	sdelay $0x1  }
0x173: {  	[tilespmem:s1+$0xFFFFFFE0] =	vst v0  }
0x174: {  	v0 =	vld [tilespmem:s2+$0xFFFFFFF0];
	_ =	sdelay $0x6  }
0x175: {  	v61 =	vld [tilespmem:s1+$0xFFFFFFF0]  }
0x176: {  	v0 =	vld.idx.msk [tilespmem:v0+s5+$0x0], $0xffff;
	_ =	sdelay $0x4  }
0x177: {  	v0 =	vsub.f32 v61, v0;
	_ =	sdelay $0x1  }
0x178: {  	[tilespmem:s1+$0xFFFFFFF0] =	vst v0  }
0x179: {  	v0 =	vld [tilespmem:s2+$0x0];
	_ =	sdelay $0x6  }
0x17a: {  	v62 =	vld [tilespmem:s1+$0x0]  }
0x17b: {  	v0 =	vld.idx.msk [tilespmem:v0+s5+$0x0], $0xffff;
	_ =	sdelay $0x4  }
0x17c: {  	v0 =	vsub.f32 v62, v0;
	_ =	sdelay $0x1  }
0x17d: {  	[tilespmem:s1+$0x0] =	vst v0  }
0x17e: {  	v0 =	vld [tilespmem:s2+$0x10];
	_ =	sdelay $0x6  }
0x17f: {  	v63 =	vld [tilespmem:s1+$0x10]  }
0x180: {  	v0 =	vld.idx.msk [tilespmem:v0+s5+$0x0], $0xffff  }
0x181: {  	s0 =	sadd.s32 $0x4, s0  }
0x182: {  	p0 =	slt.u32 s0, $0x26C  }
.Ltmp1:
0x183: {  	_ = 	snop;
	(pc) =	sbr.rel @p0 .LBB2_4-.Ltmp1, $3  }
0x184: {  	_ = 	snop  }
0x185: {  	v0 =	vsub.f32 v63, v0;
	_ =	sdelay $0x1  }
0x186: {  	s2 =	sadd.s32 $0x40, s2;
	[tilespmem:s1+$0x10] =	vst v0;
	s1 =	sadd.s32 $0x40, s1  }
0x187: {  	v0 =	vld [tilespmem:$0x2700];
	_ =	sdelay $0x6  }
0x188: {  	v1 =	vld [tilespmem:$0x4E80]  }
0x189: {  	v0 =	vld.idx.msk [tilespmem:v0+s5+$0x0], $0xffff;
	_ =	sdelay $0x4  }
0x18a: {  	s0 =	sld [smem:$0x7F7];
	v0 =	vsub.f32 v1, v0;
	_ =	sdelay $0x1  }
0x18b: {  	s8 =	simm.s32 $0x0;
	s1 =	simm.s32 $0x2780;
	[tilespmem:$0x4E80] =	vst v0  }
0x18c: {  	[hbm4b:s0+s8] =	stream.linear.scatter [tilespmem:s1], [sflag:$0x3], $0x2710, $0x38;
	[tilespmem:$0x11980] =	vst v63  }
0x18d: {  	_ =	swait.ge [sflag:s4], $0x2710  }
0x18e: {  	s2 =	sld [smem:$0x7F3]  }
0x18f: {  	s31 =	sld [smem:$0x7F8];
	_ =	sdelay $0x1  }
0x190: {  	s2 =	sadd.s32 $0x1, s2  }
0x191: {  	p0 =	sne.s32 s2, s31  }
.Ltmp2:
0x192: {  	_ = 	snop;
	(pc) =	sbr.rel @p0 .LBB2_1-.Ltmp2, $3  }
0x193: {  	_ =	sdelay $0x1  }
0x194: {  	[sflag:s4] =	ssyncset.done $0x0  }
0x195: {  	[sflag:s4] =	ssyncadd.s32 $0xFFFFD8F0  }
0x196: {  	_ =	sfence.sel $0x180000  }
0x197: {  	[bflag:$0x0] =	sbarrier.arrive $0xFFFF  }
0x198: {  	_ =	strace $0x9000004A  }
0x199: {  	s0 =	stileid.u32;
	[bflag:$0x2] =	sbarrier.arrive $0xFFFF  }
0x19a: {  	p0 =	sne.s32 s0, $0x0;
	s0 =	rddreg [dreg:$0x3]  }
0x19b: {  	s0 =	sadd.s32 @!p0 $0x100000, s0  }
0x19c: {  	[sflag:s0] =	ssyncadd.tile.s32 @!p0 $0x1;
	_ =	shalt  }
.Lfunc_end2:
_tile_overlayer_lowered:
.L_overlay_start_2:
0x19d: {  	(tag) =	ssettag $0x2  }
0x19e: {  	s0 =	rddreg [dreg:$0x0];
	s2 =	stileid.u32  }
0x19f: {  	s1 =	rddreg [dreg:$0x1];
	p0 =	sne.s32 s2, $0x0  }
0x1a0: {  	s3 =	rddreg [dreg:$0x2];
	[bflag:$0x3] =	sbarrier.arrive $0xFFFF;
	s2 =	simm.s32 @!p0 $0x1C03  }
0x1a1: {  	[timem:s3], [sflag:s2] =	dma.local @!p0 [hbm:s0], s1  }
0x1a2: {  	s0 =	simm.s32 @!p0 $0x3  }
0x1a3: {  	_ =	swait.ge @!p0 [sflag:s0], s1  }
0x1a4: {  	s1 =	ssub.s32 @!p0 $0x0, s1;
	[sflag:s0] =	ssyncset.done @!p0 $0x0  }
0x1a5: {  	[sflag:s0] =	ssyncadd.s32 @!p0 s1  }
0x1a6: {  	[bflag:$0x3] =	sbarrier.arrive $0xFFFF  }
0x1a7: {  	_ =	shalt  }

</sc_bundles>
